<compile_context>
chip_gen: v7x
topology: tpu7x:2x2x1
jax: 0.10.2.dev20260603
libtpu: 0.0.44.dev20260713+nightly
codegen_flags: <defaults>
</compile_context>

<pallas_src>
import functools
import jax
import jax.numpy as jnp
from jax import lax
from jax.experimental import pallas as pl
from jax.experimental.pallas import tpu as pltpu
from jax.experimental.pallas import tpu_sc as plsc

BM = 512
BMC = 2048
CP = 16


def _knn_idx_kernel(pT_ref, q_ref, gidx_ref, wspl_ref, *, n_src, jb):
    i = pl.program_id(0)
    b = i // jb

    q_blk = q_ref[0]
    pT = pT_ref[0]

    d0 = q_blk[:, 0:1] - pT[0:1, :]
    d1 = q_blk[:, 1:2] - pT[1:2, :]
    d2 = q_blk[:, 2:3] - pT[2:3, :]
    d = d0 * d0 + d1 * d1 + d2 * d2

    inf = jnp.float32(jnp.inf)
    big = jnp.int32(n_src)
    iota = lax.broadcasted_iota(jnp.int32, (BM, n_src), 1)

    t1 = jnp.min(d, axis=1, keepdims=True)
    e1 = d == t1
    dm1 = jnp.where(e1, inf, d)
    t2 = jnp.min(dm1, axis=1, keepdims=True)
    e2 = dm1 == t2
    dm2 = jnp.where(e2, inf, dm1)
    t3 = jnp.min(dm2, axis=1, keepdims=True)
    e3 = dm1 == t3

    i1 = jnp.min(jnp.where(e1, iota, big), axis=1, keepdims=True)
    i2 = jnp.min(jnp.where(e2, iota, big), axis=1, keepdims=True)
    i3 = jnp.min(jnp.where(e3, iota, big), axis=1, keepdims=True)

    w1 = 1.0 / jnp.maximum(t1, 1e-10)
    w2 = 1.0 / jnp.maximum(t2, 1e-10)
    w3 = 1.0 / jnp.maximum(t3, 1e-10)
    wsum = w1 + w2 + w3
    wn1 = w1 / wsum
    wn2 = w2 / wsum
    wn3 = w3 / wsum

    off = jnp.int32(n_src) * b
    gidx_ref[0] = jnp.concatenate([i1, i2, i3], axis=1) + off
    ones = jnp.ones((1, 16), jnp.float32)
    wspl_ref[0] = jnp.concatenate(
        [wn1 * ones, wn2 * ones, wn3 * ones], axis=1)


def _sc_interp_kernel(xT_hbm, gidx_hbm, wspl_hbm, xi_hbm,
                      idx_v, rows_v, w_v, out_v, sem, *, npts_w, cx):
    wid = lax.axis_index("s") * 2 + lax.axis_index("c")
    base = wid * npts_w
    nchunks = npts_w // CP

    def chunk(c, carry):
        base_pt = base + c * CP
        pltpu.sync_copy(gidx_hbm.at[pl.ds(base_pt * 3, 3 * CP)], idx_v)
        pltpu.async_copy(xT_hbm.at[idx_v], rows_v, sem).wait()
        pltpu.sync_copy(wspl_hbm.at[pl.ds(base_pt * 3, 3 * CP)], w_v)

        def point(t, carry2):
            for v in range(cx // 16):
                sl = pl.ds(v * 16, 16)
                acc = (rows_v[3 * t, sl] * w_v[3 * t]
                       + rows_v[3 * t + 1, sl] * w_v[3 * t + 1]
                       + rows_v[3 * t + 2, sl] * w_v[3 * t + 2])
                out_v[t, sl] = acc
            return carry2

        lax.fori_loop(0, CP, point, 0)
        pltpu.sync_copy(out_v, xi_hbm.at[pl.ds(base_pt, CP)])
        return carry

    lax.fori_loop(0, nchunks, chunk, 0)


def _l1_kernel(xi_ref, y_ref, Wx_ref, Wy_ref, b1_ref,
               h1_ref, s1_ref, ss1_ref):
    b = pl.program_id(0)
    j = pl.program_id(1)
    h1 = (lax.dot_general(Wx_ref[...], xi_ref[0].astype(jnp.bfloat16),
                          dimension_numbers=(((1,), (1,)), ((), ())),
                          preferred_element_type=jnp.float32)
          + lax.dot_general(Wy_ref[...], y_ref[0].astype(jnp.bfloat16),
                            dimension_numbers=(((1,), (0,)), ((), ())),
                            preferred_element_type=jnp.float32)
          + b1_ref[...])
    h1_ref[0] = h1.astype(jnp.bfloat16)

    @pl.when(jnp.logical_and(b == 0, j == 0))
    def _():
        s1_ref[...] = jnp.zeros_like(s1_ref)
        ss1_ref[...] = jnp.zeros_like(ss1_ref)

    s1_ref[...] += jnp.sum(h1, axis=1, keepdims=True)
    ss1_ref[...] += jnp.sum(h1 * h1, axis=1, keepdims=True)


def _bn_l2_kernel(h1_ref, s1_ref, ss1_ref, g1_ref, be1_ref, W2_ref, b2_ref,
                  h2_ref, s2_ref, ss2_ref, *, count):
    b = pl.program_id(0)
    j = pl.program_id(1)

    mean = s1_ref[...] / count
    var = ss1_ref[...] / count - mean * mean
    rstd = lax.rsqrt(var + 1e-5)
    scale = g1_ref[...] * rstd
    shift = be1_ref[...] - mean * scale

    h1f = h1_ref[0].astype(jnp.float32)
    h1 = jnp.maximum(h1f * scale + shift, 0.0)
    h2 = (lax.dot_general(W2_ref[...], h1.astype(jnp.bfloat16),
                          dimension_numbers=(((1,), (0,)), ((), ())),
                          preferred_element_type=jnp.float32)
          + b2_ref[...])
    h2_ref[0] = h2.astype(jnp.bfloat16)

    @pl.when(jnp.logical_and(b == 0, j == 0))
    def _():
        s2_ref[...] = jnp.zeros_like(s2_ref)
        ss2_ref[...] = jnp.zeros_like(ss2_ref)

    s2_ref[...] += jnp.sum(h2, axis=1, keepdims=True)
    ss2_ref[...] += jnp.sum(h2 * h2, axis=1, keepdims=True)


def _bn_out_kernel(h2_ref, s2_ref, ss2_ref, g2_ref, be2_ref, out_ref, *,
                   count):
    mean = s2_ref[...] / count
    var = ss2_ref[...] / count - mean * mean
    rstd = lax.rsqrt(var + 1e-5)
    scale = g2_ref[...] * rstd
    shift = be2_ref[...] - mean * scale
    h2f = h2_ref[0].astype(jnp.float32)
    out_ref[0] = jnp.maximum(h2f * scale + shift, 0.0)


def kernel(p, q, x, y, W1, b1, g1, be1, W2, b2, g2, be2):
    B, N, _ = p.shape
    M = q.shape[1]
    Cx = x.shape[1]
    Cy = y.shape[1]
    C1 = W1.shape[0]
    C2 = W2.shape[0]
    count = float(B * M)
    jb = M // BM
    grid_a = (B * jb,)

    pT = jnp.swapaxes(p, 1, 2)
    xT = jnp.reshape(jnp.transpose(x, (0, 2, 1)), (B * N, Cx))
    Wx = W1[:, :Cx].astype(jnp.bfloat16)
    Wy = W1[:, Cx:].astype(jnp.bfloat16)
    W2_bf = W2.astype(jnp.bfloat16)
    col = lambda v: v.reshape(-1, 1)

    gidx, wspl = pl.pallas_call(
        functools.partial(_knn_idx_kernel, n_src=N, jb=jb),
        grid=grid_a,
        in_specs=[
            pl.BlockSpec((1, 3, N), lambda i: (i // (M // BM), 0, 0)),
            pl.BlockSpec((1, BM, 3), lambda i: (i // (M // BM),
                                                i % (M // BM), 0)),
        ],
        out_specs=[
            pl.BlockSpec((1, BM, 3), lambda i: (i // (M // BM),
                                                i % (M // BM), 0)),
            pl.BlockSpec((1, BM, 48), lambda i: (i // (M // BM),
                                                 i % (M // BM), 0)),
        ],
        out_shape=[
            jax.ShapeDtypeStruct((B, M, 3), jnp.int32),
            jax.ShapeDtypeStruct((B, M, 48), jnp.float32),
        ],
    )(pT, q)

    NW = 32
    npts_w = (B * M) // NW
    mesh = plsc.VectorSubcoreMesh(core_axis_name="c", subcore_axis_name="s")
    xi = pl.kernel(
        functools.partial(_sc_interp_kernel, npts_w=npts_w, cx=Cx),
        mesh=mesh,
        out_type=jax.ShapeDtypeStruct((B * M, Cx), jnp.float32),
        scratch_types=[
            pltpu.VMEM((3 * CP,), jnp.int32),
            pltpu.VMEM((3 * CP, Cx), jnp.float32),
            pltpu.VMEM((3 * CP, 16), jnp.float32),
            pltpu.VMEM((CP, Cx), jnp.float32),
            pltpu.SemaphoreType.DMA,
        ],
    )(xT, jnp.reshape(gidx, (B * M * 3,)),
      jnp.reshape(wspl, (B * M * 3, 16)))
    xi = jnp.reshape(xi, (B, M, Cx))

    grid_l1 = (B, M // BM)
    h1_pre, s1, ss1 = pl.pallas_call(
        _l1_kernel,
        grid=grid_l1,
        in_specs=[
            pl.BlockSpec((1, BM, Cx), lambda b, j: (b, j, 0)),
            pl.BlockSpec((1, Cy, BM), lambda b, j: (b, 0, j)),
            pl.BlockSpec((C1, Cx), lambda b, j: (0, 0)),
            pl.BlockSpec((C1, Cy), lambda b, j: (0, 0)),
            pl.BlockSpec((C1, 1), lambda b, j: (0, 0)),
        ],
        out_specs=[
            pl.BlockSpec((1, C1, BM), lambda b, j: (b, 0, j)),
            pl.BlockSpec((C1, 1), lambda b, j: (0, 0)),
            pl.BlockSpec((C1, 1), lambda b, j: (0, 0)),
        ],
        out_shape=[
            jax.ShapeDtypeStruct((B, C1, M), jnp.bfloat16),
            jax.ShapeDtypeStruct((C1, 1), jnp.float32),
            jax.ShapeDtypeStruct((C1, 1), jnp.float32),
        ],
    )(xi, y, Wx, Wy, col(b1))

    grid_bc = (B, M // BMC)
    h2_pre, s2, ss2 = pl.pallas_call(
        functools.partial(_bn_l2_kernel, count=count),
        grid=grid_bc,
        in_specs=[
            pl.BlockSpec((1, C1, BMC), lambda b, j: (b, 0, j)),
            pl.BlockSpec((C1, 1), lambda b, j: (0, 0)),
            pl.BlockSpec((C1, 1), lambda b, j: (0, 0)),
            pl.BlockSpec((C1, 1), lambda b, j: (0, 0)),
            pl.BlockSpec((C1, 1), lambda b, j: (0, 0)),
            pl.BlockSpec((C2, C1), lambda b, j: (0, 0)),
            pl.BlockSpec((C2, 1), lambda b, j: (0, 0)),
        ],
        out_specs=[
            pl.BlockSpec((1, C2, BMC), lambda b, j: (b, 0, j)),
            pl.BlockSpec((C2, 1), lambda b, j: (0, 0)),
            pl.BlockSpec((C2, 1), lambda b, j: (0, 0)),
        ],
        out_shape=[
            jax.ShapeDtypeStruct((B, C2, M), jnp.bfloat16),
            jax.ShapeDtypeStruct((C2, 1), jnp.float32),
            jax.ShapeDtypeStruct((C2, 1), jnp.float32),
        ],
    )(h1_pre, s1, ss1, col(g1), col(be1), W2_bf, col(b2))

    h = pl.pallas_call(
        functools.partial(_bn_out_kernel, count=count),
        grid=grid_bc,
        in_specs=[
            pl.BlockSpec((1, C2, BMC), lambda b, j: (b, 0, j)),
            pl.BlockSpec((C2, 1), lambda b, j: (0, 0)),
            pl.BlockSpec((C2, 1), lambda b, j: (0, 0)),
            pl.BlockSpec((C2, 1), lambda b, j: (0, 0)),
            pl.BlockSpec((C2, 1), lambda b, j: (0, 0)),
        ],
        out_specs=pl.BlockSpec((1, C2, BMC), lambda b, j: (b, 0, j)),
        out_shape=jax.ShapeDtypeStruct((B, C2, M), jnp.float32),
    )(h2_pre, s2, ss2, col(g2), col(be2))

    return (q, h)

# --- scband reference (transcript-rebuilt; emitter-appended) ---
"""Pipeline reference for scband-feature-propagation-7765300871440 (READ-ONLY COPY).

The authoritative reference and input builder live on the scoring server;
editing this copy changes nothing except your own understanding.
"""

import jax, jax.numpy as jnp
import numpy as np

K = 3

def setup_inputs(seed: int = 0) -> dict:
    key = jax.random.key(seed)
    ks = jax.random.split(key, 8)
    B, N, M = 16, 1024, 4096
    Cx, Cy = 512, 256
    Cin = Cx + Cy
    C1, C2 = 512, 512
    return {
        "p": jax.random.normal(ks[0], (B, N, 3), jnp.float32),
        "q": jax.random.normal(ks[1], (B, M, 3), jnp.float32),
        "x": jax.random.normal(ks[2], (B, Cx, N), jnp.float32),
        "y": jax.random.normal(ks[3], (B, Cy, M), jnp.float32),
        "W1": jax.random.normal(ks[4], (C1, Cin), jnp.float32) * 0.05,
        "b1": jnp.zeros((C1,), jnp.float32),
        "g1": jnp.ones((C1,), jnp.float32),
        "be1": jnp.zeros((C1,), jnp.float32),
        "W2": jax.random.normal(ks[5], (C2, C1), jnp.float32) * 0.05,
        "b2": jnp.zeros((C2,), jnp.float32),
        "g2": jnp.ones((C2,), jnp.float32),
        "be2": jnp.zeros((C2,), jnp.float32),
    }

def _bn_relu(h, g, b):
    mean = jnp.mean(h, axis=(0, 2), keepdims=True)
    var = jnp.var(h, axis=(0, 2), keepdims=True)
    h = g[None, :, None] * (h - mean) / jnp.sqrt(var + 1e-5) + b[None, :, None]
    return jnp.maximum(h, 0.0)

def reference(p, q, x, y, W1, b1, g1, be1, W2, b2, g2, be2):
    # knn: for each target point in q, find K nearest source points in p
    d = jnp.sum((q[:, :, None, :] - p[:, None, :, :]) ** 2, axis=-1)  # [B, M, N]
    neg_d, index = jax.lax.top_k(-d, K)  # index: [B, M, K] into N
    sqdist = jnp.maximum(-neg_d, 1e-10)
    weight = 1.0 / sqdist
    weight = weight / jnp.sum(weight, axis=-1, keepdims=True)  # [B, M, K]
    # interpolate: gather source features at knn indices and weighted-sum
    gathered = jax.vmap(lambda xb, ib: xb[:, ib])(x, index)  # [B, C, M, K]
    xi = jnp.sum(gathered * weight[:, None, :, :], axis=-1)  # [B, C, M]
    h = jnp.concatenate([xi, y], axis=1)  # [B, Cin, M]
    h = _bn_relu(jnp.einsum('oc,bcm->bom', W1, h) + b1[None, :, None], g1, be1)
    h = _bn_relu(jnp.einsum('oc,bcm->bom', W2, h) + b2[None, :, None], g2, be2)
    return (q, h)

if __name__ == "__main__":
    import jax
    _d = setup_inputs()
    print(jax.jit(kernel)(*tuple(_d.values())))

</pallas_src>

<mosaic_0001>
#map = affine_map<(d0, d1) -> (0, 0)>
#map1 = affine_map<(d0, d1) -> (0)>
module attributes {stable_mosaic.version = 14 : i64} {
  func.func @_sc_interp_kernel(%arg0: i32, %arg1: i32, %arg2: memref<16384x512xf32, #tpu.memory_space<hbm>>, %arg3: memref<196608xi32, #tpu.memory_space<hbm>>, %arg4: memref<196608x16xf32, #tpu.memory_space<hbm>>, %arg5: memref<65536x512xf32, #tpu.memory_space<hbm>>, %arg6: memref<48xi32, #tpu.memory_space<vmem>>, %arg7: memref<48x512xf32, #tpu.memory_space<vmem>>, %arg8: memref<48x16xf32, #tpu.memory_space<vmem>>, %arg9: memref<16x512xf32, #tpu.memory_space<vmem>>, %arg10: memref<!tpu.dma_semaphore, #tpu.memory_space<semaphore_mem>>) attributes {dimension_semantics = [#tpu.dimension_semantics<core_parallel>, #tpu.dimension_semantics<subcore_parallel>], iteration_bounds = array<i64: 2, 16>, scalar_prefetch = 0 : i64, scratch_operands = 5 : i64, tpu.core_type = #tpu.core_type<sc_vector_subcore>, window_params = [{transform_indices = #map}, {transform_indices = #map1}, {transform_indices = #map}, {transform_indices = #map}]} {
    %mul3A = arith.constant 2 : i32
    %mul3A_0 = arith.muli %arg1, %mul3A : i32
    %add3A = arith.addi %mul3A_0, %arg0 : i32
    %mul3A_1 = arith.constant 2048 : i32
    %mul3A_2 = arith.muli %add3A, %mul3A_1 : i32
    %scan3A = arith.constant 0 : i32
    %scan3A_3 = arith.constant 0 : i32
    %scan3A_4 = arith.constant 128 : i32
    %scan3A_5 = arith.addi %scan3A_3, %scan3A_4 : i32
    %scan3A_6 = arith.constant 1 : i32
    scf.for %scan3A_8 = %scan3A_3 to %scan3A_5 step %scan3A_6  : i32 {
      %mul3A_9 = arith.constant 16 : i32
      %mul3A_10 = arith.muli %scan3A_8, %mul3A_9 : i32
      %add3A_11 = arith.addi %mul3A_2, %mul3A_10 : i32
      %mul3A_12 = arith.constant 3 : i32
      %mul3A_13 = arith.muli %add3A_11, %mul3A_12 : i32
      "tpu.region"() ({
        %run_scoped3A = tpu.sem_alloc : memref<!tpu.dma_semaphore, #tpu.memory_space<semaphore_mem>>
        %dma_start3A_26 = tpu.memref_slice %arg3[%mul3A_13] : memref<196608xi32, #tpu.memory_space<hbm>> -> memref<48xi32, #tpu.memory_space<hbm>>
        %dma_start3A_27 = tpu.memref_slice %arg3[%mul3A_13] : memref<196608xi32, #tpu.memory_space<hbm>> -> memref<48xi32, #tpu.memory_space<hbm>>
        tpu.enqueue_dma source(%dma_start3A_27 : memref<48xi32, #tpu.memory_space<hbm>>) target(%arg6 : memref<48xi32, #tpu.memory_space<vmem>>) target_semaphore(%run_scoped3A : memref<!tpu.dma_semaphore, #tpu.memory_space<semaphore_mem>>)
        %dma_wait3A_28 = tpu.memref_slice %arg3[%mul3A_13] : memref<196608xi32, #tpu.memory_space<hbm>> -> memref<48xi32, #tpu.memory_space<hbm>>
        %dma_wait3A_29 = tpu.memref_slice %arg3[%mul3A_13] : memref<196608xi32, #tpu.memory_space<hbm>> -> memref<48xi32, #tpu.memory_space<hbm>>
        tpu.wait_dma2 semaphore(%run_scoped3A : memref<!tpu.dma_semaphore, #tpu.memory_space<semaphore_mem>>) src(%dma_wait3A_29 : memref<48xi32, #tpu.memory_space<hbm>>) dst(%arg6 : memref<48xi32, #tpu.memory_space<vmem>>)
        tpu.yield
      }) : () -> ()
      %dma_start3A = arith.constant 0 : i32
      %dma_start3A_14 = arith.constant 0 : i32
      %dma_start3A_15 = tpu.memref_slice %arg2[%dma_start3A, %dma_start3A_14] : memref<16384x512xf32, #tpu.memory_space<hbm>> -> memref<16384x512xf32, #tpu.memory_space<hbm>>
      tpu.enqueue_indirect_dma source(%dma_start3A_15 : memref<16384x512xf32, #tpu.memory_space<hbm>>) target(%arg7 : memref<48x512xf32, #tpu.memory_space<vmem>>) offsets(%arg6 : memref<48xi32, #tpu.memory_space<vmem>>) semaphore(%arg10 : memref<!tpu.dma_semaphore, #tpu.memory_space<semaphore_mem>>)
      %dma_wait3A = arith.constant 0 : i32
      %dma_wait3A_16 = arith.constant 0 : i32
      %dma_wait3A_17 = tpu.memref_slice %arg2[%dma_wait3A, %dma_wait3A_16] : memref<16384x512xf32, #tpu.memory_space<hbm>> -> memref<16384x512xf32, #tpu.memory_space<hbm>>
      tpu.wait_indirect_dma semaphore(%arg10 : memref<!tpu.dma_semaphore, #tpu.memory_space<semaphore_mem>>) src(%dma_wait3A_17 : memref<16384x512xf32, #tpu.memory_space<hbm>>) dst(%arg7 : memref<48x512xf32, #tpu.memory_space<vmem>>)
      %mul3A_18 = arith.constant 3 : i32
      %mul3A_19 = arith.muli %add3A_11, %mul3A_18 : i32
      "tpu.region"() ({
        %run_scoped3A = tpu.sem_alloc : memref<!tpu.dma_semaphore, #tpu.memory_space<semaphore_mem>>
        %dma_start3A_26 = arith.constant 0 : i32
        %dma_start3A_27 = tpu.memref_slice %arg4[%mul3A_19, %dma_start3A_26] : memref<196608x16xf32, #tpu.memory_space<hbm>> -> memref<48x16xf32, #tpu.memory_space<hbm>>
        %dma_start3A_28 = arith.constant 0 : i32
        %dma_start3A_29 = tpu.memref_slice %arg4[%mul3A_19, %dma_start3A_28] : memref<196608x16xf32, #tpu.memory_space<hbm>> -> memref<48x16xf32, #tpu.memory_space<hbm>>
        tpu.enqueue_dma source(%dma_start3A_29 : memref<48x16xf32, #tpu.memory_space<hbm>>) target(%arg8 : memref<48x16xf32, #tpu.memory_space<vmem>>) target_semaphore(%run_scoped3A : memref<!tpu.dma_semaphore, #tpu.memory_space<semaphore_mem>>)
        %dma_wait3A_30 = arith.constant 0 : i32
        %dma_wait3A_31 = tpu.memref_slice %arg4[%mul3A_19, %dma_wait3A_30] : memref<196608x16xf32, #tpu.memory_space<hbm>> -> memref<48x16xf32, #tpu.memory_space<hbm>>
        %dma_wait3A_32 = arith.constant 0 : i32
        %dma_wait3A_33 = tpu.memref_slice %arg4[%mul3A_19, %dma_wait3A_32] : memref<196608x16xf32, #tpu.memory_space<hbm>> -> memref<48x16xf32, #tpu.memory_space<hbm>>
        tpu.wait_dma2 semaphore(%run_scoped3A : memref<!tpu.dma_semaphore, #tpu.memory_space<semaphore_mem>>) src(%dma_wait3A_33 : memref<48x16xf32, #tpu.memory_space<hbm>>) dst(%arg8 : memref<48x16xf32, #tpu.memory_space<vmem>>)
        tpu.yield
      }) : () -> ()
      %scan3A_20 = arith.constant 0 : i32
      %scan3A_21 = arith.constant 0 : i32
      %scan3A_22 = arith.constant 16 : i32
      %scan3A_23 = arith.addi %scan3A_21, %scan3A_22 : i32
      %scan3A_24 = arith.constant 1 : i32
      scf.for %scan3A_26 = %scan3A_21 to %scan3A_23 step %scan3A_24  : i32 {
        %mul3A_27 = arith.constant 3 : i32
        %mul3A_28 = arith.muli %mul3A_27, %scan3A_26 : i32
        %get3A = arith.index_cast %mul3A_28 : i32 to index
        %get3A_29 = arith.constant 0 : index
        %get3A_30 = tpu.vector_load %arg7[%get3A, %get3A_29] {strides = array<i32>} : memref<48x512xf32, #tpu.memory_space<vmem>>, vector<1x16xf32>,
        %get3A_31 = vector.shape_cast %get3A_30 : vector<1x16xf32> to vector<16xf32>
        %mul3A_32 = arith.constant 3 : i32
        %mul3A_33 = arith.muli %mul3A_32, %scan3A_26 : i32
        %get3A_34 = arith.index_cast %mul3A_33 : i32 to index
        %get3A_35 = arith.constant 0 : index
        %get3A_36 = tpu.vector_load %arg8[%get3A_34, %get3A_35] {strides = array<i32>} : memref<48x16xf32, #tpu.memory_space<vmem>>, vector<1x16xf32>,
        %get3A_37 = vector.shape_cast %get3A_36 : vector<1x16xf32> to vector<16xf32>
        %mul3A_38 = arith.mulf %get3A_31, %get3A_37 : vector<16xf32>
        %mul3A_39 = arith.constant 3 : i32
        %mul3A_40 = arith.muli %mul3A_39, %scan3A_26 : i32
        %add3A_41 = arith.constant 1 : i32
        %add3A_42 = arith.addi %mul3A_40, %add3A_41 : i32
        %get3A_43 = arith.index_cast %add3A_42 : i32 to index
        %get3A_44 = arith.constant 0 : index
        %get3A_45 = tpu.vector_load %arg7[%get3A_43, %get3A_44] {strides = array<i32>} : memref<48x512xf32, #tpu.memory_space<vmem>>, vector<1x16xf32>,
        %get3A_46 = vector.shape_cast %get3A_45 : vector<1x16xf32> to vector<16xf32>
        %mul3A_47 = arith.constant 3 : i32
        %mul3A_48 = arith.muli %mul3A_47, %scan3A_26 : i32
        %add3A_49 = arith.constant 1 : i32
        %add3A_50 = arith.addi %mul3A_48, %add3A_49 : i32
        %get3A_51 = arith.index_cast %add3A_50 : i32 to index
        %get3A_52 = arith.constant 0 : index
        %get3A_53 = tpu.vector_load %arg8[%get3A_51, %get3A_52] {strides = array<i32>} : memref<48x16xf32, #tpu.memory_space<vmem>>, vector<1x16xf32>,
        %get3A_54 = vector.shape_cast %get3A_53 : vector<1x16xf32> to vector<16xf32>
        %mul3A_55 = arith.mulf %get3A_46, %get3A_54 : vector<16xf32>
        %add3A_56 = arith.addf %mul3A_38, %mul3A_55 : vector<16xf32>
        %mul3A_57 = arith.constant 3 : i32
        %mul3A_58 = arith.muli %mul3A_57, %scan3A_26 : i32
        %add3A_59 = arith.constant 2 : i32
        %add3A_60 = arith.addi %mul3A_58, %add3A_59 : i32
        %get3A_61 = arith.index_cast %add3A_60 : i32 to index
        %get3A_62 = arith.constant 0 : index
        %get3A_63 = tpu.vector_load %arg7[%get3A_61, %get3A_62] {strides = array<i32>} : memref<48x512xf32, #tpu.memory_space<vmem>>, vector<1x16xf32>,
        %get3A_64 = vector.shape_cast %get3A_63 : vector<1x16xf32> to vector<16xf32>
        %mul3A_65 = arith.constant 3 : i32
        %mul3A_66 = arith.muli %mul3A_65, %scan3A_26 : i32
        %add3A_67 = arith.constant 2 : i32
        %add3A_68 = arith.addi %mul3A_66, %add3A_67 : i32
        %get3A_69 = arith.index_cast %add3A_68 : i32 to index
        %get3A_70 = arith.constant 0 : index
        %get3A_71 = tpu.vector_load %arg8[%get3A_69, %get3A_70] {strides = array<i32>} : memref<48x16xf32, #tpu.memory_space<vmem>>, vector<1x16xf32>,
        %get3A_72 = vector.shape_cast %get3A_71 : vector<1x16xf32> to vector<16xf32>
        %mul3A_73 = arith.mulf %get3A_64, %get3A_72 : vector<16xf32>
        %add3A_74 = arith.addf %add3A_56, %mul3A_73 : vector<16xf32>
        %swap3A = arith.index_cast %scan3A_26 : i32 to index
        %swap3A_75 = arith.constant 0 : index
        %swap3A_76 = tpu.vector_load %arg9[%swap3A, %swap3A_75] {strides = array<i32>} : memref<16x512xf32, #tpu.memory_space<vmem>>, vector<1x16xf32>,
        %swap3A_77 = vector.shape_cast %swap3A_76 : vector<1x16xf32> to vector<16xf32>
        %swap3A_78 = vector.shape_cast %add3A_74 : vector<16xf32> to vector<1x16xf32>
        tpu.vector_store %arg9[%swap3A, %swap3A_75], %swap3A_78 {strides = array<i32>} : memref<16x512xf32, #tpu.memory_space<vmem>>, vector<1x16xf32>,
        %mul3A_79 = arith.constant 3 : i32
        %mul3A_80 = arith.muli %mul3A_79, %scan3A_26 : i32
        %get3A_81 = arith.index_cast %mul3A_80 : i32 to index
        %get3A_82 = arith.constant 16 : index
        %get3A_83 = tpu.vector_load %arg7[%get3A_81, %get3A_82] {strides = array<i32>} : memref<48x512xf32, #tpu.memory_space<vmem>>, vector<1x16xf32>,
        %get3A_84 = vector.shape_cast %get3A_83 : vector<1x16xf32> to vector<16xf32>
        %mul3A_85 = arith.constant 3 : i32
        %mul3A_86 = arith.muli %mul3A_85, %scan3A_26 : i32
        %get3A_87 = arith.index_cast %mul3A_86 : i32 to index
        %get3A_88 = arith.constant 0 : index
        %get3A_89 = tpu.vector_load %arg8[%get3A_87, %get3A_88] {strides = array<i32>} : memref<48x16xf32, #tpu.memory_space<vmem>>, vector<1x16xf32>,
        %get3A_90 = vector.shape_cast %get3A_89 : vector<1x16xf32> to vector<16xf32>
        %mul3A_91 = arith.mulf %get3A_84, %get3A_90 : vector<16xf32>
        %mul3A_92 = arith.constant 3 : i32
        %mul3A_93 = arith.muli %mul3A_92, %scan3A_26 : i32
        %add3A_94 = arith.constant 1 : i32
        %add3A_95 = arith.addi %mul3A_93, %add3A_94 : i32
        %get3A_96 = arith.index_cast %add3A_95 : i32 to index
        %get3A_97 = arith.constant 16 : index
        %get3A_98 = tpu.vector_load %arg7[%get3A_96, %get3A_97] {strides = array<i32>} : memref<48x512xf32, #tpu.memory_space<vmem>>, vector<1x16xf32>,
        %get3A_99 = vector.shape_cast %get3A_98 : vector<1x16xf32> to vector<16xf32>
        %mul3A_100 = arith.constant 3 : i32
        %mul3A_101 = arith.muli %mul3A_100, %scan3A_26 : i32
        %add3A_102 = arith.constant 1 : i32
        %add3A_103 = arith.addi %mul3A_101, %add3A_102 : i32
        %get3A_104 = arith.index_cast %add3A_103 : i32 to index
        %get3A_105 = arith.constant 0 : index
        %get3A_106 = tpu.vector_load %arg8[%get3A_104, %get3A_105] {strides = array<i32>} : memref<48x16xf32, #tpu.memory_space<vmem>>, vector<1x16xf32>,
        %get3A_107 = vector.shape_cast %get3A_106 : vector<1x16xf32> to vector<16xf32>
        %mul3A_108 = arith.mulf %get3A_99, %get3A_107 : vector<16xf32>
        %add3A_109 = arith.addf %mul3A_91, %mul3A_108 : vector<16xf32>
        %mul3A_110 = arith.constant 3 : i32
        %mul3A_111 = arith.muli %mul3A_110, %scan3A_26 : i32
        %add3A_112 = arith.constant 2 : i32
        %add3A_113 = arith.addi %mul3A_111, %add3A_112 : i32
        %get3A_114 = arith.index_cast %add3A_113 : i32 to index
        %get3A_115 = arith.constant 16 : index
        %get3A_116 = tpu.vector_load %arg7[%get3A_114, %get3A_115] {strides = array<i32>} : memref<48x512xf32, #tpu.memory_space<vmem>>, vector<1x16xf32>,
        %get3A_117 = vector.shape_cast %get3A_116 : vector<1x16xf32> to vector<16xf32>
        %mul3A_118 = arith.constant 3 : i32
        %mul3A_119 = arith.muli %mul3A_118, %scan3A_26 : i32
        %add3A_120 = arith.constant 2 : i32
        %add3A_121 = arith.addi %mul3A_119, %add3A_120 : i32
        %get3A_122 = arith.index_cast %add3A_121 : i32 to index
        %get3A_123 = arith.constant 0 : index
        %get3A_124 = tpu.vector_load %arg8[%get3A_122, %get3A_123] {strides = array<i32>} : memref<48x16xf32, #tpu.memory_space<vmem>>, vector<1x16xf32>,
        %get3A_125 = vector.shape_cast %get3A_124 : vector<1x16xf32> to vector<16xf32>
        %mul3A_126 = arith.mulf %get3A_117, %get3A_125 : vector<16xf32>
        %add3A_127 = arith.addf %add3A_109, %mul3A_126 : vector<16xf32>
        %swap3A_128 = arith.index_cast %scan3A_26 : i32 to index
        %swap3A_129 = arith.constant 16 : index
        %swap3A_130 = tpu.vector_load %arg9[%swap3A_128, %swap3A_129] {strides = array<i32>} : memref<16x512xf32, #tpu.memory_space<vmem>>, vector<1x16xf32>,
        %swap3A_131 = vector.shape_cast %swap3A_130 : vector<1x16xf32> to vector<16xf32>
        %swap3A_132 = vector.shape_cast %add3A_127 : vector<16xf32> to vector<1x16xf32>
        tpu.vector_store %arg9[%swap3A_128, %swap3A_129], %swap3A_132 {strides = array<i32>} : memref<16x512xf32, #tpu.memory_space<vmem>>, vector<1x16xf32>,
        %mul3A_133 = arith.constant 3 : i32
        %mul3A_134 = arith.muli %mul3A_133, %scan3A_26 : i32
        %get3A_135 = arith.index_cast %mul3A_134 : i32 to index
        %get3A_136 = arith.constant 32 : index
        %get3A_137 = tpu.vector_load %arg7[%get3A_135, %get3A_136] {strides = array<i32>} : memref<48x512xf32, #tpu.memory_space<vmem>>, vector<1x16xf32>,
        %get3A_138 = vector.shape_cast %get3A_137 : vector<1x16xf32> to vector<16xf32>
        %mul3A_139 = arith.constant 3 : i32
        %mul3A_140 = arith.muli %mul3A_139, %scan3A_26 : i32
        %get3A_141 = arith.index_cast %mul3A_140 : i32 to index
        %get3A_142 = arith.constant 0 : index
        %get3A_143 = tpu.vector_load %arg8[%get3A_141, %get3A_142] {strides = array<i32>} : memref<48x16xf32, #tpu.memory_space<vmem>>, vector<1x16xf32>,
        %get3A_144 = vector.shape_cast %get3A_143 : vector<1x16xf32> to vector<16xf32>
        %mul3A_145 = arith.mulf %get3A_138, %get3A_144 : vector<16xf32>
        %mul3A_146 = arith.constant 3 : i32
        %mul3A_147 = arith.muli %mul3A_146, %scan3A_26 : i32
        %add3A_148 = arith.constant 1 : i32
        %add3A_149 = arith.addi %mul3A_147, %add3A_148 : i32
        %get3A_150 = arith.index_cast %add3A_149 : i32 to index
        %get3A_151 = arith.constant 32 : index
        %get3A_152 = tpu.vector_load %arg7[%get3A_150, %get3A_151] {strides = array<i32>} : memref<48x512xf32, #tpu.memory_space<vmem>>, vector<1x16xf32>,
        %get3A_153 = vector.shape_cast %get3A_152 : vector<1x16xf32> to vector<16xf32>
        %mul3A_154 = arith.constant 3 : i32
        %mul3A_155 = arith.muli %mul3A_154, %scan3A_26 : i32
        %add3A_156 = arith.constant 1 : i32
        %add3A_157 = arith.addi %mul3A_155, %add3A_156 : i32
        %get3A_158 = arith.index_cast %add3A_157 : i32 to index
        %get3A_159 = arith.constant 0 : index
        %get3A_160 = tpu.vector_load %arg8[%get3A_158, %get3A_159] {strides = array<i32>} : memref<48x16xf32, #tpu.memory_space<vmem>>, vector<1x16xf32>,
        %get3A_161 = vector.shape_cast %get3A_160 : vector<1x16xf32> to vector<16xf32>
        %mul3A_162 = arith.mulf %get3A_153, %get3A_161 : vector<16xf32>
        %add3A_163 = arith.addf %mul3A_145, %mul3A_162 : vector<16xf32>
        %mul3A_164 = arith.constant 3 : i32
        %mul3A_165 = arith.muli %mul3A_164, %scan3A_26 : i32
        %add3A_166 = arith.constant 2 : i32
        %add3A_167 = arith.addi %mul3A_165, %add3A_166 : i32
        %get3A_168 = arith.index_cast %add3A_167 : i32 to index
        %get3A_169 = arith.constant 32 : index
        %get3A_170 = tpu.vector_load %arg7[%get3A_168, %get3A_169] {strides = array<i32>} : memref<48x512xf32, #tpu.memory_space<vmem>>, vector<1x16xf32>,
        %get3A_171 = vector.shape_cast %get3A_170 : vector<1x16xf32> to vector<16xf32>
        %mul3A_172 = arith.constant 3 : i32
        %mul3A_173 = arith.muli %mul3A_172, %scan3A_26 : i32
        %add3A_174 = arith.constant 2 : i32
        %add3A_175 = arith.addi %mul3A_173, %add3A_174 : i32
        %get3A_176 = arith.index_cast %add3A_175 : i32 to index
        %get3A_177 = arith.constant 0 : index
        %get3A_178 = tpu.vector_load %arg8[%get3A_176, %get3A_177] {strides = array<i32>} : memref<48x16xf32, #tpu.memory_space<vmem>>, vector<1x16xf32>,
        %get3A_179 = vector.shape_cast %get3A_178 : vector<1x16xf32> to vector<16xf32>
        %mul3A_180 = arith.mulf %get3A_171, %get3A_179 : vector<16xf32>
        %add3A_181 = arith.addf %add3A_163, %mul3A_180 : vector<16xf32>
        %swap3A_182 = arith.index_cast %scan3A_26 : i32 to index
        %swap3A_183 = arith.constant 32 : index
        %swap3A_184 = tpu.vector_load %arg9[%swap3A_182, %swap3A_183] {strides = array<i32>} : memref<16x512xf32, #tpu.memory_space<vmem>>, vector<1x16xf32>,
        %swap3A_185 = vector.shape_cast %swap3A_184 : vector<1x16xf32> to vector<16xf32>
        %swap3A_186 = vector.shape_cast %add3A_181 : vector<16xf32> to vector<1x16xf32>
        tpu.vector_store %arg9[%swap3A_182, %swap3A_183], %swap3A_186 {strides = array<i32>} : memref<16x512xf32, #tpu.memory_space<vmem>>, vector<1x16xf32>,
        %mul3A_187 = arith.constant 3 : i32
        %mul3A_188 = arith.muli %mul3A_187, %scan3A_26 : i32
        %get3A_189 = arith.index_cast %mul3A_188 : i32 to index
        %get3A_190 = arith.constant 48 : index
        %get3A_191 = tpu.vector_load %arg7[%get3A_189, %get3A_190] {strides = array<i32>} : memref<48x512xf32, #tpu.memory_space<vmem>>, vector<1x16xf32>,
        %get3A_192 = vector.shape_cast %get3A_191 : vector<1x16xf32> to vector<16xf32>
        %mul3A_193 = arith.constant 3 : i32
        %mul3A_194 = arith.muli %mul3A_193, %scan3A_26 : i32
        %get3A_195 = arith.index_cast %mul3A_194 : i32 to index
        %get3A_196 = arith.constant 0 : index
        %get3A_197 = tpu.vector_load %arg8[%get3A_195, %get3A_196] {strides = array<i32>} : memref<48x16xf32, #tpu.memory_space<vmem>>, vector<1x16xf32>,
        %get3A_198 = vector.shape_cast %get3A_197 : vector<1x16xf32> to vector<16xf32>
        %mul3A_199 = arith.mulf %get3A_192, %get3A_198 : vector<16xf32>
        %mul3A_200 = arith.constant 3 : i32
        %mul3A_201 = arith.muli %mul3A_200, %scan3A_26 : i32
        %add3A_202 = arith.constant 1 : i32
        %add3A_203 = arith.addi %mul3A_201, %add3A_202 : i32
        %get3A_204 = arith.index_cast %add3A_203 : i32 to index
        %get3A_205 = arith.constant 48 : index
        %get3A_206 = tpu.vector_load %arg7[%get3A_204, %get3A_205] {strides = array<i32>} : memref<48x512xf32, #tpu.memory_space<vmem>>, vector<1x16xf32>,
        %get3A_207 = vector.shape_cast %get3A_206 : vector<1x16xf32> to vector<16xf32>
        %mul3A_208 = arith.constant 3 : i32
        %mul3A_209 = arith.muli %mul3A_208, %scan3A_26 : i32
        %add3A_210 = arith.constant 1 : i32
        %add3A_211 = arith.addi %mul3A_209, %add3A_210 : i32
        %get3A_212 = arith.index_cast %add3A_211 : i32 to index
        %get3A_213 = arith.constant 0 : index
        %get3A_214 = tpu.vector_load %arg8[%get3A_212, %get3A_213] {strides = array<i32>} : memref<48x16xf32, #tpu.memory_space<vmem>>, vector<1x16xf32>,
        %get3A_215 = vector.shape_cast %get3A_214 : vector<1x16xf32> to vector<16xf32>
        %mul3A_216 = arith.mulf %get3A_207, %get3A_215 : vector<16xf32>
        %add3A_217 = arith.addf %mul3A_199, %mul3A_216 : vector<16xf32>
        %mul3A_218 = arith.constant 3 : i32
        %mul3A_219 = arith.muli %mul3A_218, %scan3A_26 : i32
        %add3A_220 = arith.constant 2 : i32
        %add3A_221 = arith.addi %mul3A_219, %add3A_220 : i32
        %get3A_222 = arith.index_cast %add3A_221 : i32 to index
        %get3A_223 = arith.constant 48 : index
        %get3A_224 = tpu.vector_load %arg7[%get3A_222, %get3A_223] {strides = array<i32>} : memref<48x512xf32, #tpu.memory_space<vmem>>, vector<1x16xf32>,
        %get3A_225 = vector.shape_cast %get3A_224 : vector<1x16xf32> to vector<16xf32>
        %mul3A_226 = arith.constant 3 : i32
        %mul3A_227 = arith.muli %mul3A_226, %scan3A_26 : i32
        %add3A_228 = arith.constant 2 : i32
        %add3A_229 = arith.addi %mul3A_227, %add3A_228 : i32
        %get3A_230 = arith.index_cast %add3A_229 : i32 to index
        %get3A_231 = arith.constant 0 : index
        %get3A_232 = tpu.vector_load %arg8[%get3A_230, %get3A_231] {strides = array<i32>} : memref<48x16xf32, #tpu.memory_space<vmem>>, vector<1x16xf32>,
        %get3A_233 = vector.shape_cast %get3A_232 : vector<1x16xf32> to vector<16xf32>
        %mul3A_234 = arith.mulf %get3A_225, %get3A_233 : vector<16xf32>
        %add3A_235 = arith.addf %add3A_217, %mul3A_234 : vector<16xf32>
        %swap3A_236 = arith.index_cast %scan3A_26 : i32 to index
        %swap3A_237 = arith.constant 48 : index
        %swap3A_238 = tpu.vector_load %arg9[%swap3A_236, %swap3A_237] {strides = array<i32>} : memref<16x512xf32, #tpu.memory_space<vmem>>, vector<1x16xf32>,
        %swap3A_239 = vector.shape_cast %swap3A_238 : vector<1x16xf32> to vector<16xf32>
        %swap3A_240 = vector.shape_cast %add3A_235 : vector<16xf32> to vector<1x16xf32>
        tpu.vector_store %arg9[%swap3A_236, %swap3A_237], %swap3A_240 {strides = array<i32>} : memref<16x512xf32, #tpu.memory_space<vmem>>, vector<1x16xf32>,
        %mul3A_241 = arith.constant 3 : i32
        %mul3A_242 = arith.muli %mul3A_241, %scan3A_26 : i32
        %get3A_243 = arith.index_cast %mul3A_242 : i32 to index
        %get3A_244 = arith.constant 64 : index
        %get3A_245 = tpu.vector_load %arg7[%get3A_243, %get3A_244] {strides = array<i32>} : memref<48x512xf32, #tpu.memory_space<vmem>>, vector<1x16xf32>,
        %get3A_246 = vector.shape_cast %get3A_245 : vector<1x16xf32> to vector<16xf32>
        %mul3A_247 = arith.constant 3 : i32
        %mul3A_248 = arith.muli %mul3A_247, %scan3A_26 : i32
        %get3A_249 = arith.index_cast %mul3A_248 : i32 to index
        %get3A_250 = arith.constant 0 : index
        %get3A_251 = tpu.vector_load %arg8[%get3A_249, %get3A_250] {strides = array<i32>} : memref<48x16xf32, #tpu.memory_space<vmem>>, vector<1x16xf32>,
        %get3A_252 = vector.shape_cast %get3A_251 : vector<1x16xf32> to vector<16xf32>
        %mul3A_253 = arith.mulf %get3A_246, %get3A_252 : vector<16xf32>
        %mul3A_254 = arith.constant 3 : i32
        %mul3A_255 = arith.muli %mul3A_254, %scan3A_26 : i32
        %add3A_256 = arith.constant 1 : i32
        %add3A_257 = arith.addi %mul3A_255, %add3A_256 : i32
        %get3A_258 = arith.index_cast %add3A_257 : i32 to index
        %get3A_259 = arith.constant 64 : index
        %get3A_260 = tpu.vector_load %arg7[%get3A_258, %get3A_259] {strides = array<i32>} : memref<48x512xf32, #tpu.memory_space<vmem>>, vector<1x16xf32>,
        %get3A_261 = vector.shape_cast %get3A_260 : vector<1x16xf32> to vector<16xf32>
        %mul3A_262 = arith.constant 3 : i32
        %mul3A_263 = arith.muli %mul3A_262, %scan3A_26 : i32
        %add3A_264 = arith.constant 1 : i32
        %add3A_265 = arith.addi %mul3A_263, %add3A_264 : i32
        %get3A_266 = arith.index_cast %add3A_265 : i32 to index
        %get3A_267 = arith.constant 0 : index
        %get3A_268 = tpu.vector_load %arg8[%get3A_266, %get3A_267] {strides = array<i32>} : memref<48x16xf32, #tpu.memory_space<vmem>>, vector<1x16xf32>,
        %get3A_269 = vector.shape_cast %get3A_268 : vector<1x16xf32> to vector<16xf32>
        %mul3A_270 = arith.mulf %get3A_261, %get3A_269 : vector<16xf32>
        %add3A_271 = arith.addf %mul3A_253, %mul3A_270 : vector<16xf32>
        %mul3A_272 = arith.constant 3 : i32
        %mul3A_273 = arith.muli %mul3A_272, %scan3A_26 : i32
        %add3A_274 = arith.constant 2 : i32
        %add3A_275 = arith.addi %mul3A_273, %add3A_274 : i32
        %get3A_276 = arith.index_cast %add3A_275 : i32 to index
        %get3A_277 = arith.constant 64 : index
        %get3A_278 = tpu.vector_load %arg7[%get3A_276, %get3A_277] {strides = array<i32>} : memref<48x512xf32, #tpu.memory_space<vmem>>, vector<1x16xf32>,
        %get3A_279 = vector.shape_cast %get3A_278 : vector<1x16xf32> to vector<16xf32>
        %mul3A_280 = arith.constant 3 : i32
        %mul3A_281 = arith.muli %mul3A_280, %scan3A_26 : i32
        %add3A_282 = arith.constant 2 : i32
        %add3A_283 = arith.addi %mul3A_281, %add3A_282 : i32
        %get3A_284 = arith.index_cast %add3A_283 : i32 to index
        %get3A_285 = arith.constant 0 : index
        %get3A_286 = tpu.vector_load %arg8[%get3A_284, %get3A_285] {strides = array<i32>} : memref<48x16xf32, #tpu.memory_space<vmem>>, vector<1x16xf32>,
        %get3A_287 = vector.shape_cast %get3A_286 : vector<1x16xf32> to vector<16xf32>
        %mul3A_288 = arith.mulf %get3A_279, %get3A_287 : vector<16xf32>
        %add3A_289 = arith.addf %add3A_271, %mul3A_288 : vector<16xf32>
        %swap3A_290 = arith.index_cast %scan3A_26 : i32 to index
        %swap3A_291 = arith.constant 64 : index
        %swap3A_292 = tpu.vector_load %arg9[%swap3A_290, %swap3A_291] {strides = array<i32>} : memref<16x512xf32, #tpu.memory_space<vmem>>, vector<1x16xf32>,
        %swap3A_293 = vector.shape_cast %swap3A_292 : vector<1x16xf32> to vector<16xf32>
        %swap3A_294 = vector.shape_cast %add3A_289 : vector<16xf32> to vector<1x16xf32>
        tpu.vector_store %arg9[%swap3A_290, %swap3A_291], %swap3A_294 {strides = array<i32>} : memref<16x512xf32, #tpu.memory_space<vmem>>, vector<1x16xf32>,
        %mul3A_295 = arith.constant 3 : i32
        %mul3A_296 = arith.muli %mul3A_295, %scan3A_26 : i32
        %get3A_297 = arith.index_cast %mul3A_296 : i32 to index
        %get3A_298 = arith.constant 80 : index
        %get3A_299 = tpu.vector_load %arg7[%get3A_297, %get3A_298] {strides = array<i32>} : memref<48x512xf32, #tpu.memory_space<vmem>>, vector<1x16xf32>,
        %get3A_300 = vector.shape_cast %get3A_299 : vector<1x16xf32> to vector<16xf32>
        %mul3A_301 = arith.constant 3 : i32
        %mul3A_302 = arith.muli %mul3A_301, %scan3A_26 : i32
        %get3A_303 = arith.index_cast %mul3A_302 : i32 to index
        %get3A_304 = arith.constant 0 : index
        %get3A_305 = tpu.vector_load %arg8[%get3A_303, %get3A_304] {strides = array<i32>} : memref<48x16xf32, #tpu.memory_space<vmem>>, vector<1x16xf32>,
        %get3A_306 = vector.shape_cast %get3A_305 : vector<1x16xf32> to vector<16xf32>
        %mul3A_307 = arith.mulf %get3A_300, %get3A_306 : vector<16xf32>
        %mul3A_308 = arith.constant 3 : i32
        %mul3A_309 = arith.muli %mul3A_308, %scan3A_26 : i32
        %add3A_310 = arith.constant 1 : i32
        %add3A_311 = arith.addi %mul3A_309, %add3A_310 : i32
        %get3A_312 = arith.index_cast %add3A_311 : i32 to index
        %get3A_313 = arith.constant 80 : index
        %get3A_314 = tpu.vector_load %arg7[%get3A_312, %get3A_313] {strides = array<i32>} : memref<48x512xf32, #tpu.memory_space<vmem>>, vector<1x16xf32>,
        %get3A_315 = vector.shape_cast %get3A_314 : vector<1x16xf32> to vector<16xf32>
        %mul3A_316 = arith.constant 3 : i32
        %mul3A_317 = arith.muli %mul3A_316, %scan3A_26 : i32
        %add3A_318 = arith.constant 1 : i32
        %add3A_319 = arith.addi %mul3A_317, %add3A_318 : i32
        %get3A_320 = arith.index_cast %add3A_319 : i32 to index
        %get3A_321 = arith.constant 0 : index
        %get3A_322 = tpu.vector_load %arg8[%get3A_320, %get3A_321] {strides = array<i32>} : memref<48x16xf32, #tpu.memory_space<vmem>>, vector<1x16xf32>,
        %get3A_323 = vector.shape_cast %get3A_322 : vector<1x16xf32> to vector<16xf32>
        %mul3A_324 = arith.mulf %get3A_315, %get3A_323 : vector<16xf32>
        %add3A_325 = arith.addf %mul3A_307, %mul3A_324 : vector<16xf32>
        %mul3A_326 = arith.constant 3 : i32
        %mul3A_327 = arith.muli %mul3A_326, %scan3A_26 : i32
        %add3A_328 = arith.constant 2 : i32
        %add3A_329 = arith.addi %mul3A_327, %add3A_328 : i32
        %get3A_330 = arith.index_cast %add3A_329 : i32 to index
        %get3A_331 = arith.constant 80 : index
        %get3A_332 = tpu.vector_load %arg7[%get3A_330, %get3A_331] {strides = array<i32>} : memref<48x512xf32, #tpu.memory_space<vmem>>, vector<1x16xf32>,
        %get3A_333 = vector.shape_cast %get3A_332 : vector<1x16xf32> to vector<16xf32>
        %mul3A_334 = arith.constant 3 : i32
        %mul3A_335 = arith.muli %mul3A_334, %scan3A_26 : i32
        %add3A_336 = arith.constant 2 : i32
        %add3A_337 = arith.addi %mul3A_335, %add3A_336 : i32
        %get3A_338 = arith.index_cast %add3A_337 : i32 to index
        %get3A_339 = arith.constant 0 : index
        %get3A_340 = tpu.vector_load %arg8[%get3A_338, %get3A_339] {strides = array<i32>} : memref<48x16xf32, #tpu.memory_space<vmem>>, vector<1x16xf32>,
        %get3A_341 = vector.shape_cast %get3A_340 : vector<1x16xf32> to vector<16xf32>
        %mul3A_342 = arith.mulf %get3A_333, %get3A_341 : vector<16xf32>
        %add3A_343 = arith.addf %add3A_325, %mul3A_342 : vector<16xf32>
        %swap3A_344 = arith.index_cast %scan3A_26 : i32 to index
        %swap3A_345 = arith.constant 80 : index
        %swap3A_346 = tpu.vector_load %arg9[%swap3A_344, %swap3A_345] {strides = array<i32>} : memref<16x512xf32, #tpu.memory_space<vmem>>, vector<1x16xf32>,
        %swap3A_347 = vector.shape_cast %swap3A_346 : vector<1x16xf32> to vector<16xf32>
        %swap3A_348 = vector.shape_cast %add3A_343 : vector<16xf32> to vector<1x16xf32>
        tpu.vector_store %arg9[%swap3A_344, %swap3A_345], %swap3A_348 {strides = array<i32>} : memref<16x512xf32, #tpu.memory_space<vmem>>, vector<1x16xf32>,
        %mul3A_349 = arith.constant 3 : i32
        %mul3A_350 = arith.muli %mul3A_349, %scan3A_26 : i32
        %get3A_351 = arith.index_cast %mul3A_350 : i32 to index
        %get3A_352 = arith.constant 96 : index
        %get3A_353 = tpu.vector_load %arg7[%get3A_351, %get3A_352] {strides = array<i32>} : memref<48x512xf32, #tpu.memory_space<vmem>>, vector<1x16xf32>,
        %get3A_354 = vector.shape_cast %get3A_353 : vector<1x16xf32> to vector<16xf32>
        %mul3A_355 = arith.constant 3 : i32
        %mul3A_356 = arith.muli %mul3A_355, %scan3A_26 : i32
        %get3A_357 = arith.index_cast %mul3A_356 : i32 to index
        %get3A_358 = arith.constant 0 : index
        %get3A_359 = tpu.vector_load %arg8[%get3A_357, %get3A_358] {strides = array<i32>} : memref<48x16xf32, #tpu.memory_space<vmem>>, vector<1x16xf32>,
        %get3A_360 = vector.shape_cast %get3A_359 : vector<1x16xf32> to vector<16xf32>
        %mul3A_361 = arith.mulf %get3A_354, %get3A_360 : vector<16xf32>
        %mul3A_362 = arith.constant 3 : i32
        %mul3A_363 = arith.muli %mul3A_362, %scan3A_26 : i32
        %add3A_364 = arith.constant 1 : i32
        %add3A_365 = arith.addi %mul3A_363, %add3A_364 : i32
        %get3A_366 = arith.index_cast %add3A_365 : i32 to index
        %get3A_367 = arith.constant 96 : index
        %get3A_368 = tpu.vector_load %arg7[%get3A_366, %get3A_367] {strides = array<i32>} : memref<48x512xf32, #tpu.memory_space<vmem>>, vector<1x16xf32>,
        %get3A_369 = vector.shape_cast %get3A_368 : vector<1x16xf32> to vector<16xf32>
        %mul3A_370 = arith.constant 3 : i32
        %mul3A_371 = arith.muli %mul3A_370, %scan3A_26 : i32
        %add3A_372 = arith.constant 1 : i32
        %add3A_373 = arith.addi %mul3A_371, %add3A_372 : i32
        %get3A_374 = arith.index_cast %add3A_373 : i32 to index
        %get3A_375 = arith.constant 0 : index
        %get3A_376 = tpu.vector_load %arg8[%get3A_374, %get3A_375] {strides = array<i32>} : memref<48x16xf32, #tpu.memory_space<vmem>>, vector<1x16xf32>,
        %get3A_377 = vector.shape_cast %get3A_376 : vector<1x16xf32> to vector<16xf32>
        %mul3A_378 = arith.mulf %get3A_369, %get3A_377 : vector<16xf32>
        %add3A_379 = arith.addf %mul3A_361, %mul3A_378 : vector<16xf32>
        %mul3A_380 = arith.constant 3 : i32
        %mul3A_381 = arith.muli %mul3A_380, %scan3A_26 : i32
        %add3A_382 = arith.constant 2 : i32
        %add3A_383 = arith.addi %mul3A_381, %add3A_382 : i32
        %get3A_384 = arith.index_cast %add3A_383 : i32 to index
        %get3A_385 = arith.constant 96 : index
        %get3A_386 = tpu.vector_load %arg7[%get3A_384, %get3A_385] {strides = array<i32>} : memref<48x512xf32, #tpu.memory_space<vmem>>, vector<1x16xf32>,
        %get3A_387 = vector.shape_cast %get3A_386 : vector<1x16xf32> to vector<16xf32>
        %mul3A_388 = arith.constant 3 : i32
        %mul3A_389 = arith.muli %mul3A_388, %scan3A_26 : i32
        %add3A_390 = arith.constant 2 : i32
        %add3A_391 = arith.addi %mul3A_389, %add3A_390 : i32
        %get3A_392 = arith.index_cast %add3A_391 : i32 to index
        %get3A_393 = arith.constant 0 : index
        %get3A_394 = tpu.vector_load %arg8[%get3A_392, %get3A_393] {strides = array<i32>} : memref<48x16xf32, #tpu.memory_space<vmem>>, vector<1x16xf32>,
        %get3A_395 = vector.shape_cast %get3A_394 : vector<1x16xf32> to vector<16xf32>
        %mul3A_396 = arith.mulf %get3A_387, %get3A_395 : vector<16xf32>
        %add3A_397 = arith.addf %add3A_379, %mul3A_396 : vector<16xf32>
        %swap3A_398 = arith.index_cast %scan3A_26 : i32 to index
        %swap3A_399 = arith.constant 96 : index
        %swap3A_400 = tpu.vector_load %arg9[%swap3A_398, %swap3A_399] {strides = array<i32>} : memref<16x512xf32, #tpu.memory_space<vmem>>, vector<1x16xf32>,
        %swap3A_401 = vector.shape_cast %swap3A_400 : vector<1x16xf32> to vector<16xf32>
        %swap3A_402 = vector.shape_cast %add3A_397 : vector<16xf32> to vector<1x16xf32>
        tpu.vector_store %arg9[%swap3A_398, %swap3A_399], %swap3A_402 {strides = array<i32>} : memref<16x512xf32, #tpu.memory_space<vmem>>, vector<1x16xf32>,
        %mul3A_403 = arith.constant 3 : i32
        %mul3A_404 = arith.muli %mul3A_403, %scan3A_26 : i32
        %get3A_405 = arith.index_cast %mul3A_404 : i32 to index
        %get3A_406 = arith.constant 112 : index
        %get3A_407 = tpu.vector_load %arg7[%get3A_405, %get3A_406] {strides = array<i32>} : memref<48x512xf32, #tpu.memory_space<vmem>>, vector<1x16xf32>,
        %get3A_408 = vector.shape_cast %get3A_407 : vector<1x16xf32> to vector<16xf32>
        %mul3A_409 = arith.constant 3 : i32
        %mul3A_410 = arith.muli %mul3A_409, %scan3A_26 : i32
        %get3A_411 = arith.index_cast %mul3A_410 : i32 to index
        %get3A_412 = arith.constant 0 : index
        %get3A_413 = tpu.vector_load %arg8[%get3A_411, %get3A_412] {strides = array<i32>} : memref<48x16xf32, #tpu.memory_space<vmem>>, vector<1x16xf32>,
        %get3A_414 = vector.shape_cast %get3A_413 : vector<1x16xf32> to vector<16xf32>
        %mul3A_415 = arith.mulf %get3A_408, %get3A_414 : vector<16xf32>
        %mul3A_416 = arith.constant 3 : i32
        %mul3A_417 = arith.muli %mul3A_416, %scan3A_26 : i32
        %add3A_418 = arith.constant 1 : i32
        %add3A_419 = arith.addi %mul3A_417, %add3A_418 : i32
        %get3A_420 = arith.index_cast %add3A_419 : i32 to index
        %get3A_421 = arith.constant 112 : index
        %get3A_422 = tpu.vector_load %arg7[%get3A_420, %get3A_421] {strides = array<i32>} : memref<48x512xf32, #tpu.memory_space<vmem>>, vector<1x16xf32>,
        %get3A_423 = vector.shape_cast %get3A_422 : vector<1x16xf32> to vector<16xf32>
        %mul3A_424 = arith.constant 3 : i32
        %mul3A_425 = arith.muli %mul3A_424, %scan3A_26 : i32
        %add3A_426 = arith.constant 1 : i32
        %add3A_427 = arith.addi %mul3A_425, %add3A_426 : i32
        %get3A_428 = arith.index_cast %add3A_427 : i32 to index
        %get3A_429 = arith.constant 0 : index
        %get3A_430 = tpu.vector_load %arg8[%get3A_428, %get3A_429] {strides = array<i32>} : memref<48x16xf32, #tpu.memory_space<vmem>>, vector<1x16xf32>,
        %get3A_431 = vector.shape_cast %get3A_430 : vector<1x16xf32> to vector<16xf32>
        %mul3A_432 = arith.mulf %get3A_423, %get3A_431 : vector<16xf32>
        %add3A_433 = arith.addf %mul3A_415, %mul3A_432 : vector<16xf32>
        %mul3A_434 = arith.constant 3 : i32
        %mul3A_435 = arith.muli %mul3A_434, %scan3A_26 : i32
        %add3A_436 = arith.constant 2 : i32
        %add3A_437 = arith.addi %mul3A_435, %add3A_436 : i32
        %get3A_438 = arith.index_cast %add3A_437 : i32 to index
        %get3A_439 = arith.constant 112 : index
        %get3A_440 = tpu.vector_load %arg7[%get3A_438, %get3A_439] {strides = array<i32>} : memref<48x512xf32, #tpu.memory_space<vmem>>, vector<1x16xf32>,
        %get3A_441 = vector.shape_cast %get3A_440 : vector<1x16xf32> to vector<16xf32>
        %mul3A_442 = arith.constant 3 : i32
        %mul3A_443 = arith.muli %mul3A_442, %scan3A_26 : i32
        %add3A_444 = arith.constant 2 : i32
        %add3A_445 = arith.addi %mul3A_443, %add3A_444 : i32
        %get3A_446 = arith.index_cast %add3A_445 : i32 to index
        %get3A_447 = arith.constant 0 : index
        %get3A_448 = tpu.vector_load %arg8[%get3A_446, %get3A_447] {strides = array<i32>} : memref<48x16xf32, #tpu.memory_space<vmem>>, vector<1x16xf32>,
        %get3A_449 = vector.shape_cast %get3A_448 : vector<1x16xf32> to vector<16xf32>
        %mul3A_450 = arith.mulf %get3A_441, %get3A_449 : vector<16xf32>
        %add3A_451 = arith.addf %add3A_433, %mul3A_450 : vector<16xf32>
        %swap3A_452 = arith.index_cast %scan3A_26 : i32 to index
        %swap3A_453 = arith.constant 112 : index
        %swap3A_454 = tpu.vector_load %arg9[%swap3A_452, %swap3A_453] {strides = array<i32>} : memref<16x512xf32, #tpu.memory_space<vmem>>, vector<1x16xf32>,
        %swap3A_455 = vector.shape_cast %swap3A_454 : vector<1x16xf32> to vector<16xf32>
        %swap3A_456 = vector.shape_cast %add3A_451 : vector<16xf32> to vector<1x16xf32>
        tpu.vector_store %arg9[%swap3A_452, %swap3A_453], %swap3A_456 {strides = array<i32>} : memref<16x512xf32, #tpu.memory_space<vmem>>, vector<1x16xf32>,
        %mul3A_457 = arith.constant 3 : i32
        %mul3A_458 = arith.muli %mul3A_457, %scan3A_26 : i32
        %get3A_459 = arith.index_cast %mul3A_458 : i32 to index
        %get3A_460 = arith.constant 128 : index
        %get3A_461 = tpu.vector_load %arg7[%get3A_459, %get3A_460] {strides = array<i32>} : memref<48x512xf32, #tpu.memory_space<vmem>>, vector<1x16xf32>,
        %get3A_462 = vector.shape_cast %get3A_461 : vector<1x16xf32> to vector<16xf32>
        %mul3A_463 = arith.constant 3 : i32
        %mul3A_464 = arith.muli %mul3A_463, %scan3A_26 : i32
        %get3A_465 = arith.index_cast %mul3A_464 : i32 to index
        %get3A_466 = arith.constant 0 : index
        %get3A_467 = tpu.vector_load %arg8[%get3A_465, %get3A_466] {strides = array<i32>} : memref<48x16xf32, #tpu.memory_space<vmem>>, vector<1x16xf32>,
        %get3A_468 = vector.shape_cast %get3A_467 : vector<1x16xf32> to vector<16xf32>
        %mul3A_469 = arith.mulf %get3A_462, %get3A_468 : vector<16xf32>
        %mul3A_470 = arith.constant 3 : i32
        %mul3A_471 = arith.muli %mul3A_470, %scan3A_26 : i32
        %add3A_472 = arith.constant 1 : i32
        %add3A_473 = arith.addi %mul3A_471, %add3A_472 : i32
        %get3A_474 = arith.index_cast %add3A_473 : i32 to index
        %get3A_475 = arith.constant 128 : index
        %get3A_476 = tpu.vector_load %arg7[%get3A_474, %get3A_475] {strides = array<i32>} : memref<48x512xf32, #tpu.memory_space<vmem>>, vector<1x16xf32>,
        %get3A_477 = vector.shape_cast %get3A_476 : vector<1x16xf32> to vector<16xf32>
        %mul3A_478 = arith.constant 3 : i32
        %mul3A_479 = arith.muli %mul3A_478, %scan3A_26 : i32
        %add3A_480 = arith.constant 1 : i32
        %add3A_481 = arith.addi %mul3A_479, %add3A_480 : i32
        %get3A_482 = arith.index_cast %add3A_481 : i32 to index
        %get3A_483 = arith.constant 0 : index
        %get3A_484 = tpu.vector_load %arg8[%get3A_482, %get3A_483] {strides = array<i32>} : memref<48x16xf32, #tpu.memory_space<vmem>>, vector<1x16xf32>,
        %get3A_485 = vector.shape_cast %get3A_484 : vector<1x16xf32> to vector<16xf32>
        %mul3A_486 = arith.mulf %get3A_477, %get3A_485 : vector<16xf32>
        %add3A_487 = arith.addf %mul3A_469, %mul3A_486 : vector<16xf32>
        %mul3A_488 = arith.constant 3 : i32
        %mul3A_489 = arith.muli %mul3A_488, %scan3A_26 : i32
        %add3A_490 = arith.constant 2 : i32
        %add3A_491 = arith.addi %mul3A_489, %add3A_490 : i32
        %get3A_492 = arith.index_cast %add3A_491 : i32 to index
        %get3A_493 = arith.constant 128 : index
        %get3A_494 = tpu.vector_load %arg7[%get3A_492, %get3A_493] {strides = array<i32>} : memref<48x512xf32, #tpu.memory_space<vmem>>, vector<1x16xf32>,
        %get3A_495 = vector.shape_cast %get3A_494 : vector<1x16xf32> to vector<16xf32>
        %mul3A_496 = arith.constant 3 : i32
        %mul3A_497 = arith.muli %mul3A_496, %scan3A_26 : i32
        %add3A_498 = arith.constant 2 : i32
        %add3A_499 = arith.addi %mul3A_497, %add3A_498 : i32
        %get3A_500 = arith.index_cast %add3A_499 : i32 to index
        %get3A_501 = arith.constant 0 : index
        %get3A_502 = tpu.vector_load %arg8[%get3A_500, %get3A_501] {strides = array<i32>} : memref<48x16xf32, #tpu.memory_space<vmem>>, vector<1x16xf32>,
        %get3A_503 = vector.shape_cast %get3A_502 : vector<1x16xf32> to vector<16xf32>
        %mul3A_504 = arith.mulf %get3A_495, %get3A_503 : vector<16xf32>
        %add3A_505 = arith.addf %add3A_487, %mul3A_504 : vector<16xf32>
        %swap3A_506 = arith.index_cast %scan3A_26 : i32 to index
        %swap3A_507 = arith.constant 128 : index
        %swap3A_508 = tpu.vector_load %arg9[%swap3A_506, %swap3A_507] {strides = array<i32>} : memref<16x512xf32, #tpu.memory_space<vmem>>, vector<1x16xf32>,
        %swap3A_509 = vector.shape_cast %swap3A_508 : vector<1x16xf32> to vector<16xf32>
        %swap3A_510 = vector.shape_cast %add3A_505 : vector<16xf32> to vector<1x16xf32>
        tpu.vector_store %arg9[%swap3A_506, %swap3A_507], %swap3A_510 {strides = array<i32>} : memref<16x512xf32, #tpu.memory_space<vmem>>, vector<1x16xf32>,
        %mul3A_511 = arith.constant 3 : i32
        %mul3A_512 = arith.muli %mul3A_511, %scan3A_26 : i32
        %get3A_513 = arith.index_cast %mul3A_512 : i32 to index
        %get3A_514 = arith.constant 144 : index
        %get3A_515 = tpu.vector_load %arg7[%get3A_513, %get3A_514] {strides = array<i32>} : memref<48x512xf32, #tpu.memory_space<vmem>>, vector<1x16xf32>,
        %get3A_516 = vector.shape_cast %get3A_515 : vector<1x16xf32> to vector<16xf32>
        %mul3A_517 = arith.constant 3 : i32
        %mul3A_518 = arith.muli %mul3A_517, %scan3A_26 : i32
        %get3A_519 = arith.index_cast %mul3A_518 : i32 to index
        %get3A_520 = arith.constant 0 : index
        %get3A_521 = tpu.vector_load %arg8[%get3A_519, %get3A_520] {strides = array<i32>} : memref<48x16xf32, #tpu.memory_space<vmem>>, vector<1x16xf32>,
        %get3A_522 = vector.shape_cast %get3A_521 : vector<1x16xf32> to vector<16xf32>
        %mul3A_523 = arith.mulf %get3A_516, %get3A_522 : vector<16xf32>
        %mul3A_524 = arith.constant 3 : i32
        %mul3A_525 = arith.muli %mul3A_524, %scan3A_26 : i32
        %add3A_526 = arith.constant 1 : i32
        %add3A_527 = arith.addi %mul3A_525, %add3A_526 : i32
        %get3A_528 = arith.index_cast %add3A_527 : i32 to index
        %get3A_529 = arith.constant 144 : index
        %get3A_530 = tpu.vector_load %arg7[%get3A_528, %get3A_529] {strides = array<i32>} : memref<48x512xf32, #tpu.memory_space<vmem>>, vector<1x16xf32>,
        %get3A_531 = vector.shape_cast %get3A_530 : vector<1x16xf32> to vector<16xf32>
        %mul3A_532 = arith.constant 3 : i32
        %mul3A_533 = arith.muli %mul3A_532, %scan3A_26 : i32
        %add3A_534 = arith.constant 1 : i32
        %add3A_535 = arith.addi %mul3A_533, %add3A_534 : i32
        %get3A_536 = arith.index_cast %add3A_535 : i32 to index
        %get3A_537 = arith.constant 0 : index
        %get3A_538 = tpu.vector_load %arg8[%get3A_536, %get3A_537] {strides = array<i32>} : memref<48x16xf32, #tpu.memory_space<vmem>>, vector<1x16xf32>,
        %get3A_539 = vector.shape_cast %get3A_538 : vector<1x16xf32> to vector<16xf32>
        %mul3A_540 = arith.mulf %get3A_531, %get3A_539 : vector<16xf32>
        %add3A_541 = arith.addf %mul3A_523, %mul3A_540 : vector<16xf32>
        %mul3A_542 = arith.constant 3 : i32
        %mul3A_543 = arith.muli %mul3A_542, %scan3A_26 : i32
        %add3A_544 = arith.constant 2 : i32
        %add3A_545 = arith.addi %mul3A_543, %add3A_544 : i32
        %get3A_546 = arith.index_cast %add3A_545 : i32 to index
        %get3A_547 = arith.constant 144 : index
        %get3A_548 = tpu.vector_load %arg7[%get3A_546, %get3A_547] {strides = array<i32>} : memref<48x512xf32, #tpu.memory_space<vmem>>, vector<1x16xf32>,
        %get3A_549 = vector.shape_cast %get3A_548 : vector<1x16xf32> to vector<16xf32>
        %mul3A_550 = arith.constant 3 : i32
        %mul3A_551 = arith.muli %mul3A_550, %scan3A_26 : i32
        %add3A_552 = arith.constant 2 : i32
        %add3A_553 = arith.addi %mul3A_551, %add3A_552 : i32
        %get3A_554 = arith.index_cast %add3A_553 : i32 to index
        %get3A_555 = arith.constant 0 : index
        %get3A_556 = tpu.vector_load %arg8[%get3A_554, %get3A_555] {strides = array<i32>} : memref<48x16xf32, #tpu.memory_space<vmem>>, vector<1x16xf32>,
        %get3A_557 = vector.shape_cast %get3A_556 : vector<1x16xf32> to vector<16xf32>
        %mul3A_558 = arith.mulf %get3A_549, %get3A_557 : vector<16xf32>
        %add3A_559 = arith.addf %add3A_541, %mul3A_558 : vector<16xf32>
        %swap3A_560 = arith.index_cast %scan3A_26 : i32 to index
        %swap3A_561 = arith.constant 144 : index
        %swap3A_562 = tpu.vector_load %arg9[%swap3A_560, %swap3A_561] {strides = array<i32>} : memref<16x512xf32, #tpu.memory_space<vmem>>, vector<1x16xf32>,
        %swap3A_563 = vector.shape_cast %swap3A_562 : vector<1x16xf32> to vector<16xf32>
        %swap3A_564 = vector.shape_cast %add3A_559 : vector<16xf32> to vector<1x16xf32>
        tpu.vector_store %arg9[%swap3A_560, %swap3A_561], %swap3A_564 {strides = array<i32>} : memref<16x512xf32, #tpu.memory_space<vmem>>, vector<1x16xf32>,
        %mul3A_565 = arith.constant 3 : i32
        %mul3A_566 = arith.muli %mul3A_565, %scan3A_26 : i32
        %get3A_567 = arith.index_cast %mul3A_566 : i32 to index
        %get3A_568 = arith.constant 160 : index
        %get3A_569 = tpu.vector_load %arg7[%get3A_567, %get3A_568] {strides = array<i32>} : memref<48x512xf32, #tpu.memory_space<vmem>>, vector<1x16xf32>,
        %get3A_570 = vector.shape_cast %get3A_569 : vector<1x16xf32> to vector<16xf32>
        %mul3A_571 = arith.constant 3 : i32
        %mul3A_572 = arith.muli %mul3A_571, %scan3A_26 : i32
        %get3A_573 = arith.index_cast %mul3A_572 : i32 to index
        %get3A_574 = arith.constant 0 : index
        %get3A_575 = tpu.vector_load %arg8[%get3A_573, %get3A_574] {strides = array<i32>} : memref<48x16xf32, #tpu.memory_space<vmem>>, vector<1x16xf32>,
        %get3A_576 = vector.shape_cast %get3A_575 : vector<1x16xf32> to vector<16xf32>
        %mul3A_577 = arith.mulf %get3A_570, %get3A_576 : vector<16xf32>
        %mul3A_578 = arith.constant 3 : i32
        %mul3A_579 = arith.muli %mul3A_578, %scan3A_26 : i32
        %add3A_580 = arith.constant 1 : i32
        %add3A_581 = arith.addi %mul3A_579, %add3A_580 : i32
        %get3A_582 = arith.index_cast %add3A_581 : i32 to index
        %get3A_583 = arith.constant 160 : index
        %get3A_584 = tpu.vector_load %arg7[%get3A_582, %get3A_583] {strides = array<i32>} : memref<48x512xf32, #tpu.memory_space<vmem>>, vector<1x16xf32>,
        %get3A_585 = vector.shape_cast %get3A_584 : vector<1x16xf32> to vector<16xf32>
        %mul3A_586 = arith.constant 3 : i32
        %mul3A_587 = arith.muli %mul3A_586, %scan3A_26 : i32
        %add3A_588 = arith.constant 1 : i32
        %add3A_589 = arith.addi %mul3A_587, %add3A_588 : i32
        %get3A_590 = arith.index_cast %add3A_589 : i32 to index
        %get3A_591 = arith.constant 0 : index
        %get3A_592 = tpu.vector_load %arg8[%get3A_590, %get3A_591] {strides = array<i32>} : memref<48x16xf32, #tpu.memory_space<vmem>>, vector<1x16xf32>,
        %get3A_593 = vector.shape_cast %get3A_592 : vector<1x16xf32> to vector<16xf32>
        %mul3A_594 = arith.mulf %get3A_585, %get3A_593 : vector<16xf32>
        %add3A_595 = arith.addf %mul3A_577, %mul3A_594 : vector<16xf32>
        %mul3A_596 = arith.constant 3 : i32
        %mul3A_597 = arith.muli %mul3A_596, %scan3A_26 : i32
        %add3A_598 = arith.constant 2 : i32
        %add3A_599 = arith.addi %mul3A_597, %add3A_598 : i32
        %get3A_600 = arith.index_cast %add3A_599 : i32 to index
        %get3A_601 = arith.constant 160 : index
        %get3A_602 = tpu.vector_load %arg7[%get3A_600, %get3A_601] {strides = array<i32>} : memref<48x512xf32, #tpu.memory_space<vmem>>, vector<1x16xf32>,
        %get3A_603 = vector.shape_cast %get3A_602 : vector<1x16xf32> to vector<16xf32>
        %mul3A_604 = arith.constant 3 : i32
        %mul3A_605 = arith.muli %mul3A_604, %scan3A_26 : i32
        %add3A_606 = arith.constant 2 : i32
        %add3A_607 = arith.addi %mul3A_605, %add3A_606 : i32
        %get3A_608 = arith.index_cast %add3A_607 : i32 to index
        %get3A_609 = arith.constant 0 : index
        %get3A_610 = tpu.vector_load %arg8[%get3A_608, %get3A_609] {strides = array<i32>} : memref<48x16xf32, #tpu.memory_space<vmem>>, vector<1x16xf32>,
        %get3A_611 = vector.shape_cast %get3A_610 : vector<1x16xf32> to vector<16xf32>
        %mul3A_612 = arith.mulf %get3A_603, %get3A_611 : vector<16xf32>
        %add3A_613 = arith.addf %add3A_595, %mul3A_612 : vector<16xf32>
        %swap3A_614 = arith.index_cast %scan3A_26 : i32 to index
        %swap3A_615 = arith.constant 160 : index
        %swap3A_616 = tpu.vector_load %arg9[%swap3A_614, %swap3A_615] {strides = array<i32>} : memref<16x512xf32, #tpu.memory_space<vmem>>, vector<1x16xf32>,
        %swap3A_617 = vector.shape_cast %swap3A_616 : vector<1x16xf32> to vector<16xf32>
        %swap3A_618 = vector.shape_cast %add3A_613 : vector<16xf32> to vector<1x16xf32>
        tpu.vector_store %arg9[%swap3A_614, %swap3A_615], %swap3A_618 {strides = array<i32>} : memref<16x512xf32, #tpu.memory_space<vmem>>, vector<1x16xf32>,
        %mul3A_619 = arith.constant 3 : i32
        %mul3A_620 = arith.muli %mul3A_619, %scan3A_26 : i32
        %get3A_621 = arith.index_cast %mul3A_620 : i32 to index
        %get3A_622 = arith.constant 176 : index
        %get3A_623 = tpu.vector_load %arg7[%get3A_621, %get3A_622] {strides = array<i32>} : memref<48x512xf32, #tpu.memory_space<vmem>>, vector<1x16xf32>,
        %get3A_624 = vector.shape_cast %get3A_623 : vector<1x16xf32> to vector<16xf32>
        %mul3A_625 = arith.constant 3 : i32
        %mul3A_626 = arith.muli %mul3A_625, %scan3A_26 : i32
        %get3A_627 = arith.index_cast %mul3A_626 : i32 to index
        %get3A_628 = arith.constant 0 : index
        %get3A_629 = tpu.vector_load %arg8[%get3A_627, %get3A_628] {strides = array<i32>} : memref<48x16xf32, #tpu.memory_space<vmem>>, vector<1x16xf32>,
        %get3A_630 = vector.shape_cast %get3A_629 : vector<1x16xf32> to vector<16xf32>
        %mul3A_631 = arith.mulf %get3A_624, %get3A_630 : vector<16xf32>
        %mul3A_632 = arith.constant 3 : i32
        %mul3A_633 = arith.muli %mul3A_632, %scan3A_26 : i32
        %add3A_634 = arith.constant 1 : i32
        %add3A_635 = arith.addi %mul3A_633, %add3A_634 : i32
        %get3A_636 = arith.index_cast %add3A_635 : i32 to index
        %get3A_637 = arith.constant 176 : index
        %get3A_638 = tpu.vector_load %arg7[%get3A_636, %get3A_637] {strides = array<i32>} : memref<48x512xf32, #tpu.memory_space<vmem>>, vector<1x16xf32>,
        %get3A_639 = vector.shape_cast %get3A_638 : vector<1x16xf32> to vector<16xf32>
        %mul3A_640 = arith.constant 3 : i32
        %mul3A_641 = arith.muli %mul3A_640, %scan3A_26 : i32
        %add3A_642 = arith.constant 1 : i32
        %add3A_643 = arith.addi %mul3A_641, %add3A_642 : i32
        %get3A_644 = arith.index_cast %add3A_643 : i32 to index
        %get3A_645 = arith.constant 0 : index
        %get3A_646 = tpu.vector_load %arg8[%get3A_644, %get3A_645] {strides = array<i32>} : memref<48x16xf32, #tpu.memory_space<vmem>>, vector<1x16xf32>,
        %get3A_647 = vector.shape_cast %get3A_646 : vector<1x16xf32> to vector<16xf32>
        %mul3A_648 = arith.mulf %get3A_639, %get3A_647 : vector<16xf32>
        %add3A_649 = arith.addf %mul3A_631, %mul3A_648 : vector<16xf32>
        %mul3A_650 = arith.constant 3 : i32
        %mul3A_651 = arith.muli %mul3A_650, %scan3A_26 : i32
        %add3A_652 = arith.constant 2 : i32
        %add3A_653 = arith.addi %mul3A_651, %add3A_652 : i32
        %get3A_654 = arith.index_cast %add3A_653 : i32 to index
        %get3A_655 = arith.constant 176 : index
        %get3A_656 = tpu.vector_load %arg7[%get3A_654, %get3A_655] {strides = array<i32>} : memref<48x512xf32, #tpu.memory_space<vmem>>, vector<1x16xf32>,
        %get3A_657 = vector.shape_cast %get3A_656 : vector<1x16xf32> to vector<16xf32>
        %mul3A_658 = arith.constant 3 : i32
        %mul3A_659 = arith.muli %mul3A_658, %scan3A_26 : i32
        %add3A_660 = arith.constant 2 : i32
        %add3A_661 = arith.addi %mul3A_659, %add3A_660 : i32
        %get3A_662 = arith.index_cast %add3A_661 : i32 to index
        %get3A_663 = arith.constant 0 : index
        %get3A_664 = tpu.vector_load %arg8[%get3A_662, %get3A_663] {strides = array<i32>} : memref<48x16xf32, #tpu.memory_space<vmem>>, vector<1x16xf32>,
        %get3A_665 = vector.shape_cast %get3A_664 : vector<1x16xf32> to vector<16xf32>
        %mul3A_666 = arith.mulf %get3A_657, %get3A_665 : vector<16xf32>
        %add3A_667 = arith.addf %add3A_649, %mul3A_666 : vector<16xf32>
        %swap3A_668 = arith.index_cast %scan3A_26 : i32 to index
        %swap3A_669 = arith.constant 176 : index
        %swap3A_670 = tpu.vector_load %arg9[%swap3A_668, %swap3A_669] {strides = array<i32>} : memref<16x512xf32, #tpu.memory_space<vmem>>, vector<1x16xf32>,
        %swap3A_671 = vector.shape_cast %swap3A_670 : vector<1x16xf32> to vector<16xf32>
        %swap3A_672 = vector.shape_cast %add3A_667 : vector<16xf32> to vector<1x16xf32>
        tpu.vector_store %arg9[%swap3A_668, %swap3A_669], %swap3A_672 {strides = array<i32>} : memref<16x512xf32, #tpu.memory_space<vmem>>, vector<1x16xf32>,
        %mul3A_673 = arith.constant 3 : i32
        %mul3A_674 = arith.muli %mul3A_673, %scan3A_26 : i32
        %get3A_675 = arith.index_cast %mul3A_674 : i32 to index
        %get3A_676 = arith.constant 192 : index
        %get3A_677 = tpu.vector_load %arg7[%get3A_675, %get3A_676] {strides = array<i32>} : memref<48x512xf32, #tpu.memory_space<vmem>>, vector<1x16xf32>,
        %get3A_678 = vector.shape_cast %get3A_677 : vector<1x16xf32> to vector<16xf32>
        %mul3A_679 = arith.constant 3 : i32
        %mul3A_680 = arith.muli %mul3A_679, %scan3A_26 : i32
        %get3A_681 = arith.index_cast %mul3A_680 : i32 to index
        %get3A_682 = arith.constant 0 : index
        %get3A_683 = tpu.vector_load %arg8[%get3A_681, %get3A_682] {strides = array<i32>} : memref<48x16xf32, #tpu.memory_space<vmem>>, vector<1x16xf32>,
        %get3A_684 = vector.shape_cast %get3A_683 : vector<1x16xf32> to vector<16xf32>
        %mul3A_685 = arith.mulf %get3A_678, %get3A_684 : vector<16xf32>
        %mul3A_686 = arith.constant 3 : i32
        %mul3A_687 = arith.muli %mul3A_686, %scan3A_26 : i32
        %add3A_688 = arith.constant 1 : i32
        %add3A_689 = arith.addi %mul3A_687, %add3A_688 : i32
        %get3A_690 = arith.index_cast %add3A_689 : i32 to index
        %get3A_691 = arith.constant 192 : index
        %get3A_692 = tpu.vector_load %arg7[%get3A_690, %get3A_691] {strides = array<i32>} : memref<48x512xf32, #tpu.memory_space<vmem>>, vector<1x16xf32>,
        %get3A_693 = vector.shape_cast %get3A_692 : vector<1x16xf32> to vector<16xf32>
        %mul3A_694 = arith.constant 3 : i32
        %mul3A_695 = arith.muli %mul3A_694, %scan3A_26 : i32
        %add3A_696 = arith.constant 1 : i32
        %add3A_697 = arith.addi %mul3A_695, %add3A_696 : i32
        %get3A_698 = arith.index_cast %add3A_697 : i32 to index
        %get3A_699 = arith.constant 0 : index
        %get3A_700 = tpu.vector_load %arg8[%get3A_698, %get3A_699] {strides = array<i32>} : memref<48x16xf32, #tpu.memory_space<vmem>>, vector<1x16xf32>,
        %get3A_701 = vector.shape_cast %get3A_700 : vector<1x16xf32> to vector<16xf32>
        %mul3A_702 = arith.mulf %get3A_693, %get3A_701 : vector<16xf32>
        %add3A_703 = arith.addf %mul3A_685, %mul3A_702 : vector<16xf32>
        %mul3A_704 = arith.constant 3 : i32
        %mul3A_705 = arith.muli %mul3A_704, %scan3A_26 : i32
        %add3A_706 = arith.constant 2 : i32
        %add3A_707 = arith.addi %mul3A_705, %add3A_706 : i32
        %get3A_708 = arith.index_cast %add3A_707 : i32 to index
        %get3A_709 = arith.constant 192 : index
        %get3A_710 = tpu.vector_load %arg7[%get3A_708, %get3A_709] {strides = array<i32>} : memref<48x512xf32, #tpu.memory_space<vmem>>, vector<1x16xf32>,
        %get3A_711 = vector.shape_cast %get3A_710 : vector<1x16xf32> to vector<16xf32>
        %mul3A_712 = arith.constant 3 : i32
        %mul3A_713 = arith.muli %mul3A_712, %scan3A_26 : i32
        %add3A_714 = arith.constant 2 : i32
        %add3A_715 = arith.addi %mul3A_713, %add3A_714 : i32
        %get3A_716 = arith.index_cast %add3A_715 : i32 to index
        %get3A_717 = arith.constant 0 : index
        %get3A_718 = tpu.vector_load %arg8[%get3A_716, %get3A_717] {strides = array<i32>} : memref<48x16xf32, #tpu.memory_space<vmem>>, vector<1x16xf32>,
        %get3A_719 = vector.shape_cast %get3A_718 : vector<1x16xf32> to vector<16xf32>
        %mul3A_720 = arith.mulf %get3A_711, %get3A_719 : vector<16xf32>
        %add3A_721 = arith.addf %add3A_703, %mul3A_720 : vector<16xf32>
        %swap3A_722 = arith.index_cast %scan3A_26 : i32 to index
        %swap3A_723 = arith.constant 192 : index
        %swap3A_724 = tpu.vector_load %arg9[%swap3A_722, %swap3A_723] {strides = array<i32>} : memref<16x512xf32, #tpu.memory_space<vmem>>, vector<1x16xf32>,
        %swap3A_725 = vector.shape_cast %swap3A_724 : vector<1x16xf32> to vector<16xf32>
        %swap3A_726 = vector.shape_cast %add3A_721 : vector<16xf32> to vector<1x16xf32>
        tpu.vector_store %arg9[%swap3A_722, %swap3A_723], %swap3A_726 {strides = array<i32>} : memref<16x512xf32, #tpu.memory_space<vmem>>, vector<1x16xf32>,
        %mul3A_727 = arith.constant 3 : i32
        %mul3A_728 = arith.muli %mul3A_727, %scan3A_26 : i32
        %get3A_729 = arith.index_cast %mul3A_728 : i32 to index
        %get3A_730 = arith.constant 208 : index
        %get3A_731 = tpu.vector_load %arg7[%get3A_729, %get3A_730] {strides = array<i32>} : memref<48x512xf32, #tpu.memory_space<vmem>>, vector<1x16xf32>,
        %get3A_732 = vector.shape_cast %get3A_731 : vector<1x16xf32> to vector<16xf32>
        %mul3A_733 = arith.constant 3 : i32
        %mul3A_734 = arith.muli %mul3A_733, %scan3A_26 : i32
        %get3A_735 = arith.index_cast %mul3A_734 : i32 to index
        %get3A_736 = arith.constant 0 : index
        %get3A_737 = tpu.vector_load %arg8[%get3A_735, %get3A_736] {strides = array<i32>} : memref<48x16xf32, #tpu.memory_space<vmem>>, vector<1x16xf32>,
        %get3A_738 = vector.shape_cast %get3A_737 : vector<1x16xf32> to vector<16xf32>
        %mul3A_739 = arith.mulf %get3A_732, %get3A_738 : vector<16xf32>
        %mul3A_740 = arith.constant 3 : i32
        %mul3A_741 = arith.muli %mul3A_740, %scan3A_26 : i32
        %add3A_742 = arith.constant 1 : i32
        %add3A_743 = arith.addi %mul3A_741, %add3A_742 : i32
        %get3A_744 = arith.index_cast %add3A_743 : i32 to index
        %get3A_745 = arith.constant 208 : index
        %get3A_746 = tpu.vector_load %arg7[%get3A_744, %get3A_745] {strides = array<i32>} : memref<48x512xf32, #tpu.memory_space<vmem>>, vector<1x16xf32>,
        %get3A_747 = vector.shape_cast %get3A_746 : vector<1x16xf32> to vector<16xf32>
        %mul3A_748 = arith.constant 3 : i32
        %mul3A_749 = arith.muli %mul3A_748, %scan3A_26 : i32
        %add3A_750 = arith.constant 1 : i32
        %add3A_751 = arith.addi %mul3A_749, %add3A_750 : i32
        %get3A_752 = arith.index_cast %add3A_751 : i32 to index
        %get3A_753 = arith.constant 0 : index
        %get3A_754 = tpu.vector_load %arg8[%get3A_752, %get3A_753] {strides = array<i32>} : memref<48x16xf32, #tpu.memory_space<vmem>>, vector<1x16xf32>,
        %get3A_755 = vector.shape_cast %get3A_754 : vector<1x16xf32> to vector<16xf32>
        %mul3A_756 = arith.mulf %get3A_747, %get3A_755 : vector<16xf32>
        %add3A_757 = arith.addf %mul3A_739, %mul3A_756 : vector<16xf32>
        %mul3A_758 = arith.constant 3 : i32
        %mul3A_759 = arith.muli %mul3A_758, %scan3A_26 : i32
        %add3A_760 = arith.constant 2 : i32
        %add3A_761 = arith.addi %mul3A_759, %add3A_760 : i32
        %get3A_762 = arith.index_cast %add3A_761 : i32 to index
        %get3A_763 = arith.constant 208 : index
        %get3A_764 = tpu.vector_load %arg7[%get3A_762, %get3A_763] {strides = array<i32>} : memref<48x512xf32, #tpu.memory_space<vmem>>, vector<1x16xf32>,
        %get3A_765 = vector.shape_cast %get3A_764 : vector<1x16xf32> to vector<16xf32>
        %mul3A_766 = arith.constant 3 : i32
        %mul3A_767 = arith.muli %mul3A_766, %scan3A_26 : i32
        %add3A_768 = arith.constant 2 : i32
        %add3A_769 = arith.addi %mul3A_767, %add3A_768 : i32
        %get3A_770 = arith.index_cast %add3A_769 : i32 to index
        %get3A_771 = arith.constant 0 : index
        %get3A_772 = tpu.vector_load %arg8[%get3A_770, %get3A_771] {strides = array<i32>} : memref<48x16xf32, #tpu.memory_space<vmem>>, vector<1x16xf32>,
        %get3A_773 = vector.shape_cast %get3A_772 : vector<1x16xf32> to vector<16xf32>
        %mul3A_774 = arith.mulf %get3A_765, %get3A_773 : vector<16xf32>
        %add3A_775 = arith.addf %add3A_757, %mul3A_774 : vector<16xf32>
        %swap3A_776 = arith.index_cast %scan3A_26 : i32 to index
        %swap3A_777 = arith.constant 208 : index
        %swap3A_778 = tpu.vector_load %arg9[%swap3A_776, %swap3A_777] {strides = array<i32>} : memref<16x512xf32, #tpu.memory_space<vmem>>, vector<1x16xf32>,
        %swap3A_779 = vector.shape_cast %swap3A_778 : vector<1x16xf32> to vector<16xf32>
        %swap3A_780 = vector.shape_cast %add3A_775 : vector<16xf32> to vector<1x16xf32>
        tpu.vector_store %arg9[%swap3A_776, %swap3A_777], %swap3A_780 {strides = array<i32>} : memref<16x512xf32, #tpu.memory_space<vmem>>, vector<1x16xf32>,
        %mul3A_781 = arith.constant 3 : i32
        %mul3A_782 = arith.muli %mul3A_781, %scan3A_26 : i32
        %get3A_783 = arith.index_cast %mul3A_782 : i32 to index
        %get3A_784 = arith.constant 224 : index
        %get3A_785 = tpu.vector_load %arg7[%get3A_783, %get3A_784] {strides = array<i32>} : memref<48x512xf32, #tpu.memory_space<vmem>>, vector<1x16xf32>,
        %get3A_786 = vector.shape_cast %get3A_785 : vector<1x16xf32> to vector<16xf32>
        %mul3A_787 = arith.constant 3 : i32
        %mul3A_788 = arith.muli %mul3A_787, %scan3A_26 : i32
        %get3A_789 = arith.index_cast %mul3A_788 : i32 to index
        %get3A_790 = arith.constant 0 : index
        %get3A_791 = tpu.vector_load %arg8[%get3A_789, %get3A_790] {strides = array<i32>} : memref<48x16xf32, #tpu.memory_space<vmem>>, vector<1x16xf32>,
        %get3A_792 = vector.shape_cast %get3A_791 : vector<1x16xf32> to vector<16xf32>
        %mul3A_793 = arith.mulf %get3A_786, %get3A_792 : vector<16xf32>
        %mul3A_794 = arith.constant 3 : i32
        %mul3A_795 = arith.muli %mul3A_794, %scan3A_26 : i32
        %add3A_796 = arith.constant 1 : i32
        %add3A_797 = arith.addi %mul3A_795, %add3A_796 : i32
        %get3A_798 = arith.index_cast %add3A_797 : i32 to index
        %get3A_799 = arith.constant 224 : index
        %get3A_800 = tpu.vector_load %arg7[%get3A_798, %get3A_799] {strides = array<i32>} : memref<48x512xf32, #tpu.memory_space<vmem>>, vector<1x16xf32>,
        %get3A_801 = vector.shape_cast %get3A_800 : vector<1x16xf32> to vector<16xf32>
        %mul3A_802 = arith.constant 3 : i32
        %mul3A_803 = arith.muli %mul3A_802, %scan3A_26 : i32
        %add3A_804 = arith.constant 1 : i32
        %add3A_805 = arith.addi %mul3A_803, %add3A_804 : i32
        %get3A_806 = arith.index_cast %add3A_805 : i32 to index
        %get3A_807 = arith.constant 0 : index
        %get3A_808 = tpu.vector_load %arg8[%get3A_806, %get3A_807] {strides = array<i32>} : memref<48x16xf32, #tpu.memory_space<vmem>>, vector<1x16xf32>,
        %get3A_809 = vector.shape_cast %get3A_808 : vector<1x16xf32> to vector<16xf32>
        %mul3A_810 = arith.mulf %get3A_801, %get3A_809 : vector<16xf32>
        %add3A_811 = arith.addf %mul3A_793, %mul3A_810 : vector<16xf32>
        %mul3A_812 = arith.constant 3 : i32
        %mul3A_813 = arith.muli %mul3A_812, %scan3A_26 : i32
        %add3A_814 = arith.constant 2 : i32
        %add3A_815 = arith.addi %mul3A_813, %add3A_814 : i32
        %get3A_816 = arith.index_cast %add3A_815 : i32 to index
        %get3A_817 = arith.constant 224 : index
        %get3A_818 = tpu.vector_load %arg7[%get3A_816, %get3A_817] {strides = array<i32>} : memref<48x512xf32, #tpu.memory_space<vmem>>, vector<1x16xf32>,
        %get3A_819 = vector.shape_cast %get3A_818 : vector<1x16xf32> to vector<16xf32>
        %mul3A_820 = arith.constant 3 : i32
        %mul3A_821 = arith.muli %mul3A_820, %scan3A_26 : i32
        %add3A_822 = arith.constant 2 : i32
        %add3A_823 = arith.addi %mul3A_821, %add3A_822 : i32
        %get3A_824 = arith.index_cast %add3A_823 : i32 to index
        %get3A_825 = arith.constant 0 : index
        %get3A_826 = tpu.vector_load %arg8[%get3A_824, %get3A_825] {strides = array<i32>} : memref<48x16xf32, #tpu.memory_space<vmem>>, vector<1x16xf32>,
        %get3A_827 = vector.shape_cast %get3A_826 : vector<1x16xf32> to vector<16xf32>
        %mul3A_828 = arith.mulf %get3A_819, %get3A_827 : vector<16xf32>
        %add3A_829 = arith.addf %add3A_811, %mul3A_828 : vector<16xf32>
        %swap3A_830 = arith.index_cast %scan3A_26 : i32 to index
        %swap3A_831 = arith.constant 224 : index
        %swap3A_832 = tpu.vector_load %arg9[%swap3A_830, %swap3A_831] {strides = array<i32>} : memref<16x512xf32, #tpu.memory_space<vmem>>, vector<1x16xf32>,
        %swap3A_833 = vector.shape_cast %swap3A_832 : vector<1x16xf32> to vector<16xf32>
        %swap3A_834 = vector.shape_cast %add3A_829 : vector<16xf32> to vector<1x16xf32>
        tpu.vector_store %arg9[%swap3A_830, %swap3A_831], %swap3A_834 {strides = array<i32>} : memref<16x512xf32, #tpu.memory_space<vmem>>, vector<1x16xf32>,
        %mul3A_835 = arith.constant 3 : i32
        %mul3A_836 = arith.muli %mul3A_835, %scan3A_26 : i32
        %get3A_837 = arith.index_cast %mul3A_836 : i32 to index
        %get3A_838 = arith.constant 240 : index
        %get3A_839 = tpu.vector_load %arg7[%get3A_837, %get3A_838] {strides = array<i32>} : memref<48x512xf32, #tpu.memory_space<vmem>>, vector<1x16xf32>,
        %get3A_840 = vector.shape_cast %get3A_839 : vector<1x16xf32> to vector<16xf32>
        %mul3A_841 = arith.constant 3 : i32
        %mul3A_842 = arith.muli %mul3A_841, %scan3A_26 : i32
        %get3A_843 = arith.index_cast %mul3A_842 : i32 to index
        %get3A_844 = arith.constant 0 : index
        %get3A_845 = tpu.vector_load %arg8[%get3A_843, %get3A_844] {strides = array<i32>} : memref<48x16xf32, #tpu.memory_space<vmem>>, vector<1x16xf32>,
        %get3A_846 = vector.shape_cast %get3A_845 : vector<1x16xf32> to vector<16xf32>
        %mul3A_847 = arith.mulf %get3A_840, %get3A_846 : vector<16xf32>
        %mul3A_848 = arith.constant 3 : i32
        %mul3A_849 = arith.muli %mul3A_848, %scan3A_26 : i32
        %add3A_850 = arith.constant 1 : i32
        %add3A_851 = arith.addi %mul3A_849, %add3A_850 : i32
        %get3A_852 = arith.index_cast %add3A_851 : i32 to index
        %get3A_853 = arith.constant 240 : index
        %get3A_854 = tpu.vector_load %arg7[%get3A_852, %get3A_853] {strides = array<i32>} : memref<48x512xf32, #tpu.memory_space<vmem>>, vector<1x16xf32>,
        %get3A_855 = vector.shape_cast %get3A_854 : vector<1x16xf32> to vector<16xf32>
        %mul3A_856 = arith.constant 3 : i32
        %mul3A_857 = arith.muli %mul3A_856, %scan3A_26 : i32
        %add3A_858 = arith.constant 1 : i32
        %add3A_859 = arith.addi %mul3A_857, %add3A_858 : i32
        %get3A_860 = arith.index_cast %add3A_859 : i32 to index
        %get3A_861 = arith.constant 0 : index
        %get3A_862 = tpu.vector_load %arg8[%get3A_860, %get3A_861] {strides = array<i32>} : memref<48x16xf32, #tpu.memory_space<vmem>>, vector<1x16xf32>,
        %get3A_863 = vector.shape_cast %get3A_862 : vector<1x16xf32> to vector<16xf32>
        %mul3A_864 = arith.mulf %get3A_855, %get3A_863 : vector<16xf32>
        %add3A_865 = arith.addf %mul3A_847, %mul3A_864 : vector<16xf32>
        %mul3A_866 = arith.constant 3 : i32
        %mul3A_867 = arith.muli %mul3A_866, %scan3A_26 : i32
        %add3A_868 = arith.constant 2 : i32
        %add3A_869 = arith.addi %mul3A_867, %add3A_868 : i32
        %get3A_870 = arith.index_cast %add3A_869 : i32 to index
        %get3A_871 = arith.constant 240 : index
        %get3A_872 = tpu.vector_load %arg7[%get3A_870, %get3A_871] {strides = array<i32>} : memref<48x512xf32, #tpu.memory_space<vmem>>, vector<1x16xf32>,
        %get3A_873 = vector.shape_cast %get3A_872 : vector<1x16xf32> to vector<16xf32>
        %mul3A_874 = arith.constant 3 : i32
        %mul3A_875 = arith.muli %mul3A_874, %scan3A_26 : i32
        %add3A_876 = arith.constant 2 : i32
        %add3A_877 = arith.addi %mul3A_875, %add3A_876 : i32
        %get3A_878 = arith.index_cast %add3A_877 : i32 to index
        %get3A_879 = arith.constant 0 : index
        %get3A_880 = tpu.vector_load %arg8[%get3A_878, %get3A_879] {strides = array<i32>} : memref<48x16xf32, #tpu.memory_space<vmem>>, vector<1x16xf32>,
        %get3A_881 = vector.shape_cast %get3A_880 : vector<1x16xf32> to vector<16xf32>
        %mul3A_882 = arith.mulf %get3A_873, %get3A_881 : vector<16xf32>
        %add3A_883 = arith.addf %add3A_865, %mul3A_882 : vector<16xf32>
        %swap3A_884 = arith.index_cast %scan3A_26 : i32 to index
        %swap3A_885 = arith.constant 240 : index
        %swap3A_886 = tpu.vector_load %arg9[%swap3A_884, %swap3A_885] {strides = array<i32>} : memref<16x512xf32, #tpu.memory_space<vmem>>, vector<1x16xf32>,
        %swap3A_887 = vector.shape_cast %swap3A_886 : vector<1x16xf32> to vector<16xf32>
        %swap3A_888 = vector.shape_cast %add3A_883 : vector<16xf32> to vector<1x16xf32>
        tpu.vector_store %arg9[%swap3A_884, %swap3A_885], %swap3A_888 {strides = array<i32>} : memref<16x512xf32, #tpu.memory_space<vmem>>, vector<1x16xf32>,
        %mul3A_889 = arith.constant 3 : i32
        %mul3A_890 = arith.muli %mul3A_889, %scan3A_26 : i32
        %get3A_891 = arith.index_cast %mul3A_890 : i32 to index
        %get3A_892 = arith.constant 256 : index
        %get3A_893 = tpu.vector_load %arg7[%get3A_891, %get3A_892] {strides = array<i32>} : memref<48x512xf32, #tpu.memory_space<vmem>>, vector<1x16xf32>,
        %get3A_894 = vector.shape_cast %get3A_893 : vector<1x16xf32> to vector<16xf32>
        %mul3A_895 = arith.constant 3 : i32
        %mul3A_896 = arith.muli %mul3A_895, %scan3A_26 : i32
        %get3A_897 = arith.index_cast %mul3A_896 : i32 to index
        %get3A_898 = arith.constant 0 : index
        %get3A_899 = tpu.vector_load %arg8[%get3A_897, %get3A_898] {strides = array<i32>} : memref<48x16xf32, #tpu.memory_space<vmem>>, vector<1x16xf32>,
        %get3A_900 = vector.shape_cast %get3A_899 : vector<1x16xf32> to vector<16xf32>
        %mul3A_901 = arith.mulf %get3A_894, %get3A_900 : vector<16xf32>
        %mul3A_902 = arith.constant 3 : i32
        %mul3A_903 = arith.muli %mul3A_902, %scan3A_26 : i32
        %add3A_904 = arith.constant 1 : i32
        %add3A_905 = arith.addi %mul3A_903, %add3A_904 : i32
        %get3A_906 = arith.index_cast %add3A_905 : i32 to index
        %get3A_907 = arith.constant 256 : index
        %get3A_908 = tpu.vector_load %arg7[%get3A_906, %get3A_907] {strides = array<i32>} : memref<48x512xf32, #tpu.memory_space<vmem>>, vector<1x16xf32>,
        %get3A_909 = vector.shape_cast %get3A_908 : vector<1x16xf32> to vector<16xf32>
        %mul3A_910 = arith.constant 3 : i32
        %mul3A_911 = arith.muli %mul3A_910, %scan3A_26 : i32
        %add3A_912 = arith.constant 1 : i32
        %add3A_913 = arith.addi %mul3A_911, %add3A_912 : i32
        %get3A_914 = arith.index_cast %add3A_913 : i32 to index
        %get3A_915 = arith.constant 0 : index
        %get3A_916 = tpu.vector_load %arg8[%get3A_914, %get3A_915] {strides = array<i32>} : memref<48x16xf32, #tpu.memory_space<vmem>>, vector<1x16xf32>,
        %get3A_917 = vector.shape_cast %get3A_916 : vector<1x16xf32> to vector<16xf32>
        %mul3A_918 = arith.mulf %get3A_909, %get3A_917 : vector<16xf32>
        %add3A_919 = arith.addf %mul3A_901, %mul3A_918 : vector<16xf32>
        %mul3A_920 = arith.constant 3 : i32
        %mul3A_921 = arith.muli %mul3A_920, %scan3A_26 : i32
        %add3A_922 = arith.constant 2 : i32
        %add3A_923 = arith.addi %mul3A_921, %add3A_922 : i32
        %get3A_924 = arith.index_cast %add3A_923 : i32 to index
        %get3A_925 = arith.constant 256 : index
        %get3A_926 = tpu.vector_load %arg7[%get3A_924, %get3A_925] {strides = array<i32>} : memref<48x512xf32, #tpu.memory_space<vmem>>, vector<1x16xf32>,
        %get3A_927 = vector.shape_cast %get3A_926 : vector<1x16xf32> to vector<16xf32>
        %mul3A_928 = arith.constant 3 : i32
        %mul3A_929 = arith.muli %mul3A_928, %scan3A_26 : i32
        %add3A_930 = arith.constant 2 : i32
        %add3A_931 = arith.addi %mul3A_929, %add3A_930 : i32
        %get3A_932 = arith.index_cast %add3A_931 : i32 to index
        %get3A_933 = arith.constant 0 : index
        %get3A_934 = tpu.vector_load %arg8[%get3A_932, %get3A_933] {strides = array<i32>} : memref<48x16xf32, #tpu.memory_space<vmem>>, vector<1x16xf32>,
        %get3A_935 = vector.shape_cast %get3A_934 : vector<1x16xf32> to vector<16xf32>
        %mul3A_936 = arith.mulf %get3A_927, %get3A_935 : vector<16xf32>
        %add3A_937 = arith.addf %add3A_919, %mul3A_936 : vector<16xf32>
        %swap3A_938 = arith.index_cast %scan3A_26 : i32 to index
        %swap3A_939 = arith.constant 256 : index
        %swap3A_940 = tpu.vector_load %arg9[%swap3A_938, %swap3A_939] {strides = array<i32>} : memref<16x512xf32, #tpu.memory_space<vmem>>, vector<1x16xf32>,
        %swap3A_941 = vector.shape_cast %swap3A_940 : vector<1x16xf32> to vector<16xf32>
        %swap3A_942 = vector.shape_cast %add3A_937 : vector<16xf32> to vector<1x16xf32>
        tpu.vector_store %arg9[%swap3A_938, %swap3A_939], %swap3A_942 {strides = array<i32>} : memref<16x512xf32, #tpu.memory_space<vmem>>, vector<1x16xf32>,
        %mul3A_943 = arith.constant 3 : i32
        %mul3A_944 = arith.muli %mul3A_943, %scan3A_26 : i32
        %get3A_945 = arith.index_cast %mul3A_944 : i32 to index
        %get3A_946 = arith.constant 272 : index
        %get3A_947 = tpu.vector_load %arg7[%get3A_945, %get3A_946] {strides = array<i32>} : memref<48x512xf32, #tpu.memory_space<vmem>>, vector<1x16xf32>,
        %get3A_948 = vector.shape_cast %get3A_947 : vector<1x16xf32> to vector<16xf32>
        %mul3A_949 = arith.constant 3 : i32
        %mul3A_950 = arith.muli %mul3A_949, %scan3A_26 : i32
        %get3A_951 = arith.index_cast %mul3A_950 : i32 to index
        %get3A_952 = arith.constant 0 : index
        %get3A_953 = tpu.vector_load %arg8[%get3A_951, %get3A_952] {strides = array<i32>} : memref<48x16xf32, #tpu.memory_space<vmem>>, vector<1x16xf32>,
        %get3A_954 = vector.shape_cast %get3A_953 : vector<1x16xf32> to vector<16xf32>
        %mul3A_955 = arith.mulf %get3A_948, %get3A_954 : vector<16xf32>
        %mul3A_956 = arith.constant 3 : i32
        %mul3A_957 = arith.muli %mul3A_956, %scan3A_26 : i32
        %add3A_958 = arith.constant 1 : i32
        %add3A_959 = arith.addi %mul3A_957, %add3A_958 : i32
        %get3A_960 = arith.index_cast %add3A_959 : i32 to index
        %get3A_961 = arith.constant 272 : index
        %get3A_962 = tpu.vector_load %arg7[%get3A_960, %get3A_961] {strides = array<i32>} : memref<48x512xf32, #tpu.memory_space<vmem>>, vector<1x16xf32>,
        %get3A_963 = vector.shape_cast %get3A_962 : vector<1x16xf32> to vector<16xf32>
        %mul3A_964 = arith.constant 3 : i32
        %mul3A_965 = arith.muli %mul3A_964, %scan3A_26 : i32
        %add3A_966 = arith.constant 1 : i32
        %add3A_967 = arith.addi %mul3A_965, %add3A_966 : i32
        %get3A_968 = arith.index_cast %add3A_967 : i32 to index
        %get3A_969 = arith.constant 0 : index
        %get3A_970 = tpu.vector_load %arg8[%get3A_968, %get3A_969] {strides = array<i32>} : memref<48x16xf32, #tpu.memory_space<vmem>>, vector<1x16xf32>,
        %get3A_971 = vector.shape_cast %get3A_970 : vector<1x16xf32> to vector<16xf32>
        %mul3A_972 = arith.mulf %get3A_963, %get3A_971 : vector<16xf32>
        %add3A_973 = arith.addf %mul3A_955, %mul3A_972 : vector<16xf32>
        %mul3A_974 = arith.constant 3 : i32
        %mul3A_975 = arith.muli %mul3A_974, %scan3A_26 : i32
        %add3A_976 = arith.constant 2 : i32
        %add3A_977 = arith.addi %mul3A_975, %add3A_976 : i32
        %get3A_978 = arith.index_cast %add3A_977 : i32 to index
        %get3A_979 = arith.constant 272 : index
        %get3A_980 = tpu.vector_load %arg7[%get3A_978, %get3A_979] {strides = array<i32>} : memref<48x512xf32, #tpu.memory_space<vmem>>, vector<1x16xf32>,
        %get3A_981 = vector.shape_cast %get3A_980 : vector<1x16xf32> to vector<16xf32>
        %mul3A_982 = arith.constant 3 : i32
        %mul3A_983 = arith.muli %mul3A_982, %scan3A_26 : i32
        %add3A_984 = arith.constant 2 : i32
        %add3A_985 = arith.addi %mul3A_983, %add3A_984 : i32
        %get3A_986 = arith.index_cast %add3A_985 : i32 to index
        %get3A_987 = arith.constant 0 : index
        %get3A_988 = tpu.vector_load %arg8[%get3A_986, %get3A_987] {strides = array<i32>} : memref<48x16xf32, #tpu.memory_space<vmem>>, vector<1x16xf32>,
        %get3A_989 = vector.shape_cast %get3A_988 : vector<1x16xf32> to vector<16xf32>
        %mul3A_990 = arith.mulf %get3A_981, %get3A_989 : vector<16xf32>
        %add3A_991 = arith.addf %add3A_973, %mul3A_990 : vector<16xf32>
        %swap3A_992 = arith.index_cast %scan3A_26 : i32 to index
        %swap3A_993 = arith.constant 272 : index
        %swap3A_994 = tpu.vector_load %arg9[%swap3A_992, %swap3A_993] {strides = array<i32>} : memref<16x512xf32, #tpu.memory_space<vmem>>, vector<1x16xf32>,
        %swap3A_995 = vector.shape_cast %swap3A_994 : vector<1x16xf32> to vector<16xf32>
        %swap3A_996 = vector.shape_cast %add3A_991 : vector<16xf32> to vector<1x16xf32>
        tpu.vector_store %arg9[%swap3A_992, %swap3A_993], %swap3A_996 {strides = array<i32>} : memref<16x512xf32, #tpu.memory_space<vmem>>, vector<1x16xf32>,
        %mul3A_997 = arith.constant 3 : i32
        %mul3A_998 = arith.muli %mul3A_997, %scan3A_26 : i32
        %get3A_999 = arith.index_cast %mul3A_998 : i32 to index
        %get3A_1000 = arith.constant 288 : index
        %get3A_1001 = tpu.vector_load %arg7[%get3A_999, %get3A_1000] {strides = array<i32>} : memref<48x512xf32, #tpu.memory_space<vmem>>, vector<1x16xf32>,
        %get3A_1002 = vector.shape_cast %get3A_1001 : vector<1x16xf32> to vector<16xf32>
        %mul3A_1003 = arith.constant 3 : i32
        %mul3A_1004 = arith.muli %mul3A_1003, %scan3A_26 : i32
        %get3A_1005 = arith.index_cast %mul3A_1004 : i32 to index
        %get3A_1006 = arith.constant 0 : index
        %get3A_1007 = tpu.vector_load %arg8[%get3A_1005, %get3A_1006] {strides = array<i32>} : memref<48x16xf32, #tpu.memory_space<vmem>>, vector<1x16xf32>,
        %get3A_1008 = vector.shape_cast %get3A_1007 : vector<1x16xf32> to vector<16xf32>
        %mul3A_1009 = arith.mulf %get3A_1002, %get3A_1008 : vector<16xf32>
        %mul3A_1010 = arith.constant 3 : i32
        %mul3A_1011 = arith.muli %mul3A_1010, %scan3A_26 : i32
        %add3A_1012 = arith.constant 1 : i32
        %add3A_1013 = arith.addi %mul3A_1011, %add3A_1012 : i32
        %get3A_1014 = arith.index_cast %add3A_1013 : i32 to index
        %get3A_1015 = arith.constant 288 : index
        %get3A_1016 = tpu.vector_load %arg7[%get3A_1014, %get3A_1015] {strides = array<i32>} : memref<48x512xf32, #tpu.memory_space<vmem>>, vector<1x16xf32>,
        %get3A_1017 = vector.shape_cast %get3A_1016 : vector<1x16xf32> to vector<16xf32>
        %mul3A_1018 = arith.constant 3 : i32
        %mul3A_1019 = arith.muli %mul3A_1018, %scan3A_26 : i32
        %add3A_1020 = arith.constant 1 : i32
        %add3A_1021 = arith.addi %mul3A_1019, %add3A_1020 : i32
        %get3A_1022 = arith.index_cast %add3A_1021 : i32 to index
        %get3A_1023 = arith.constant 0 : index
        %get3A_1024 = tpu.vector_load %arg8[%get3A_1022, %get3A_1023] {strides = array<i32>} : memref<48x16xf32, #tpu.memory_space<vmem>>, vector<1x16xf32>,
        %get3A_1025 = vector.shape_cast %get3A_1024 : vector<1x16xf32> to vector<16xf32>
        %mul3A_1026 = arith.mulf %get3A_1017, %get3A_1025 : vector<16xf32>
        %add3A_1027 = arith.addf %mul3A_1009, %mul3A_1026 : vector<16xf32>
        %mul3A_1028 = arith.constant 3 : i32
        %mul3A_1029 = arith.muli %mul3A_1028, %scan3A_26 : i32
        %add3A_1030 = arith.constant 2 : i32
        %add3A_1031 = arith.addi %mul3A_1029, %add3A_1030 : i32
        %get3A_1032 = arith.index_cast %add3A_1031 : i32 to index
        %get3A_1033 = arith.constant 288 : index
        %get3A_1034 = tpu.vector_load %arg7[%get3A_1032, %get3A_1033] {strides = array<i32>} : memref<48x512xf32, #tpu.memory_space<vmem>>, vector<1x16xf32>,
        %get3A_1035 = vector.shape_cast %get3A_1034 : vector<1x16xf32> to vector<16xf32>
        %mul3A_1036 = arith.constant 3 : i32
        %mul3A_1037 = arith.muli %mul3A_1036, %scan3A_26 : i32
        %add3A_1038 = arith.constant 2 : i32
        %add3A_1039 = arith.addi %mul3A_1037, %add3A_1038 : i32
        %get3A_1040 = arith.index_cast %add3A_1039 : i32 to index
        %get3A_1041 = arith.constant 0 : index
        %get3A_1042 = tpu.vector_load %arg8[%get3A_1040, %get3A_1041] {strides = array<i32>} : memref<48x16xf32, #tpu.memory_space<vmem>>, vector<1x16xf32>,
        %get3A_1043 = vector.shape_cast %get3A_1042 : vector<1x16xf32> to vector<16xf32>
        %mul3A_1044 = arith.mulf %get3A_1035, %get3A_1043 : vector<16xf32>
        %add3A_1045 = arith.addf %add3A_1027, %mul3A_1044 : vector<16xf32>
        %swap3A_1046 = arith.index_cast %scan3A_26 : i32 to index
        %swap3A_1047 = arith.constant 288 : index
        %swap3A_1048 = tpu.vector_load %arg9[%swap3A_1046, %swap3A_1047] {strides = array<i32>} : memref<16x512xf32, #tpu.memory_space<vmem>>, vector<1x16xf32>,
        %swap3A_1049 = vector.shape_cast %swap3A_1048 : vector<1x16xf32> to vector<16xf32>
        %swap3A_1050 = vector.shape_cast %add3A_1045 : vector<16xf32> to vector<1x16xf32>
        tpu.vector_store %arg9[%swap3A_1046, %swap3A_1047], %swap3A_1050 {strides = array<i32>} : memref<16x512xf32, #tpu.memory_space<vmem>>, vector<1x16xf32>,
        %mul3A_1051 = arith.constant 3 : i32
        %mul3A_1052 = arith.muli %mul3A_1051, %scan3A_26 : i32
        %get3A_1053 = arith.index_cast %mul3A_1052 : i32 to index
        %get3A_1054 = arith.constant 304 : index
        %get3A_1055 = tpu.vector_load %arg7[%get3A_1053, %get3A_1054] {strides = array<i32>} : memref<48x512xf32, #tpu.memory_space<vmem>>, vector<1x16xf32>,
        %get3A_1056 = vector.shape_cast %get3A_1055 : vector<1x16xf32> to vector<16xf32>
        %mul3A_1057 = arith.constant 3 : i32
        %mul3A_1058 = arith.muli %mul3A_1057, %scan3A_26 : i32
        %get3A_1059 = arith.index_cast %mul3A_1058 : i32 to index
        %get3A_1060 = arith.constant 0 : index
        %get3A_1061 = tpu.vector_load %arg8[%get3A_1059, %get3A_1060] {strides = array<i32>} : memref<48x16xf32, #tpu.memory_space<vmem>>, vector<1x16xf32>,
        %get3A_1062 = vector.shape_cast %get3A_1061 : vector<1x16xf32> to vector<16xf32>
        %mul3A_1063 = arith.mulf %get3A_1056, %get3A_1062 : vector<16xf32>
        %mul3A_1064 = arith.constant 3 : i32
        %mul3A_1065 = arith.muli %mul3A_1064, %scan3A_26 : i32
        %add3A_1066 = arith.constant 1 : i32
        %add3A_1067 = arith.addi %mul3A_1065, %add3A_1066 : i32
        %get3A_1068 = arith.index_cast %add3A_1067 : i32 to index
        %get3A_1069 = arith.constant 304 : index
        %get3A_1070 = tpu.vector_load %arg7[%get3A_1068, %get3A_1069] {strides = array<i32>} : memref<48x512xf32, #tpu.memory_space<vmem>>, vector<1x16xf32>,
        %get3A_1071 = vector.shape_cast %get3A_1070 : vector<1x16xf32> to vector<16xf32>
        %mul3A_1072 = arith.constant 3 : i32
        %mul3A_1073 = arith.muli %mul3A_1072, %scan3A_26 : i32
        %add3A_1074 = arith.constant 1 : i32
        %add3A_1075 = arith.addi %mul3A_1073, %add3A_1074 : i32
        %get3A_1076 = arith.index_cast %add3A_1075 : i32 to index
        %get3A_1077 = arith.constant 0 : index
        %get3A_1078 = tpu.vector_load %arg8[%get3A_1076, %get3A_1077] {strides = array<i32>} : memref<48x16xf32, #tpu.memory_space<vmem>>, vector<1x16xf32>,
        %get3A_1079 = vector.shape_cast %get3A_1078 : vector<1x16xf32> to vector<16xf32>
        %mul3A_1080 = arith.mulf %get3A_1071, %get3A_1079 : vector<16xf32>
        %add3A_1081 = arith.addf %mul3A_1063, %mul3A_1080 : vector<16xf32>
        %mul3A_1082 = arith.constant 3 : i32
        %mul3A_1083 = arith.muli %mul3A_1082, %scan3A_26 : i32
        %add3A_1084 = arith.constant 2 : i32
        %add3A_1085 = arith.addi %mul3A_1083, %add3A_1084 : i32
        %get3A_1086 = arith.index_cast %add3A_1085 : i32 to index
        %get3A_1087 = arith.constant 304 : index
        %get3A_1088 = tpu.vector_load %arg7[%get3A_1086, %get3A_1087] {strides = array<i32>} : memref<48x512xf32, #tpu.memory_space<vmem>>, vector<1x16xf32>,
        %get3A_1089 = vector.shape_cast %get3A_1088 : vector<1x16xf32> to vector<16xf32>
        %mul3A_1090 = arith.constant 3 : i32
        %mul3A_1091 = arith.muli %mul3A_1090, %scan3A_26 : i32
        %add3A_1092 = arith.constant 2 : i32
        %add3A_1093 = arith.addi %mul3A_1091, %add3A_1092 : i32
        %get3A_1094 = arith.index_cast %add3A_1093 : i32 to index
        %get3A_1095 = arith.constant 0 : index
        %get3A_1096 = tpu.vector_load %arg8[%get3A_1094, %get3A_1095] {strides = array<i32>} : memref<48x16xf32, #tpu.memory_space<vmem>>, vector<1x16xf32>,
        %get3A_1097 = vector.shape_cast %get3A_1096 : vector<1x16xf32> to vector<16xf32>
        %mul3A_1098 = arith.mulf %get3A_1089, %get3A_1097 : vector<16xf32>
        %add3A_1099 = arith.addf %add3A_1081, %mul3A_1098 : vector<16xf32>
        %swap3A_1100 = arith.index_cast %scan3A_26 : i32 to index
        %swap3A_1101 = arith.constant 304 : index
        %swap3A_1102 = tpu.vector_load %arg9[%swap3A_1100, %swap3A_1101] {strides = array<i32>} : memref<16x512xf32, #tpu.memory_space<vmem>>, vector<1x16xf32>,
        %swap3A_1103 = vector.shape_cast %swap3A_1102 : vector<1x16xf32> to vector<16xf32>
        %swap3A_1104 = vector.shape_cast %add3A_1099 : vector<16xf32> to vector<1x16xf32>
        tpu.vector_store %arg9[%swap3A_1100, %swap3A_1101], %swap3A_1104 {strides = array<i32>} : memref<16x512xf32, #tpu.memory_space<vmem>>, vector<1x16xf32>,
        %mul3A_1105 = arith.constant 3 : i32
        %mul3A_1106 = arith.muli %mul3A_1105, %scan3A_26 : i32
        %get3A_1107 = arith.index_cast %mul3A_1106 : i32 to index
        %get3A_1108 = arith.constant 320 : index
        %get3A_1109 = tpu.vector_load %arg7[%get3A_1107, %get3A_1108] {strides = array<i32>} : memref<48x512xf32, #tpu.memory_space<vmem>>, vector<1x16xf32>,
        %get3A_1110 = vector.shape_cast %get3A_1109 : vector<1x16xf32> to vector<16xf32>
        %mul3A_1111 = arith.constant 3 : i32
        %mul3A_1112 = arith.muli %mul3A_1111, %scan3A_26 : i32
        %get3A_1113 = arith.index_cast %mul3A_1112 : i32 to index
        %get3A_1114 = arith.constant 0 : index
        %get3A_1115 = tpu.vector_load %arg8[%get3A_1113, %get3A_1114] {strides = array<i32>} : memref<48x16xf32, #tpu.memory_space<vmem>>, vector<1x16xf32>,
        %get3A_1116 = vector.shape_cast %get3A_1115 : vector<1x16xf32> to vector<16xf32>
        %mul3A_1117 = arith.mulf %get3A_1110, %get3A_1116 : vector<16xf32>
        %mul3A_1118 = arith.constant 3 : i32
        %mul3A_1119 = arith.muli %mul3A_1118, %scan3A_26 : i32
        %add3A_1120 = arith.constant 1 : i32
        %add3A_1121 = arith.addi %mul3A_1119, %add3A_1120 : i32
        %get3A_1122 = arith.index_cast %add3A_1121 : i32 to index
        %get3A_1123 = arith.constant 320 : index
        %get3A_1124 = tpu.vector_load %arg7[%get3A_1122, %get3A_1123] {strides = array<i32>} : memref<48x512xf32, #tpu.memory_space<vmem>>, vector<1x16xf32>,
        %get3A_1125 = vector.shape_cast %get3A_1124 : vector<1x16xf32> to vector<16xf32>
        %mul3A_1126 = arith.constant 3 : i32
        %mul3A_1127 = arith.muli %mul3A_1126, %scan3A_26 : i32
        %add3A_1128 = arith.constant 1 : i32
        %add3A_1129 = arith.addi %mul3A_1127, %add3A_1128 : i32
        %get3A_1130 = arith.index_cast %add3A_1129 : i32 to index
        %get3A_1131 = arith.constant 0 : index
        %get3A_1132 = tpu.vector_load %arg8[%get3A_1130, %get3A_1131] {strides = array<i32>} : memref<48x16xf32, #tpu.memory_space<vmem>>, vector<1x16xf32>,
        %get3A_1133 = vector.shape_cast %get3A_1132 : vector<1x16xf32> to vector<16xf32>
        %mul3A_1134 = arith.mulf %get3A_1125, %get3A_1133 : vector<16xf32>
        %add3A_1135 = arith.addf %mul3A_1117, %mul3A_1134 : vector<16xf32>
        %mul3A_1136 = arith.constant 3 : i32
        %mul3A_1137 = arith.muli %mul3A_1136, %scan3A_26 : i32
        %add3A_1138 = arith.constant 2 : i32
        %add3A_1139 = arith.addi %mul3A_1137, %add3A_1138 : i32
        %get3A_1140 = arith.index_cast %add3A_1139 : i32 to index
        %get3A_1141 = arith.constant 320 : index
        %get3A_1142 = tpu.vector_load %arg7[%get3A_1140, %get3A_1141] {strides = array<i32>} : memref<48x512xf32, #tpu.memory_space<vmem>>, vector<1x16xf32>,
        %get3A_1143 = vector.shape_cast %get3A_1142 : vector<1x16xf32> to vector<16xf32>
        %mul3A_1144 = arith.constant 3 : i32
        %mul3A_1145 = arith.muli %mul3A_1144, %scan3A_26 : i32
        %add3A_1146 = arith.constant 2 : i32
        %add3A_1147 = arith.addi %mul3A_1145, %add3A_1146 : i32
        %get3A_1148 = arith.index_cast %add3A_1147 : i32 to index
        %get3A_1149 = arith.constant 0 : index
        %get3A_1150 = tpu.vector_load %arg8[%get3A_1148, %get3A_1149] {strides = array<i32>} : memref<48x16xf32, #tpu.memory_space<vmem>>, vector<1x16xf32>,
        %get3A_1151 = vector.shape_cast %get3A_1150 : vector<1x16xf32> to vector<16xf32>
        %mul3A_1152 = arith.mulf %get3A_1143, %get3A_1151 : vector<16xf32>
        %add3A_1153 = arith.addf %add3A_1135, %mul3A_1152 : vector<16xf32>
        %swap3A_1154 = arith.index_cast %scan3A_26 : i32 to index
        %swap3A_1155 = arith.constant 320 : index
        %swap3A_1156 = tpu.vector_load %arg9[%swap3A_1154, %swap3A_1155] {strides = array<i32>} : memref<16x512xf32, #tpu.memory_space<vmem>>, vector<1x16xf32>,
        %swap3A_1157 = vector.shape_cast %swap3A_1156 : vector<1x16xf32> to vector<16xf32>
        %swap3A_1158 = vector.shape_cast %add3A_1153 : vector<16xf32> to vector<1x16xf32>
        tpu.vector_store %arg9[%swap3A_1154, %swap3A_1155], %swap3A_1158 {strides = array<i32>} : memref<16x512xf32, #tpu.memory_space<vmem>>, vector<1x16xf32>,
        %mul3A_1159 = arith.constant 3 : i32
        %mul3A_1160 = arith.muli %mul3A_1159, %scan3A_26 : i32
        %get3A_1161 = arith.index_cast %mul3A_1160 : i32 to index
        %get3A_1162 = arith.constant 336 : index
        %get3A_1163 = tpu.vector_load %arg7[%get3A_1161, %get3A_1162] {strides = array<i32>} : memref<48x512xf32, #tpu.memory_space<vmem>>, vector<1x16xf32>,
        %get3A_1164 = vector.shape_cast %get3A_1163 : vector<1x16xf32> to vector<16xf32>
        %mul3A_1165 = arith.constant 3 : i32
        %mul3A_1166 = arith.muli %mul3A_1165, %scan3A_26 : i32
        %get3A_1167 = arith.index_cast %mul3A_1166 : i32 to index
        %get3A_1168 = arith.constant 0 : index
        %get3A_1169 = tpu.vector_load %arg8[%get3A_1167, %get3A_1168] {strides = array<i32>} : memref<48x16xf32, #tpu.memory_space<vmem>>, vector<1x16xf32>,
        %get3A_1170 = vector.shape_cast %get3A_1169 : vector<1x16xf32> to vector<16xf32>
        %mul3A_1171 = arith.mulf %get3A_1164, %get3A_1170 : vector<16xf32>
        %mul3A_1172 = arith.constant 3 : i32
        %mul3A_1173 = arith.muli %mul3A_1172, %scan3A_26 : i32
        %add3A_1174 = arith.constant 1 : i32
        %add3A_1175 = arith.addi %mul3A_1173, %add3A_1174 : i32
        %get3A_1176 = arith.index_cast %add3A_1175 : i32 to index
        %get3A_1177 = arith.constant 336 : index
        %get3A_1178 = tpu.vector_load %arg7[%get3A_1176, %get3A_1177] {strides = array<i32>} : memref<48x512xf32, #tpu.memory_space<vmem>>, vector<1x16xf32>,
        %get3A_1179 = vector.shape_cast %get3A_1178 : vector<1x16xf32> to vector<16xf32>
        %mul3A_1180 = arith.constant 3 : i32
        %mul3A_1181 = arith.muli %mul3A_1180, %scan3A_26 : i32
        %add3A_1182 = arith.constant 1 : i32
        %add3A_1183 = arith.addi %mul3A_1181, %add3A_1182 : i32
        %get3A_1184 = arith.index_cast %add3A_1183 : i32 to index
        %get3A_1185 = arith.constant 0 : index
        %get3A_1186 = tpu.vector_load %arg8[%get3A_1184, %get3A_1185] {strides = array<i32>} : memref<48x16xf32, #tpu.memory_space<vmem>>, vector<1x16xf32>,
        %get3A_1187 = vector.shape_cast %get3A_1186 : vector<1x16xf32> to vector<16xf32>
        %mul3A_1188 = arith.mulf %get3A_1179, %get3A_1187 : vector<16xf32>
        %add3A_1189 = arith.addf %mul3A_1171, %mul3A_1188 : vector<16xf32>
        %mul3A_1190 = arith.constant 3 : i32
        %mul3A_1191 = arith.muli %mul3A_1190, %scan3A_26 : i32
        %add3A_1192 = arith.constant 2 : i32
        %add3A_1193 = arith.addi %mul3A_1191, %add3A_1192 : i32
        %get3A_1194 = arith.index_cast %add3A_1193 : i32 to index
        %get3A_1195 = arith.constant 336 : index
        %get3A_1196 = tpu.vector_load %arg7[%get3A_1194, %get3A_1195] {strides = array<i32>} : memref<48x512xf32, #tpu.memory_space<vmem>>, vector<1x16xf32>,
        %get3A_1197 = vector.shape_cast %get3A_1196 : vector<1x16xf32> to vector<16xf32>
        %mul3A_1198 = arith.constant 3 : i32
        %mul3A_1199 = arith.muli %mul3A_1198, %scan3A_26 : i32
        %add3A_1200 = arith.constant 2 : i32
        %add3A_1201 = arith.addi %mul3A_1199, %add3A_1200 : i32
        %get3A_1202 = arith.index_cast %add3A_1201 : i32 to index
        %get3A_1203 = arith.constant 0 : index
        %get3A_1204 = tpu.vector_load %arg8[%get3A_1202, %get3A_1203] {strides = array<i32>} : memref<48x16xf32, #tpu.memory_space<vmem>>, vector<1x16xf32>,
        %get3A_1205 = vector.shape_cast %get3A_1204 : vector<1x16xf32> to vector<16xf32>
        %mul3A_1206 = arith.mulf %get3A_1197, %get3A_1205 : vector<16xf32>
        %add3A_1207 = arith.addf %add3A_1189, %mul3A_1206 : vector<16xf32>
        %swap3A_1208 = arith.index_cast %scan3A_26 : i32 to index
        %swap3A_1209 = arith.constant 336 : index
        %swap3A_1210 = tpu.vector_load %arg9[%swap3A_1208, %swap3A_1209] {strides = array<i32>} : memref<16x512xf32, #tpu.memory_space<vmem>>, vector<1x16xf32>,
        %swap3A_1211 = vector.shape_cast %swap3A_1210 : vector<1x16xf32> to vector<16xf32>
        %swap3A_1212 = vector.shape_cast %add3A_1207 : vector<16xf32> to vector<1x16xf32>
        tpu.vector_store %arg9[%swap3A_1208, %swap3A_1209], %swap3A_1212 {strides = array<i32>} : memref<16x512xf32, #tpu.memory_space<vmem>>, vector<1x16xf32>,
        %mul3A_1213 = arith.constant 3 : i32
        %mul3A_1214 = arith.muli %mul3A_1213, %scan3A_26 : i32
        %get3A_1215 = arith.index_cast %mul3A_1214 : i32 to index
        %get3A_1216 = arith.constant 352 : index
        %get3A_1217 = tpu.vector_load %arg7[%get3A_1215, %get3A_1216] {strides = array<i32>} : memref<48x512xf32, #tpu.memory_space<vmem>>, vector<1x16xf32>,
        %get3A_1218 = vector.shape_cast %get3A_1217 : vector<1x16xf32> to vector<16xf32>
        %mul3A_1219 = arith.constant 3 : i32
        %mul3A_1220 = arith.muli %mul3A_1219, %scan3A_26 : i32
        %get3A_1221 = arith.index_cast %mul3A_1220 : i32 to index
        %get3A_1222 = arith.constant 0 : index
        %get3A_1223 = tpu.vector_load %arg8[%get3A_1221, %get3A_1222] {strides = array<i32>} : memref<48x16xf32, #tpu.memory_space<vmem>>, vector<1x16xf32>,
        %get3A_1224 = vector.shape_cast %get3A_1223 : vector<1x16xf32> to vector<16xf32>
        %mul3A_1225 = arith.mulf %get3A_1218, %get3A_1224 : vector<16xf32>
        %mul3A_1226 = arith.constant 3 : i32
        %mul3A_1227 = arith.muli %mul3A_1226, %scan3A_26 : i32
        %add3A_1228 = arith.constant 1 : i32
        %add3A_1229 = arith.addi %mul3A_1227, %add3A_1228 : i32
        %get3A_1230 = arith.index_cast %add3A_1229 : i32 to index
        %get3A_1231 = arith.constant 352 : index
        %get3A_1232 = tpu.vector_load %arg7[%get3A_1230, %get3A_1231] {strides = array<i32>} : memref<48x512xf32, #tpu.memory_space<vmem>>, vector<1x16xf32>,
        %get3A_1233 = vector.shape_cast %get3A_1232 : vector<1x16xf32> to vector<16xf32>
        %mul3A_1234 = arith.constant 3 : i32
        %mul3A_1235 = arith.muli %mul3A_1234, %scan3A_26 : i32
        %add3A_1236 = arith.constant 1 : i32
        %add3A_1237 = arith.addi %mul3A_1235, %add3A_1236 : i32
        %get3A_1238 = arith.index_cast %add3A_1237 : i32 to index
        %get3A_1239 = arith.constant 0 : index
        %get3A_1240 = tpu.vector_load %arg8[%get3A_1238, %get3A_1239] {strides = array<i32>} : memref<48x16xf32, #tpu.memory_space<vmem>>, vector<1x16xf32>,
        %get3A_1241 = vector.shape_cast %get3A_1240 : vector<1x16xf32> to vector<16xf32>
        %mul3A_1242 = arith.mulf %get3A_1233, %get3A_1241 : vector<16xf32>
        %add3A_1243 = arith.addf %mul3A_1225, %mul3A_1242 : vector<16xf32>
        %mul3A_1244 = arith.constant 3 : i32
        %mul3A_1245 = arith.muli %mul3A_1244, %scan3A_26 : i32
        %add3A_1246 = arith.constant 2 : i32
        %add3A_1247 = arith.addi %mul3A_1245, %add3A_1246 : i32
        %get3A_1248 = arith.index_cast %add3A_1247 : i32 to index
        %get3A_1249 = arith.constant 352 : index
        %get3A_1250 = tpu.vector_load %arg7[%get3A_1248, %get3A_1249] {strides = array<i32>} : memref<48x512xf32, #tpu.memory_space<vmem>>, vector<1x16xf32>,
        %get3A_1251 = vector.shape_cast %get3A_1250 : vector<1x16xf32> to vector<16xf32>
        %mul3A_1252 = arith.constant 3 : i32
        %mul3A_1253 = arith.muli %mul3A_1252, %scan3A_26 : i32
        %add3A_1254 = arith.constant 2 : i32
        %add3A_1255 = arith.addi %mul3A_1253, %add3A_1254 : i32
        %get3A_1256 = arith.index_cast %add3A_1255 : i32 to index
        %get3A_1257 = arith.constant 0 : index
        %get3A_1258 = tpu.vector_load %arg8[%get3A_1256, %get3A_1257] {strides = array<i32>} : memref<48x16xf32, #tpu.memory_space<vmem>>, vector<1x16xf32>,
        %get3A_1259 = vector.shape_cast %get3A_1258 : vector<1x16xf32> to vector<16xf32>
        %mul3A_1260 = arith.mulf %get3A_1251, %get3A_1259 : vector<16xf32>
        %add3A_1261 = arith.addf %add3A_1243, %mul3A_1260 : vector<16xf32>
        %swap3A_1262 = arith.index_cast %scan3A_26 : i32 to index
        %swap3A_1263 = arith.constant 352 : index
        %swap3A_1264 = tpu.vector_load %arg9[%swap3A_1262, %swap3A_1263] {strides = array<i32>} : memref<16x512xf32, #tpu.memory_space<vmem>>, vector<1x16xf32>,
        %swap3A_1265 = vector.shape_cast %swap3A_1264 : vector<1x16xf32> to vector<16xf32>
        %swap3A_1266 = vector.shape_cast %add3A_1261 : vector<16xf32> to vector<1x16xf32>
        tpu.vector_store %arg9[%swap3A_1262, %swap3A_1263], %swap3A_1266 {strides = array<i32>} : memref<16x512xf32, #tpu.memory_space<vmem>>, vector<1x16xf32>,
        %mul3A_1267 = arith.constant 3 : i32
        %mul3A_1268 = arith.muli %mul3A_1267, %scan3A_26 : i32
        %get3A_1269 = arith.index_cast %mul3A_1268 : i32 to index
        %get3A_1270 = arith.constant 368 : index
        %get3A_1271 = tpu.vector_load %arg7[%get3A_1269, %get3A_1270] {strides = array<i32>} : memref<48x512xf32, #tpu.memory_space<vmem>>, vector<1x16xf32>,
        %get3A_1272 = vector.shape_cast %get3A_1271 : vector<1x16xf32> to vector<16xf32>
        %mul3A_1273 = arith.constant 3 : i32
        %mul3A_1274 = arith.muli %mul3A_1273, %scan3A_26 : i32
        %get3A_1275 = arith.index_cast %mul3A_1274 : i32 to index
        %get3A_1276 = arith.constant 0 : index
        %get3A_1277 = tpu.vector_load %arg8[%get3A_1275, %get3A_1276] {strides = array<i32>} : memref<48x16xf32, #tpu.memory_space<vmem>>, vector<1x16xf32>,
        %get3A_1278 = vector.shape_cast %get3A_1277 : vector<1x16xf32> to vector<16xf32>
        %mul3A_1279 = arith.mulf %get3A_1272, %get3A_1278 : vector<16xf32>
        %mul3A_1280 = arith.constant 3 : i32
        %mul3A_1281 = arith.muli %mul3A_1280, %scan3A_26 : i32
        %add3A_1282 = arith.constant 1 : i32
        %add3A_1283 = arith.addi %mul3A_1281, %add3A_1282 : i32
        %get3A_1284 = arith.index_cast %add3A_1283 : i32 to index
        %get3A_1285 = arith.constant 368 : index
        %get3A_1286 = tpu.vector_load %arg7[%get3A_1284, %get3A_1285] {strides = array<i32>} : memref<48x512xf32, #tpu.memory_space<vmem>>, vector<1x16xf32>,
        %get3A_1287 = vector.shape_cast %get3A_1286 : vector<1x16xf32> to vector<16xf32>
        %mul3A_1288 = arith.constant 3 : i32
        %mul3A_1289 = arith.muli %mul3A_1288, %scan3A_26 : i32
        %add3A_1290 = arith.constant 1 : i32
        %add3A_1291 = arith.addi %mul3A_1289, %add3A_1290 : i32
        %get3A_1292 = arith.index_cast %add3A_1291 : i32 to index
        %get3A_1293 = arith.constant 0 : index
        %get3A_1294 = tpu.vector_load %arg8[%get3A_1292, %get3A_1293] {strides = array<i32>} : memref<48x16xf32, #tpu.memory_space<vmem>>, vector<1x16xf32>,
        %get3A_1295 = vector.shape_cast %get3A_1294 : vector<1x16xf32> to vector<16xf32>
        %mul3A_1296 = arith.mulf %get3A_1287, %get3A_1295 : vector<16xf32>
        %add3A_1297 = arith.addf %mul3A_1279, %mul3A_1296 : vector<16xf32>
        %mul3A_1298 = arith.constant 3 : i32
        %mul3A_1299 = arith.muli %mul3A_1298, %scan3A_26 : i32
        %add3A_1300 = arith.constant 2 : i32
        %add3A_1301 = arith.addi %mul3A_1299, %add3A_1300 : i32
        %get3A_1302 = arith.index_cast %add3A_1301 : i32 to index
        %get3A_1303 = arith.constant 368 : index
        %get3A_1304 = tpu.vector_load %arg7[%get3A_1302, %get3A_1303] {strides = array<i32>} : memref<48x512xf32, #tpu.memory_space<vmem>>, vector<1x16xf32>,
        %get3A_1305 = vector.shape_cast %get3A_1304 : vector<1x16xf32> to vector<16xf32>
        %mul3A_1306 = arith.constant 3 : i32
        %mul3A_1307 = arith.muli %mul3A_1306, %scan3A_26 : i32
        %add3A_1308 = arith.constant 2 : i32
        %add3A_1309 = arith.addi %mul3A_1307, %add3A_1308 : i32
        %get3A_1310 = arith.index_cast %add3A_1309 : i32 to index
        %get3A_1311 = arith.constant 0 : index
        %get3A_1312 = tpu.vector_load %arg8[%get3A_1310, %get3A_1311] {strides = array<i32>} : memref<48x16xf32, #tpu.memory_space<vmem>>, vector<1x16xf32>,
        %get3A_1313 = vector.shape_cast %get3A_1312 : vector<1x16xf32> to vector<16xf32>
        %mul3A_1314 = arith.mulf %get3A_1305, %get3A_1313 : vector<16xf32>
        %add3A_1315 = arith.addf %add3A_1297, %mul3A_1314 : vector<16xf32>
        %swap3A_1316 = arith.index_cast %scan3A_26 : i32 to index
        %swap3A_1317 = arith.constant 368 : index
        %swap3A_1318 = tpu.vector_load %arg9[%swap3A_1316, %swap3A_1317] {strides = array<i32>} : memref<16x512xf32, #tpu.memory_space<vmem>>, vector<1x16xf32>,
        %swap3A_1319 = vector.shape_cast %swap3A_1318 : vector<1x16xf32> to vector<16xf32>
        %swap3A_1320 = vector.shape_cast %add3A_1315 : vector<16xf32> to vector<1x16xf32>
        tpu.vector_store %arg9[%swap3A_1316, %swap3A_1317], %swap3A_1320 {strides = array<i32>} : memref<16x512xf32, #tpu.memory_space<vmem>>, vector<1x16xf32>,
        %mul3A_1321 = arith.constant 3 : i32
        %mul3A_1322 = arith.muli %mul3A_1321, %scan3A_26 : i32
        %get3A_1323 = arith.index_cast %mul3A_1322 : i32 to index
        %get3A_1324 = arith.constant 384 : index
        %get3A_1325 = tpu.vector_load %arg7[%get3A_1323, %get3A_1324] {strides = array<i32>} : memref<48x512xf32, #tpu.memory_space<vmem>>, vector<1x16xf32>,
        %get3A_1326 = vector.shape_cast %get3A_1325 : vector<1x16xf32> to vector<16xf32>
        %mul3A_1327 = arith.constant 3 : i32
        %mul3A_1328 = arith.muli %mul3A_1327, %scan3A_26 : i32
        %get3A_1329 = arith.index_cast %mul3A_1328 : i32 to index
        %get3A_1330 = arith.constant 0 : index
        %get3A_1331 = tpu.vector_load %arg8[%get3A_1329, %get3A_1330] {strides = array<i32>} : memref<48x16xf32, #tpu.memory_space<vmem>>, vector<1x16xf32>,
        %get3A_1332 = vector.shape_cast %get3A_1331 : vector<1x16xf32> to vector<16xf32>
        %mul3A_1333 = arith.mulf %get3A_1326, %get3A_1332 : vector<16xf32>
        %mul3A_1334 = arith.constant 3 : i32
        %mul3A_1335 = arith.muli %mul3A_1334, %scan3A_26 : i32
        %add3A_1336 = arith.constant 1 : i32
        %add3A_1337 = arith.addi %mul3A_1335, %add3A_1336 : i32
        %get3A_1338 = arith.index_cast %add3A_1337 : i32 to index
        %get3A_1339 = arith.constant 384 : index
        %get3A_1340 = tpu.vector_load %arg7[%get3A_1338, %get3A_1339] {strides = array<i32>} : memref<48x512xf32, #tpu.memory_space<vmem>>, vector<1x16xf32>,
        %get3A_1341 = vector.shape_cast %get3A_1340 : vector<1x16xf32> to vector<16xf32>
        %mul3A_1342 = arith.constant 3 : i32
        %mul3A_1343 = arith.muli %mul3A_1342, %scan3A_26 : i32
        %add3A_1344 = arith.constant 1 : i32
        %add3A_1345 = arith.addi %mul3A_1343, %add3A_1344 : i32
        %get3A_1346 = arith.index_cast %add3A_1345 : i32 to index
        %get3A_1347 = arith.constant 0 : index
        %get3A_1348 = tpu.vector_load %arg8[%get3A_1346, %get3A_1347] {strides = array<i32>} : memref<48x16xf32, #tpu.memory_space<vmem>>, vector<1x16xf32>,
        %get3A_1349 = vector.shape_cast %get3A_1348 : vector<1x16xf32> to vector<16xf32>
        %mul3A_1350 = arith.mulf %get3A_1341, %get3A_1349 : vector<16xf32>
        %add3A_1351 = arith.addf %mul3A_1333, %mul3A_1350 : vector<16xf32>
        %mul3A_1352 = arith.constant 3 : i32
        %mul3A_1353 = arith.muli %mul3A_1352, %scan3A_26 : i32
        %add3A_1354 = arith.constant 2 : i32
        %add3A_1355 = arith.addi %mul3A_1353, %add3A_1354 : i32
        %get3A_1356 = arith.index_cast %add3A_1355 : i32 to index
        %get3A_1357 = arith.constant 384 : index
        %get3A_1358 = tpu.vector_load %arg7[%get3A_1356, %get3A_1357] {strides = array<i32>} : memref<48x512xf32, #tpu.memory_space<vmem>>, vector<1x16xf32>,
        %get3A_1359 = vector.shape_cast %get3A_1358 : vector<1x16xf32> to vector<16xf32>
        %mul3A_1360 = arith.constant 3 : i32
        %mul3A_1361 = arith.muli %mul3A_1360, %scan3A_26 : i32
        %add3A_1362 = arith.constant 2 : i32
        %add3A_1363 = arith.addi %mul3A_1361, %add3A_1362 : i32
        %get3A_1364 = arith.index_cast %add3A_1363 : i32 to index
        %get3A_1365 = arith.constant 0 : index
        %get3A_1366 = tpu.vector_load %arg8[%get3A_1364, %get3A_1365] {strides = array<i32>} : memref<48x16xf32, #tpu.memory_space<vmem>>, vector<1x16xf32>,
        %get3A_1367 = vector.shape_cast %get3A_1366 : vector<1x16xf32> to vector<16xf32>
        %mul3A_1368 = arith.mulf %get3A_1359, %get3A_1367 : vector<16xf32>
        %add3A_1369 = arith.addf %add3A_1351, %mul3A_1368 : vector<16xf32>
        %swap3A_1370 = arith.index_cast %scan3A_26 : i32 to index
        %swap3A_1371 = arith.constant 384 : index
        %swap3A_1372 = tpu.vector_load %arg9[%swap3A_1370, %swap3A_1371] {strides = array<i32>} : memref<16x512xf32, #tpu.memory_space<vmem>>, vector<1x16xf32>,
        %swap3A_1373 = vector.shape_cast %swap3A_1372 : vector<1x16xf32> to vector<16xf32>
        %swap3A_1374 = vector.shape_cast %add3A_1369 : vector<16xf32> to vector<1x16xf32>
        tpu.vector_store %arg9[%swap3A_1370, %swap3A_1371], %swap3A_1374 {strides = array<i32>} : memref<16x512xf32, #tpu.memory_space<vmem>>, vector<1x16xf32>,
        %mul3A_1375 = arith.constant 3 : i32
        %mul3A_1376 = arith.muli %mul3A_1375, %scan3A_26 : i32
        %get3A_1377 = arith.index_cast %mul3A_1376 : i32 to index
        %get3A_1378 = arith.constant 400 : index
        %get3A_1379 = tpu.vector_load %arg7[%get3A_1377, %get3A_1378] {strides = array<i32>} : memref<48x512xf32, #tpu.memory_space<vmem>>, vector<1x16xf32>,
        %get3A_1380 = vector.shape_cast %get3A_1379 : vector<1x16xf32> to vector<16xf32>
        %mul3A_1381 = arith.constant 3 : i32
        %mul3A_1382 = arith.muli %mul3A_1381, %scan3A_26 : i32
        %get3A_1383 = arith.index_cast %mul3A_1382 : i32 to index
        %get3A_1384 = arith.constant 0 : index
        %get3A_1385 = tpu.vector_load %arg8[%get3A_1383, %get3A_1384] {strides = array<i32>} : memref<48x16xf32, #tpu.memory_space<vmem>>, vector<1x16xf32>,
        %get3A_1386 = vector.shape_cast %get3A_1385 : vector<1x16xf32> to vector<16xf32>
        %mul3A_1387 = arith.mulf %get3A_1380, %get3A_1386 : vector<16xf32>
        %mul3A_1388 = arith.constant 3 : i32
        %mul3A_1389 = arith.muli %mul3A_1388, %scan3A_26 : i32
        %add3A_1390 = arith.constant 1 : i32
        %add3A_1391 = arith.addi %mul3A_1389, %add3A_1390 : i32
        %get3A_1392 = arith.index_cast %add3A_1391 : i32 to index
        %get3A_1393 = arith.constant 400 : index
        %get3A_1394 = tpu.vector_load %arg7[%get3A_1392, %get3A_1393] {strides = array<i32>} : memref<48x512xf32, #tpu.memory_space<vmem>>, vector<1x16xf32>,
        %get3A_1395 = vector.shape_cast %get3A_1394 : vector<1x16xf32> to vector<16xf32>
        %mul3A_1396 = arith.constant 3 : i32
        %mul3A_1397 = arith.muli %mul3A_1396, %scan3A_26 : i32
        %add3A_1398 = arith.constant 1 : i32
        %add3A_1399 = arith.addi %mul3A_1397, %add3A_1398 : i32
        %get3A_1400 = arith.index_cast %add3A_1399 : i32 to index
        %get3A_1401 = arith.constant 0 : index
        %get3A_1402 = tpu.vector_load %arg8[%get3A_1400, %get3A_1401] {strides = array<i32>} : memref<48x16xf32, #tpu.memory_space<vmem>>, vector<1x16xf32>,
        %get3A_1403 = vector.shape_cast %get3A_1402 : vector<1x16xf32> to vector<16xf32>
        %mul3A_1404 = arith.mulf %get3A_1395, %get3A_1403 : vector<16xf32>
        %add3A_1405 = arith.addf %mul3A_1387, %mul3A_1404 : vector<16xf32>
        %mul3A_1406 = arith.constant 3 : i32
        %mul3A_1407 = arith.muli %mul3A_1406, %scan3A_26 : i32
        %add3A_1408 = arith.constant 2 : i32
        %add3A_1409 = arith.addi %mul3A_1407, %add3A_1408 : i32
        %get3A_1410 = arith.index_cast %add3A_1409 : i32 to index
        %get3A_1411 = arith.constant 400 : index
        %get3A_1412 = tpu.vector_load %arg7[%get3A_1410, %get3A_1411] {strides = array<i32>} : memref<48x512xf32, #tpu.memory_space<vmem>>, vector<1x16xf32>,
        %get3A_1413 = vector.shape_cast %get3A_1412 : vector<1x16xf32> to vector<16xf32>
        %mul3A_1414 = arith.constant 3 : i32
        %mul3A_1415 = arith.muli %mul3A_1414, %scan3A_26 : i32
        %add3A_1416 = arith.constant 2 : i32
        %add3A_1417 = arith.addi %mul3A_1415, %add3A_1416 : i32
        %get3A_1418 = arith.index_cast %add3A_1417 : i32 to index
        %get3A_1419 = arith.constant 0 : index
        %get3A_1420 = tpu.vector_load %arg8[%get3A_1418, %get3A_1419] {strides = array<i32>} : memref<48x16xf32, #tpu.memory_space<vmem>>, vector<1x16xf32>,
        %get3A_1421 = vector.shape_cast %get3A_1420 : vector<1x16xf32> to vector<16xf32>
        %mul3A_1422 = arith.mulf %get3A_1413, %get3A_1421 : vector<16xf32>
        %add3A_1423 = arith.addf %add3A_1405, %mul3A_1422 : vector<16xf32>
        %swap3A_1424 = arith.index_cast %scan3A_26 : i32 to index
        %swap3A_1425 = arith.constant 400 : index
        %swap3A_1426 = tpu.vector_load %arg9[%swap3A_1424, %swap3A_1425] {strides = array<i32>} : memref<16x512xf32, #tpu.memory_space<vmem>>, vector<1x16xf32>,
        %swap3A_1427 = vector.shape_cast %swap3A_1426 : vector<1x16xf32> to vector<16xf32>
        %swap3A_1428 = vector.shape_cast %add3A_1423 : vector<16xf32> to vector<1x16xf32>
        tpu.vector_store %arg9[%swap3A_1424, %swap3A_1425], %swap3A_1428 {strides = array<i32>} : memref<16x512xf32, #tpu.memory_space<vmem>>, vector<1x16xf32>,
        %mul3A_1429 = arith.constant 3 : i32
        %mul3A_1430 = arith.muli %mul3A_1429, %scan3A_26 : i32
        %get3A_1431 = arith.index_cast %mul3A_1430 : i32 to index
        %get3A_1432 = arith.constant 416 : index
        %get3A_1433 = tpu.vector_load %arg7[%get3A_1431, %get3A_1432] {strides = array<i32>} : memref<48x512xf32, #tpu.memory_space<vmem>>, vector<1x16xf32>,
        %get3A_1434 = vector.shape_cast %get3A_1433 : vector<1x16xf32> to vector<16xf32>
        %mul3A_1435 = arith.constant 3 : i32
        %mul3A_1436 = arith.muli %mul3A_1435, %scan3A_26 : i32
        %get3A_1437 = arith.index_cast %mul3A_1436 : i32 to index
        %get3A_1438 = arith.constant 0 : index
        %get3A_1439 = tpu.vector_load %arg8[%get3A_1437, %get3A_1438] {strides = array<i32>} : memref<48x16xf32, #tpu.memory_space<vmem>>, vector<1x16xf32>,
        %get3A_1440 = vector.shape_cast %get3A_1439 : vector<1x16xf32> to vector<16xf32>
        %mul3A_1441 = arith.mulf %get3A_1434, %get3A_1440 : vector<16xf32>
        %mul3A_1442 = arith.constant 3 : i32
        %mul3A_1443 = arith.muli %mul3A_1442, %scan3A_26 : i32
        %add3A_1444 = arith.constant 1 : i32
        %add3A_1445 = arith.addi %mul3A_1443, %add3A_1444 : i32
        %get3A_1446 = arith.index_cast %add3A_1445 : i32 to index
        %get3A_1447 = arith.constant 416 : index
        %get3A_1448 = tpu.vector_load %arg7[%get3A_1446, %get3A_1447] {strides = array<i32>} : memref<48x512xf32, #tpu.memory_space<vmem>>, vector<1x16xf32>,
        %get3A_1449 = vector.shape_cast %get3A_1448 : vector<1x16xf32> to vector<16xf32>
        %mul3A_1450 = arith.constant 3 : i32
        %mul3A_1451 = arith.muli %mul3A_1450, %scan3A_26 : i32
        %add3A_1452 = arith.constant 1 : i32
        %add3A_1453 = arith.addi %mul3A_1451, %add3A_1452 : i32
        %get3A_1454 = arith.index_cast %add3A_1453 : i32 to index
        %get3A_1455 = arith.constant 0 : index
        %get3A_1456 = tpu.vector_load %arg8[%get3A_1454, %get3A_1455] {strides = array<i32>} : memref<48x16xf32, #tpu.memory_space<vmem>>, vector<1x16xf32>,
        %get3A_1457 = vector.shape_cast %get3A_1456 : vector<1x16xf32> to vector<16xf32>
        %mul3A_1458 = arith.mulf %get3A_1449, %get3A_1457 : vector<16xf32>
        %add3A_1459 = arith.addf %mul3A_1441, %mul3A_1458 : vector<16xf32>
        %mul3A_1460 = arith.constant 3 : i32
        %mul3A_1461 = arith.muli %mul3A_1460, %scan3A_26 : i32
        %add3A_1462 = arith.constant 2 : i32
        %add3A_1463 = arith.addi %mul3A_1461, %add3A_1462 : i32
        %get3A_1464 = arith.index_cast %add3A_1463 : i32 to index
        %get3A_1465 = arith.constant 416 : index
        %get3A_1466 = tpu.vector_load %arg7[%get3A_1464, %get3A_1465] {strides = array<i32>} : memref<48x512xf32, #tpu.memory_space<vmem>>, vector<1x16xf32>,
        %get3A_1467 = vector.shape_cast %get3A_1466 : vector<1x16xf32> to vector<16xf32>
        %mul3A_1468 = arith.constant 3 : i32
        %mul3A_1469 = arith.muli %mul3A_1468, %scan3A_26 : i32
        %add3A_1470 = arith.constant 2 : i32
        %add3A_1471 = arith.addi %mul3A_1469, %add3A_1470 : i32
        %get3A_1472 = arith.index_cast %add3A_1471 : i32 to index
        %get3A_1473 = arith.constant 0 : index
        %get3A_1474 = tpu.vector_load %arg8[%get3A_1472, %get3A_1473] {strides = array<i32>} : memref<48x16xf32, #tpu.memory_space<vmem>>, vector<1x16xf32>,
        %get3A_1475 = vector.shape_cast %get3A_1474 : vector<1x16xf32> to vector<16xf32>
        %mul3A_1476 = arith.mulf %get3A_1467, %get3A_1475 : vector<16xf32>
        %add3A_1477 = arith.addf %add3A_1459, %mul3A_1476 : vector<16xf32>
        %swap3A_1478 = arith.index_cast %scan3A_26 : i32 to index
        %swap3A_1479 = arith.constant 416 : index
        %swap3A_1480 = tpu.vector_load %arg9[%swap3A_1478, %swap3A_1479] {strides = array<i32>} : memref<16x512xf32, #tpu.memory_space<vmem>>, vector<1x16xf32>,
        %swap3A_1481 = vector.shape_cast %swap3A_1480 : vector<1x16xf32> to vector<16xf32>
        %swap3A_1482 = vector.shape_cast %add3A_1477 : vector<16xf32> to vector<1x16xf32>
        tpu.vector_store %arg9[%swap3A_1478, %swap3A_1479], %swap3A_1482 {strides = array<i32>} : memref<16x512xf32, #tpu.memory_space<vmem>>, vector<1x16xf32>,
        %mul3A_1483 = arith.constant 3 : i32
        %mul3A_1484 = arith.muli %mul3A_1483, %scan3A_26 : i32
        %get3A_1485 = arith.index_cast %mul3A_1484 : i32 to index
        %get3A_1486 = arith.constant 432 : index
        %get3A_1487 = tpu.vector_load %arg7[%get3A_1485, %get3A_1486] {strides = array<i32>} : memref<48x512xf32, #tpu.memory_space<vmem>>, vector<1x16xf32>,
        %get3A_1488 = vector.shape_cast %get3A_1487 : vector<1x16xf32> to vector<16xf32>
        %mul3A_1489 = arith.constant 3 : i32
        %mul3A_1490 = arith.muli %mul3A_1489, %scan3A_26 : i32
        %get3A_1491 = arith.index_cast %mul3A_1490 : i32 to index
        %get3A_1492 = arith.constant 0 : index
        %get3A_1493 = tpu.vector_load %arg8[%get3A_1491, %get3A_1492] {strides = array<i32>} : memref<48x16xf32, #tpu.memory_space<vmem>>, vector<1x16xf32>,
        %get3A_1494 = vector.shape_cast %get3A_1493 : vector<1x16xf32> to vector<16xf32>
        %mul3A_1495 = arith.mulf %get3A_1488, %get3A_1494 : vector<16xf32>
        %mul3A_1496 = arith.constant 3 : i32
        %mul3A_1497 = arith.muli %mul3A_1496, %scan3A_26 : i32
        %add3A_1498 = arith.constant 1 : i32
        %add3A_1499 = arith.addi %mul3A_1497, %add3A_1498 : i32
        %get3A_1500 = arith.index_cast %add3A_1499 : i32 to index
        %get3A_1501 = arith.constant 432 : index
        %get3A_1502 = tpu.vector_load %arg7[%get3A_1500, %get3A_1501] {strides = array<i32>} : memref<48x512xf32, #tpu.memory_space<vmem>>, vector<1x16xf32>,
        %get3A_1503 = vector.shape_cast %get3A_1502 : vector<1x16xf32> to vector<16xf32>
        %mul3A_1504 = arith.constant 3 : i32
        %mul3A_1505 = arith.muli %mul3A_1504, %scan3A_26 : i32
        %add3A_1506 = arith.constant 1 : i32
        %add3A_1507 = arith.addi %mul3A_1505, %add3A_1506 : i32
        %get3A_1508 = arith.index_cast %add3A_1507 : i32 to index
        %get3A_1509 = arith.constant 0 : index
        %get3A_1510 = tpu.vector_load %arg8[%get3A_1508, %get3A_1509] {strides = array<i32>} : memref<48x16xf32, #tpu.memory_space<vmem>>, vector<1x16xf32>,
        %get3A_1511 = vector.shape_cast %get3A_1510 : vector<1x16xf32> to vector<16xf32>
        %mul3A_1512 = arith.mulf %get3A_1503, %get3A_1511 : vector<16xf32>
        %add3A_1513 = arith.addf %mul3A_1495, %mul3A_1512 : vector<16xf32>
        %mul3A_1514 = arith.constant 3 : i32
        %mul3A_1515 = arith.muli %mul3A_1514, %scan3A_26 : i32
        %add3A_1516 = arith.constant 2 : i32
        %add3A_1517 = arith.addi %mul3A_1515, %add3A_1516 : i32
        %get3A_1518 = arith.index_cast %add3A_1517 : i32 to index
        %get3A_1519 = arith.constant 432 : index
        %get3A_1520 = tpu.vector_load %arg7[%get3A_1518, %get3A_1519] {strides = array<i32>} : memref<48x512xf32, #tpu.memory_space<vmem>>, vector<1x16xf32>,
        %get3A_1521 = vector.shape_cast %get3A_1520 : vector<1x16xf32> to vector<16xf32>
        %mul3A_1522 = arith.constant 3 : i32
        %mul3A_1523 = arith.muli %mul3A_1522, %scan3A_26 : i32
        %add3A_1524 = arith.constant 2 : i32
        %add3A_1525 = arith.addi %mul3A_1523, %add3A_1524 : i32
        %get3A_1526 = arith.index_cast %add3A_1525 : i32 to index
        %get3A_1527 = arith.constant 0 : index
        %get3A_1528 = tpu.vector_load %arg8[%get3A_1526, %get3A_1527] {strides = array<i32>} : memref<48x16xf32, #tpu.memory_space<vmem>>, vector<1x16xf32>,
        %get3A_1529 = vector.shape_cast %get3A_1528 : vector<1x16xf32> to vector<16xf32>
        %mul3A_1530 = arith.mulf %get3A_1521, %get3A_1529 : vector<16xf32>
        %add3A_1531 = arith.addf %add3A_1513, %mul3A_1530 : vector<16xf32>
        %swap3A_1532 = arith.index_cast %scan3A_26 : i32 to index
        %swap3A_1533 = arith.constant 432 : index
        %swap3A_1534 = tpu.vector_load %arg9[%swap3A_1532, %swap3A_1533] {strides = array<i32>} : memref<16x512xf32, #tpu.memory_space<vmem>>, vector<1x16xf32>,
        %swap3A_1535 = vector.shape_cast %swap3A_1534 : vector<1x16xf32> to vector<16xf32>
        %swap3A_1536 = vector.shape_cast %add3A_1531 : vector<16xf32> to vector<1x16xf32>
        tpu.vector_store %arg9[%swap3A_1532, %swap3A_1533], %swap3A_1536 {strides = array<i32>} : memref<16x512xf32, #tpu.memory_space<vmem>>, vector<1x16xf32>,
        %mul3A_1537 = arith.constant 3 : i32
        %mul3A_1538 = arith.muli %mul3A_1537, %scan3A_26 : i32
        %get3A_1539 = arith.index_cast %mul3A_1538 : i32 to index
        %get3A_1540 = arith.constant 448 : index
        %get3A_1541 = tpu.vector_load %arg7[%get3A_1539, %get3A_1540] {strides = array<i32>} : memref<48x512xf32, #tpu.memory_space<vmem>>, vector<1x16xf32>,
        %get3A_1542 = vector.shape_cast %get3A_1541 : vector<1x16xf32> to vector<16xf32>
        %mul3A_1543 = arith.constant 3 : i32
        %mul3A_1544 = arith.muli %mul3A_1543, %scan3A_26 : i32
        %get3A_1545 = arith.index_cast %mul3A_1544 : i32 to index
        %get3A_1546 = arith.constant 0 : index
        %get3A_1547 = tpu.vector_load %arg8[%get3A_1545, %get3A_1546] {strides = array<i32>} : memref<48x16xf32, #tpu.memory_space<vmem>>, vector<1x16xf32>,
        %get3A_1548 = vector.shape_cast %get3A_1547 : vector<1x16xf32> to vector<16xf32>
        %mul3A_1549 = arith.mulf %get3A_1542, %get3A_1548 : vector<16xf32>
        %mul3A_1550 = arith.constant 3 : i32
        %mul3A_1551 = arith.muli %mul3A_1550, %scan3A_26 : i32
        %add3A_1552 = arith.constant 1 : i32
        %add3A_1553 = arith.addi %mul3A_1551, %add3A_1552 : i32
        %get3A_1554 = arith.index_cast %add3A_1553 : i32 to index
        %get3A_1555 = arith.constant 448 : index
        %get3A_1556 = tpu.vector_load %arg7[%get3A_1554, %get3A_1555] {strides = array<i32>} : memref<48x512xf32, #tpu.memory_space<vmem>>, vector<1x16xf32>,
        %get3A_1557 = vector.shape_cast %get3A_1556 : vector<1x16xf32> to vector<16xf32>
        %mul3A_1558 = arith.constant 3 : i32
        %mul3A_1559 = arith.muli %mul3A_1558, %scan3A_26 : i32
        %add3A_1560 = arith.constant 1 : i32
        %add3A_1561 = arith.addi %mul3A_1559, %add3A_1560 : i32
        %get3A_1562 = arith.index_cast %add3A_1561 : i32 to index
        %get3A_1563 = arith.constant 0 : index
        %get3A_1564 = tpu.vector_load %arg8[%get3A_1562, %get3A_1563] {strides = array<i32>} : memref<48x16xf32, #tpu.memory_space<vmem>>, vector<1x16xf32>,
        %get3A_1565 = vector.shape_cast %get3A_1564 : vector<1x16xf32> to vector<16xf32>
        %mul3A_1566 = arith.mulf %get3A_1557, %get3A_1565 : vector<16xf32>
        %add3A_1567 = arith.addf %mul3A_1549, %mul3A_1566 : vector<16xf32>
        %mul3A_1568 = arith.constant 3 : i32
        %mul3A_1569 = arith.muli %mul3A_1568, %scan3A_26 : i32
        %add3A_1570 = arith.constant 2 : i32
        %add3A_1571 = arith.addi %mul3A_1569, %add3A_1570 : i32
        %get3A_1572 = arith.index_cast %add3A_1571 : i32 to index
        %get3A_1573 = arith.constant 448 : index
        %get3A_1574 = tpu.vector_load %arg7[%get3A_1572, %get3A_1573] {strides = array<i32>} : memref<48x512xf32, #tpu.memory_space<vmem>>, vector<1x16xf32>,
        %get3A_1575 = vector.shape_cast %get3A_1574 : vector<1x16xf32> to vector<16xf32>
        %mul3A_1576 = arith.constant 3 : i32
        %mul3A_1577 = arith.muli %mul3A_1576, %scan3A_26 : i32
        %add3A_1578 = arith.constant 2 : i32
        %add3A_1579 = arith.addi %mul3A_1577, %add3A_1578 : i32
        %get3A_1580 = arith.index_cast %add3A_1579 : i32 to index
        %get3A_1581 = arith.constant 0 : index
        %get3A_1582 = tpu.vector_load %arg8[%get3A_1580, %get3A_1581] {strides = array<i32>} : memref<48x16xf32, #tpu.memory_space<vmem>>, vector<1x16xf32>,
        %get3A_1583 = vector.shape_cast %get3A_1582 : vector<1x16xf32> to vector<16xf32>
        %mul3A_1584 = arith.mulf %get3A_1575, %get3A_1583 : vector<16xf32>
        %add3A_1585 = arith.addf %add3A_1567, %mul3A_1584 : vector<16xf32>
        %swap3A_1586 = arith.index_cast %scan3A_26 : i32 to index
        %swap3A_1587 = arith.constant 448 : index
        %swap3A_1588 = tpu.vector_load %arg9[%swap3A_1586, %swap3A_1587] {strides = array<i32>} : memref<16x512xf32, #tpu.memory_space<vmem>>, vector<1x16xf32>,
        %swap3A_1589 = vector.shape_cast %swap3A_1588 : vector<1x16xf32> to vector<16xf32>
        %swap3A_1590 = vector.shape_cast %add3A_1585 : vector<16xf32> to vector<1x16xf32>
        tpu.vector_store %arg9[%swap3A_1586, %swap3A_1587], %swap3A_1590 {strides = array<i32>} : memref<16x512xf32, #tpu.memory_space<vmem>>, vector<1x16xf32>,
        %mul3A_1591 = arith.constant 3 : i32
        %mul3A_1592 = arith.muli %mul3A_1591, %scan3A_26 : i32
        %get3A_1593 = arith.index_cast %mul3A_1592 : i32 to index
        %get3A_1594 = arith.constant 464 : index
        %get3A_1595 = tpu.vector_load %arg7[%get3A_1593, %get3A_1594] {strides = array<i32>} : memref<48x512xf32, #tpu.memory_space<vmem>>, vector<1x16xf32>,
        %get3A_1596 = vector.shape_cast %get3A_1595 : vector<1x16xf32> to vector<16xf32>
        %mul3A_1597 = arith.constant 3 : i32
        %mul3A_1598 = arith.muli %mul3A_1597, %scan3A_26 : i32
        %get3A_1599 = arith.index_cast %mul3A_1598 : i32 to index
        %get3A_1600 = arith.constant 0 : index
        %get3A_1601 = tpu.vector_load %arg8[%get3A_1599, %get3A_1600] {strides = array<i32>} : memref<48x16xf32, #tpu.memory_space<vmem>>, vector<1x16xf32>,
        %get3A_1602 = vector.shape_cast %get3A_1601 : vector<1x16xf32> to vector<16xf32>
        %mul3A_1603 = arith.mulf %get3A_1596, %get3A_1602 : vector<16xf32>
        %mul3A_1604 = arith.constant 3 : i32
        %mul3A_1605 = arith.muli %mul3A_1604, %scan3A_26 : i32
        %add3A_1606 = arith.constant 1 : i32
        %add3A_1607 = arith.addi %mul3A_1605, %add3A_1606 : i32
        %get3A_1608 = arith.index_cast %add3A_1607 : i32 to index
        %get3A_1609 = arith.constant 464 : index
        %get3A_1610 = tpu.vector_load %arg7[%get3A_1608, %get3A_1609] {strides = array<i32>} : memref<48x512xf32, #tpu.memory_space<vmem>>, vector<1x16xf32>,
        %get3A_1611 = vector.shape_cast %get3A_1610 : vector<1x16xf32> to vector<16xf32>
        %mul3A_1612 = arith.constant 3 : i32
        %mul3A_1613 = arith.muli %mul3A_1612, %scan3A_26 : i32
        %add3A_1614 = arith.constant 1 : i32
        %add3A_1615 = arith.addi %mul3A_1613, %add3A_1614 : i32
        %get3A_1616 = arith.index_cast %add3A_1615 : i32 to index
        %get3A_1617 = arith.constant 0 : index
        %get3A_1618 = tpu.vector_load %arg8[%get3A_1616, %get3A_1617] {strides = array<i32>} : memref<48x16xf32, #tpu.memory_space<vmem>>, vector<1x16xf32>,
        %get3A_1619 = vector.shape_cast %get3A_1618 : vector<1x16xf32> to vector<16xf32>
        %mul3A_1620 = arith.mulf %get3A_1611, %get3A_1619 : vector<16xf32>
        %add3A_1621 = arith.addf %mul3A_1603, %mul3A_1620 : vector<16xf32>
        %mul3A_1622 = arith.constant 3 : i32
        %mul3A_1623 = arith.muli %mul3A_1622, %scan3A_26 : i32
        %add3A_1624 = arith.constant 2 : i32
        %add3A_1625 = arith.addi %mul3A_1623, %add3A_1624 : i32
        %get3A_1626 = arith.index_cast %add3A_1625 : i32 to index
        %get3A_1627 = arith.constant 464 : index
        %get3A_1628 = tpu.vector_load %arg7[%get3A_1626, %get3A_1627] {strides = array<i32>} : memref<48x512xf32, #tpu.memory_space<vmem>>, vector<1x16xf32>,
        %get3A_1629 = vector.shape_cast %get3A_1628 : vector<1x16xf32> to vector<16xf32>
        %mul3A_1630 = arith.constant 3 : i32
        %mul3A_1631 = arith.muli %mul3A_1630, %scan3A_26 : i32
        %add3A_1632 = arith.constant 2 : i32
        %add3A_1633 = arith.addi %mul3A_1631, %add3A_1632 : i32
        %get3A_1634 = arith.index_cast %add3A_1633 : i32 to index
        %get3A_1635 = arith.constant 0 : index
        %get3A_1636 = tpu.vector_load %arg8[%get3A_1634, %get3A_1635] {strides = array<i32>} : memref<48x16xf32, #tpu.memory_space<vmem>>, vector<1x16xf32>,
        %get3A_1637 = vector.shape_cast %get3A_1636 : vector<1x16xf32> to vector<16xf32>
        %mul3A_1638 = arith.mulf %get3A_1629, %get3A_1637 : vector<16xf32>
        %add3A_1639 = arith.addf %add3A_1621, %mul3A_1638 : vector<16xf32>
        %swap3A_1640 = arith.index_cast %scan3A_26 : i32 to index
        %swap3A_1641 = arith.constant 464 : index
        %swap3A_1642 = tpu.vector_load %arg9[%swap3A_1640, %swap3A_1641] {strides = array<i32>} : memref<16x512xf32, #tpu.memory_space<vmem>>, vector<1x16xf32>,
        %swap3A_1643 = vector.shape_cast %swap3A_1642 : vector<1x16xf32> to vector<16xf32>
        %swap3A_1644 = vector.shape_cast %add3A_1639 : vector<16xf32> to vector<1x16xf32>
        tpu.vector_store %arg9[%swap3A_1640, %swap3A_1641], %swap3A_1644 {strides = array<i32>} : memref<16x512xf32, #tpu.memory_space<vmem>>, vector<1x16xf32>,
        %mul3A_1645 = arith.constant 3 : i32
        %mul3A_1646 = arith.muli %mul3A_1645, %scan3A_26 : i32
        %get3A_1647 = arith.index_cast %mul3A_1646 : i32 to index
        %get3A_1648 = arith.constant 480 : index
        %get3A_1649 = tpu.vector_load %arg7[%get3A_1647, %get3A_1648] {strides = array<i32>} : memref<48x512xf32, #tpu.memory_space<vmem>>, vector<1x16xf32>,
        %get3A_1650 = vector.shape_cast %get3A_1649 : vector<1x16xf32> to vector<16xf32>
        %mul3A_1651 = arith.constant 3 : i32
        %mul3A_1652 = arith.muli %mul3A_1651, %scan3A_26 : i32
        %get3A_1653 = arith.index_cast %mul3A_1652 : i32 to index
        %get3A_1654 = arith.constant 0 : index
        %get3A_1655 = tpu.vector_load %arg8[%get3A_1653, %get3A_1654] {strides = array<i32>} : memref<48x16xf32, #tpu.memory_space<vmem>>, vector<1x16xf32>,
        %get3A_1656 = vector.shape_cast %get3A_1655 : vector<1x16xf32> to vector<16xf32>
        %mul3A_1657 = arith.mulf %get3A_1650, %get3A_1656 : vector<16xf32>
        %mul3A_1658 = arith.constant 3 : i32
        %mul3A_1659 = arith.muli %mul3A_1658, %scan3A_26 : i32
        %add3A_1660 = arith.constant 1 : i32
        %add3A_1661 = arith.addi %mul3A_1659, %add3A_1660 : i32
        %get3A_1662 = arith.index_cast %add3A_1661 : i32 to index
        %get3A_1663 = arith.constant 480 : index
        %get3A_1664 = tpu.vector_load %arg7[%get3A_1662, %get3A_1663] {strides = array<i32>} : memref<48x512xf32, #tpu.memory_space<vmem>>, vector<1x16xf32>,
        %get3A_1665 = vector.shape_cast %get3A_1664 : vector<1x16xf32> to vector<16xf32>
        %mul3A_1666 = arith.constant 3 : i32
        %mul3A_1667 = arith.muli %mul3A_1666, %scan3A_26 : i32
        %add3A_1668 = arith.constant 1 : i32
        %add3A_1669 = arith.addi %mul3A_1667, %add3A_1668 : i32
        %get3A_1670 = arith.index_cast %add3A_1669 : i32 to index
        %get3A_1671 = arith.constant 0 : index
        %get3A_1672 = tpu.vector_load %arg8[%get3A_1670, %get3A_1671] {strides = array<i32>} : memref<48x16xf32, #tpu.memory_space<vmem>>, vector<1x16xf32>,
        %get3A_1673 = vector.shape_cast %get3A_1672 : vector<1x16xf32> to vector<16xf32>
        %mul3A_1674 = arith.mulf %get3A_1665, %get3A_1673 : vector<16xf32>
        %add3A_1675 = arith.addf %mul3A_1657, %mul3A_1674 : vector<16xf32>
        %mul3A_1676 = arith.constant 3 : i32
        %mul3A_1677 = arith.muli %mul3A_1676, %scan3A_26 : i32
        %add3A_1678 = arith.constant 2 : i32
        %add3A_1679 = arith.addi %mul3A_1677, %add3A_1678 : i32
        %get3A_1680 = arith.index_cast %add3A_1679 : i32 to index
        %get3A_1681 = arith.constant 480 : index
        %get3A_1682 = tpu.vector_load %arg7[%get3A_1680, %get3A_1681] {strides = array<i32>} : memref<48x512xf32, #tpu.memory_space<vmem>>, vector<1x16xf32>,
        %get3A_1683 = vector.shape_cast %get3A_1682 : vector<1x16xf32> to vector<16xf32>
        %mul3A_1684 = arith.constant 3 : i32
        %mul3A_1685 = arith.muli %mul3A_1684, %scan3A_26 : i32
        %add3A_1686 = arith.constant 2 : i32
        %add3A_1687 = arith.addi %mul3A_1685, %add3A_1686 : i32
        %get3A_1688 = arith.index_cast %add3A_1687 : i32 to index
        %get3A_1689 = arith.constant 0 : index
        %get3A_1690 = tpu.vector_load %arg8[%get3A_1688, %get3A_1689] {strides = array<i32>} : memref<48x16xf32, #tpu.memory_space<vmem>>, vector<1x16xf32>,
        %get3A_1691 = vector.shape_cast %get3A_1690 : vector<1x16xf32> to vector<16xf32>
        %mul3A_1692 = arith.mulf %get3A_1683, %get3A_1691 : vector<16xf32>
        %add3A_1693 = arith.addf %add3A_1675, %mul3A_1692 : vector<16xf32>
        %swap3A_1694 = arith.index_cast %scan3A_26 : i32 to index
        %swap3A_1695 = arith.constant 480 : index
        %swap3A_1696 = tpu.vector_load %arg9[%swap3A_1694, %swap3A_1695] {strides = array<i32>} : memref<16x512xf32, #tpu.memory_space<vmem>>, vector<1x16xf32>,
        %swap3A_1697 = vector.shape_cast %swap3A_1696 : vector<1x16xf32> to vector<16xf32>
        %swap3A_1698 = vector.shape_cast %add3A_1693 : vector<16xf32> to vector<1x16xf32>
        tpu.vector_store %arg9[%swap3A_1694, %swap3A_1695], %swap3A_1698 {strides = array<i32>} : memref<16x512xf32, #tpu.memory_space<vmem>>, vector<1x16xf32>,
        %mul3A_1699 = arith.constant 3 : i32
        %mul3A_1700 = arith.muli %mul3A_1699, %scan3A_26 : i32
        %get3A_1701 = arith.index_cast %mul3A_1700 : i32 to index
        %get3A_1702 = arith.constant 496 : index
        %get3A_1703 = tpu.vector_load %arg7[%get3A_1701, %get3A_1702] {strides = array<i32>} : memref<48x512xf32, #tpu.memory_space<vmem>>, vector<1x16xf32>,
        %get3A_1704 = vector.shape_cast %get3A_1703 : vector<1x16xf32> to vector<16xf32>
        %mul3A_1705 = arith.constant 3 : i32
        %mul3A_1706 = arith.muli %mul3A_1705, %scan3A_26 : i32
        %get3A_1707 = arith.index_cast %mul3A_1706 : i32 to index
        %get3A_1708 = arith.constant 0 : index
        %get3A_1709 = tpu.vector_load %arg8[%get3A_1707, %get3A_1708] {strides = array<i32>} : memref<48x16xf32, #tpu.memory_space<vmem>>, vector<1x16xf32>,
        %get3A_1710 = vector.shape_cast %get3A_1709 : vector<1x16xf32> to vector<16xf32>
        %mul3A_1711 = arith.mulf %get3A_1704, %get3A_1710 : vector<16xf32>
        %mul3A_1712 = arith.constant 3 : i32
        %mul3A_1713 = arith.muli %mul3A_1712, %scan3A_26 : i32
        %add3A_1714 = arith.constant 1 : i32
        %add3A_1715 = arith.addi %mul3A_1713, %add3A_1714 : i32
        %get3A_1716 = arith.index_cast %add3A_1715 : i32 to index
        %get3A_1717 = arith.constant 496 : index
        %get3A_1718 = tpu.vector_load %arg7[%get3A_1716, %get3A_1717] {strides = array<i32>} : memref<48x512xf32, #tpu.memory_space<vmem>>, vector<1x16xf32>,
        %get3A_1719 = vector.shape_cast %get3A_1718 : vector<1x16xf32> to vector<16xf32>
        %mul3A_1720 = arith.constant 3 : i32
        %mul3A_1721 = arith.muli %mul3A_1720, %scan3A_26 : i32
        %add3A_1722 = arith.constant 1 : i32
        %add3A_1723 = arith.addi %mul3A_1721, %add3A_1722 : i32
        %get3A_1724 = arith.index_cast %add3A_1723 : i32 to index
        %get3A_1725 = arith.constant 0 : index
        %get3A_1726 = tpu.vector_load %arg8[%get3A_1724, %get3A_1725] {strides = array<i32>} : memref<48x16xf32, #tpu.memory_space<vmem>>, vector<1x16xf32>,
        %get3A_1727 = vector.shape_cast %get3A_1726 : vector<1x16xf32> to vector<16xf32>
        %mul3A_1728 = arith.mulf %get3A_1719, %get3A_1727 : vector<16xf32>
        %add3A_1729 = arith.addf %mul3A_1711, %mul3A_1728 : vector<16xf32>
        %mul3A_1730 = arith.constant 3 : i32
        %mul3A_1731 = arith.muli %mul3A_1730, %scan3A_26 : i32
        %add3A_1732 = arith.constant 2 : i32
        %add3A_1733 = arith.addi %mul3A_1731, %add3A_1732 : i32
        %get3A_1734 = arith.index_cast %add3A_1733 : i32 to index
        %get3A_1735 = arith.constant 496 : index
        %get3A_1736 = tpu.vector_load %arg7[%get3A_1734, %get3A_1735] {strides = array<i32>} : memref<48x512xf32, #tpu.memory_space<vmem>>, vector<1x16xf32>,
        %get3A_1737 = vector.shape_cast %get3A_1736 : vector<1x16xf32> to vector<16xf32>
        %mul3A_1738 = arith.constant 3 : i32
        %mul3A_1739 = arith.muli %mul3A_1738, %scan3A_26 : i32
        %add3A_1740 = arith.constant 2 : i32
        %add3A_1741 = arith.addi %mul3A_1739, %add3A_1740 : i32
        %get3A_1742 = arith.index_cast %add3A_1741 : i32 to index
        %get3A_1743 = arith.constant 0 : index
        %get3A_1744 = tpu.vector_load %arg8[%get3A_1742, %get3A_1743] {strides = array<i32>} : memref<48x16xf32, #tpu.memory_space<vmem>>, vector<1x16xf32>,
        %get3A_1745 = vector.shape_cast %get3A_1744 : vector<1x16xf32> to vector<16xf32>
        %mul3A_1746 = arith.mulf %get3A_1737, %get3A_1745 : vector<16xf32>
        %add3A_1747 = arith.addf %add3A_1729, %mul3A_1746 : vector<16xf32>
        %swap3A_1748 = arith.index_cast %scan3A_26 : i32 to index
        %swap3A_1749 = arith.constant 496 : index
        %swap3A_1750 = tpu.vector_load %arg9[%swap3A_1748, %swap3A_1749] {strides = array<i32>} : memref<16x512xf32, #tpu.memory_space<vmem>>, vector<1x16xf32>,
        %swap3A_1751 = vector.shape_cast %swap3A_1750 : vector<1x16xf32> to vector<16xf32>
        %swap3A_1752 = vector.shape_cast %add3A_1747 : vector<16xf32> to vector<1x16xf32>
        tpu.vector_store %arg9[%swap3A_1748, %swap3A_1749], %swap3A_1752 {strides = array<i32>} : memref<16x512xf32, #tpu.memory_space<vmem>>, vector<1x16xf32>,
      }
      %scan3A_25 = arith.constant 16 : i32
      "tpu.region"() ({
        %run_scoped3A = tpu.sem_alloc : memref<!tpu.dma_semaphore, #tpu.memory_space<semaphore_mem>>
        %dma_start3A_26 = arith.constant 0 : i32
        %dma_start3A_27 = tpu.memref_slice %arg5[%add3A_11, %dma_start3A_26] : memref<65536x512xf32, #tpu.memory_space<hbm>> -> memref<16x512xf32, #tpu.memory_space<hbm>>
        %dma_start3A_28 = arith.constant 0 : i32
        %dma_start3A_29 = tpu.memref_slice %arg5[%add3A_11, %dma_start3A_28] : memref<65536x512xf32, #tpu.memory_space<hbm>> -> memref<16x512xf32, #tpu.memory_space<hbm>>
        tpu.enqueue_dma source(%arg9 : memref<16x512xf32, #tpu.memory_space<vmem>>) target(%dma_start3A_29 : memref<16x512xf32, #tpu.memory_space<hbm>>) target_semaphore(%run_scoped3A : memref<!tpu.dma_semaphore, #tpu.memory_space<semaphore_mem>>)
        %dma_wait3A_30 = arith.constant 0 : i32
        %dma_wait3A_31 = tpu.memref_slice %arg5[%add3A_11, %dma_wait3A_30] : memref<65536x512xf32, #tpu.memory_space<hbm>> -> memref<16x512xf32, #tpu.memory_space<hbm>>
        %dma_wait3A_32 = arith.constant 0 : i32
        %dma_wait3A_33 = tpu.memref_slice %arg5[%add3A_11, %dma_wait3A_32] : memref<65536x512xf32, #tpu.memory_space<hbm>> -> memref<16x512xf32, #tpu.memory_space<hbm>>
        tpu.wait_dma2 semaphore(%run_scoped3A : memref<!tpu.dma_semaphore, #tpu.memory_space<semaphore_mem>>) src(%arg9 : memref<16x512xf32, #tpu.memory_space<vmem>>) dst(%dma_wait3A_33 : memref<16x512xf32, #tpu.memory_space<hbm>>)
        tpu.yield
      }) : () -> ()
    }
    %scan3A_7 = arith.constant 128 : i32
    return
  }
}

module attributes {stable_mosaic.version = 14 : i64} {
  func.func @_knn_idx_kernel(%arg0: i32, %arg1: memref<1x3x1024xf32, #tpu.memory_space<vmem>>, %arg2: memref<1x512x3xf32, #tpu.memory_space<vmem>>, %arg3: memref<1x512x3xi32, #tpu.memory_space<vmem>>, %arg4: memref<1x512x48xf32, #tpu.memory_space<vmem>>) attributes {dimension_semantics = [#tpu.dimension_semantics<arbitrary>], iteration_bounds = array<i64: 128>, scalar_prefetch = 0 : i64, scratch_operands = 0 : i64, tpu.core_type = #tpu.core_type<tc>, window_params = [{transform_indices = @transform_0, window_bounds = array<i64: 1, 3, 1024>}, {transform_indices = @transform_1, window_bounds = array<i64: 1, 512, 3>}, {transform_indices = @transform_2, window_bounds = array<i64: 1, 512, 3>}, {transform_indices = @transform_3, window_bounds = array<i64: 1, 512, 48>}]} {
    %jit3A = arith.constant 8 : i32
    %div3A = arith.divsi %arg0, %jit3A : i32
    %sign3A = arith.constant 0 : i32
    %sign3A_0 = arith.cmpi sgt, %arg0, %sign3A : i32
    %sign3A_1 = arith.extui %sign3A_0 : i1 to i32
    %sign3A_2 = arith.constant 0 : i32
    %sign3A_3 = arith.cmpi slt, %arg0, %sign3A_2 : i32
    %sign3A_4 = arith.extui %sign3A_3 : i1 to i32
    %sign3A_5 = arith.subi %sign3A_1, %sign3A_4 : i32
    %sign3A_6 = arith.constant 0 : i32
    %sign3A_7 = arith.cmpi sgt, %jit3A, %sign3A_6 : i32
    %sign3A_8 = arith.extui %sign3A_7 : i1 to i32
    %sign3A_9 = arith.constant 0 : i32
    %sign3A_10 = arith.cmpi slt, %jit3A, %sign3A_9 : i32
    %sign3A_11 = arith.extui %sign3A_10 : i1 to i32
    %sign3A_12 = arith.subi %sign3A_8, %sign3A_11 : i32
    %ne3A = arith.cmpi ne, %sign3A_5, %sign3A_12 : i32
    %rem3A = arith.remsi %arg0, %jit3A : i32
    %ne3A_13 = arith.constant 0 : i32
    %ne3A_14 = arith.cmpi ne, %rem3A, %ne3A_13 : i32
    %and3A = arith.andi %ne3A, %ne3A_14 : i1
    %sub3A = arith.constant 1 : i32
    %sub3A_15 = arith.subi %div3A, %sub3A : i32
    %select_n3A = arith.select %and3A, %sub3A_15, %div3A : i32
    %get3A = arith.constant 0 : index
    %get3A_16 = arith.constant 0 : index
    %get3A_17 = arith.constant 0 : index
    %get3A_18 = vector.load %arg2[%get3A, %get3A_16, %get3A_17] : memref<1x512x3xf32, #tpu.memory_space<vmem>>, vector<1x512x3xf32>
    %get3A_19 = vector.shape_cast %get3A_18 : vector<1x512x3xf32> to vector<512x3xf32>
    %get3A_20 = arith.constant 0 : index
    %get3A_21 = arith.constant 0 : index
    %get3A_22 = arith.constant 0 : index
    %get3A_23 = vector.load %arg1[%get3A_20, %get3A_21, %get3A_22] : memref<1x3x1024xf32, #tpu.memory_space<vmem>>, vector<1x3x1024xf32>
    %get3A_24 = vector.shape_cast %get3A_23 : vector<1x3x1024xf32> to vector<3x1024xf32>
    %slice3A = vector.extract_strided_slice %get3A_19 {offsets = [0, 0], sizes = [512, 1], strides = [1, 1]} : vector<512x3xf32> to vector<512x1xf32>
    %slice3A_25 = vector.extract_strided_slice %get3A_24 {offsets = [0, 0], sizes = [1, 1024], strides = [1, 1]} : vector<3x1024xf32> to vector<1x1024xf32>
    %sub3A_26 = vector.broadcast %slice3A : vector<512x1xf32> to vector<512x1024xf32>
    %sub3A_27 = vector.broadcast %slice3A_25 : vector<1x1024xf32> to vector<512x1024xf32>
    %sub3A_28 = arith.subf %sub3A_26, %sub3A_27 : vector<512x1024xf32>
    %slice3A_29 = vector.extract_strided_slice %get3A_19 {offsets = [0, 1], sizes = [512, 1], strides = [1, 1]} : vector<512x3xf32> to vector<512x1xf32>
    %slice3A_30 = vector.extract_strided_slice %get3A_24 {offsets = [1, 0], sizes = [1, 1024], strides = [1, 1]} : vector<3x1024xf32> to vector<1x1024xf32>
    %sub3A_31 = vector.broadcast %slice3A_29 : vector<512x1xf32> to vector<512x1024xf32>
    %sub3A_32 = vector.broadcast %slice3A_30 : vector<1x1024xf32> to vector<512x1024xf32>
    %sub3A_33 = arith.subf %sub3A_31, %sub3A_32 : vector<512x1024xf32>
    %slice3A_34 = vector.extract_strided_slice %get3A_19 {offsets = [0, 2], sizes = [512, 1], strides = [1, 1]} : vector<512x3xf32> to vector<512x1xf32>
    %slice3A_35 = vector.extract_strided_slice %get3A_24 {offsets = [2, 0], sizes = [1, 1024], strides = [1, 1]} : vector<3x1024xf32> to vector<1x1024xf32>
    %sub3A_36 = vector.broadcast %slice3A_34 : vector<512x1xf32> to vector<512x1024xf32>
    %sub3A_37 = vector.broadcast %slice3A_35 : vector<1x1024xf32> to vector<512x1024xf32>
    %sub3A_38 = arith.subf %sub3A_36, %sub3A_37 : vector<512x1024xf32>
    %mul3A = arith.mulf %sub3A_28, %sub3A_28 : vector<512x1024xf32>
    %mul3A_39 = arith.mulf %sub3A_33, %sub3A_33 : vector<512x1024xf32>
    %add3A = arith.addf %mul3A, %mul3A_39 : vector<512x1024xf32>
    %mul3A_40 = arith.mulf %sub3A_38, %sub3A_38 : vector<512x1024xf32>
    %add3A_41 = arith.addf %add3A, %mul3A_40 : vector<512x1024xf32>
    %iota3A = tpu.iota {dimensions = array<i32: 1>} : vector<512x1024xi32>
    %reduce_min3A = arith.constant dense<0x7F800000> : vector<512xf32>
    %reduce_min3A_42 = vector.multi_reduction <minimumf>, %add3A_41, %reduce_min3A [1] : vector<512x1024xf32> to vector<512xf32>
    %broadcast_in_dim3A = vector.shape_cast %reduce_min3A_42 : vector<512xf32> to vector<512x1xf32>
    %eq3A = vector.broadcast %broadcast_in_dim3A : vector<512x1xf32> to vector<512x1024xf32>
    %eq3A_43 = arith.cmpf oeq, %add3A_41, %eq3A : vector<512x1024xf32>
    %jit3A_44 = arith.constant 0x7F800000 : f32
    %broadcast_in_dim3A_45 = vector.broadcast %jit3A_44 : f32 to vector<512x1024xf32>
    %select_n3A_46 = arith.select %eq3A_43, %broadcast_in_dim3A_45, %add3A_41 : vector<512x1024xi1>, vector<512x1024xf32>
    %reduce_min3A_47 = arith.constant dense<0x7F800000> : vector<512xf32>
    %reduce_min3A_48 = vector.multi_reduction <minimumf>, %select_n3A_46, %reduce_min3A_47 [1] : vector<512x1024xf32> to vector<512xf32>
    %broadcast_in_dim3A_49 = vector.shape_cast %reduce_min3A_48 : vector<512xf32> to vector<512x1xf32>
    %eq3A_50 = vector.broadcast %broadcast_in_dim3A_49 : vector<512x1xf32> to vector<512x1024xf32>
    %eq3A_51 = arith.cmpf oeq, %select_n3A_46, %eq3A_50 : vector<512x1024xf32>
    %jit3A_52 = arith.constant 0x7F800000 : f32
    %broadcast_in_dim3A_53 = vector.broadcast %jit3A_52 : f32 to vector<512x1024xf32>
    %select_n3A_54 = arith.select %eq3A_51, %broadcast_in_dim3A_53, %select_n3A_46 : vector<512x1024xi1>, vector<512x1024xf32>
    %reduce_min3A_55 = arith.constant dense<0x7F800000> : vector<512xf32>
    %reduce_min3A_56 = vector.multi_reduction <minimumf>, %select_n3A_54, %reduce_min3A_55 [1] : vector<512x1024xf32> to vector<512xf32>
    %broadcast_in_dim3A_57 = vector.shape_cast %reduce_min3A_56 : vector<512xf32> to vector<512x1xf32>
    %eq3A_58 = vector.broadcast %broadcast_in_dim3A_57 : vector<512x1xf32> to vector<512x1024xf32>
    %eq3A_59 = arith.cmpf oeq, %select_n3A_46, %eq3A_58 : vector<512x1024xf32>
    %jit3A_60 = arith.constant 1024 : i32
    %broadcast_in_dim3A_61 = vector.broadcast %jit3A_60 : i32 to vector<512x1024xi32>
    %select_n3A_62 = arith.select %eq3A_43, %iota3A, %broadcast_in_dim3A_61 : vector<512x1024xi1>, vector<512x1024xi32>
    %reduce_min3A_63 = arith.constant dense<2147483647> : vector<512xi32>
    %reduce_min3A_64 = vector.multi_reduction <minsi>, %select_n3A_62, %reduce_min3A_63 [1] : vector<512x1024xi32> to vector<512xi32>
    %broadcast_in_dim3A_65 = vector.shape_cast %reduce_min3A_64 : vector<512xi32> to vector<512x1xi32>
    %jit3A_66 = arith.constant 1024 : i32
    %broadcast_in_dim3A_67 = vector.broadcast %jit3A_66 : i32 to vector<512x1024xi32>
    %select_n3A_68 = arith.select %eq3A_51, %iota3A, %broadcast_in_dim3A_67 : vector<512x1024xi1>, vector<512x1024xi32>
    %reduce_min3A_69 = arith.constant dense<2147483647> : vector<512xi32>
    %reduce_min3A_70 = vector.multi_reduction <minsi>, %select_n3A_68, %reduce_min3A_69 [1] : vector<512x1024xi32> to vector<512xi32>
    %broadcast_in_dim3A_71 = vector.shape_cast %reduce_min3A_70 : vector<512xi32> to vector<512x1xi32>
    %jit3A_72 = arith.constant 1024 : i32
    %broadcast_in_dim3A_73 = vector.broadcast %jit3A_72 : i32 to vector<512x1024xi32>
    %select_n3A_74 = arith.select %eq3A_59, %iota3A, %broadcast_in_dim3A_73 : vector<512x1024xi1>, vector<512x1024xi32>
    %reduce_min3A_75 = arith.constant dense<2147483647> : vector<512xi32>
    %reduce_min3A_76 = vector.multi_reduction <minsi>, %select_n3A_74, %reduce_min3A_75 [1] : vector<512x1024xi32> to vector<512xi32>
    %broadcast_in_dim3A_77 = vector.shape_cast %reduce_min3A_76 : vector<512xi32> to vector<512x1xi32>
    %max3A = arith.constant 1.000000e-10 : f32
    %max3A_78 = vector.broadcast %max3A : f32 to vector<512x1xf32>
    %max3A_79 = arith.maximumf %broadcast_in_dim3A, %max3A_78 : vector<512x1xf32>
    %div3A_80 = arith.constant 1.000000e+00 : f32
    %div3A_81 = vector.broadcast %div3A_80 : f32 to vector<512x1xf32>
    %div3A_82 = arith.divf %div3A_81, %max3A_79 : vector<512x1xf32>
    %max3A_83 = arith.constant 1.000000e-10 : f32
    %max3A_84 = vector.broadcast %max3A_83 : f32 to vector<512x1xf32>
    %max3A_85 = arith.maximumf %broadcast_in_dim3A_49, %max3A_84 : vector<512x1xf32>
    %div3A_86 = arith.constant 1.000000e+00 : f32
    %div3A_87 = vector.broadcast %div3A_86 : f32 to vector<512x1xf32>
    %div3A_88 = arith.divf %div3A_87, %max3A_85 : vector<512x1xf32>
    %max3A_89 = arith.constant 1.000000e-10 : f32
    %max3A_90 = vector.broadcast %max3A_89 : f32 to vector<512x1xf32>
    %max3A_91 = arith.maximumf %broadcast_in_dim3A_57, %max3A_90 : vector<512x1xf32>
    %div3A_92 = arith.constant 1.000000e+00 : f32
    %div3A_93 = vector.broadcast %div3A_92 : f32 to vector<512x1xf32>
    %div3A_94 = arith.divf %div3A_93, %max3A_91 : vector<512x1xf32>
    %add3A_95 = arith.addf %div3A_82, %div3A_88 : vector<512x1xf32>
    %add3A_96 = arith.addf %add3A_95, %div3A_94 : vector<512x1xf32>
    %div3A_97 = arith.divf %div3A_82, %add3A_96 : vector<512x1xf32>
    %div3A_98 = arith.divf %div3A_88, %add3A_96 : vector<512x1xf32>
    %div3A_99 = arith.divf %div3A_94, %add3A_96 : vector<512x1xf32>
    %mul3A_100 = arith.constant 1024 : i32
    %mul3A_101 = arith.muli %mul3A_100, %select_n3A : i32
    %concatenate3A = tpu.concatenate %broadcast_in_dim3A_65, %broadcast_in_dim3A_71, %broadcast_in_dim3A_77 in 1 : vector<512x1xi32>, vector<512x1xi32>, vector<512x1xi32> -> vector<512x3xi32>
    %add3A_102 = vector.broadcast %mul3A_101 : i32 to vector<512x3xi32>
    %add3A_103 = arith.addi %concatenate3A, %add3A_102 : vector<512x3xi32>
    %swap3A = arith.constant 0 : index
    %swap3A_104 = arith.constant 0 : index
    %swap3A_105 = arith.constant 0 : index
    %swap3A_106 = vector.load %arg3[%swap3A, %swap3A_104, %swap3A_105] : memref<1x512x3xi32, #tpu.memory_space<vmem>>, vector<1x512x3xi32>
    %swap3A_107 = vector.shape_cast %swap3A_106 : vector<1x512x3xi32> to vector<512x3xi32>
    %swap3A_108 = vector.shape_cast %add3A_103 : vector<512x3xi32> to vector<1x512x3xi32>
    tpu.vector_store %arg3[%swap3A, %swap3A_104, %swap3A_105], %swap3A_108 {strides = array<i32>} : memref<1x512x3xi32, #tpu.memory_space<vmem>>, vector<1x512x3xi32>,
    %broadcast_in_dim3A_109 = arith.constant 1.000000e+00 : f32
    %broadcast_in_dim3A_110 = vector.broadcast %broadcast_in_dim3A_109 : f32 to vector<1x16xf32>
    %mul3A_111 = vector.broadcast %div3A_97 : vector<512x1xf32> to vector<512x16xf32>
    %mul3A_112 = vector.broadcast %broadcast_in_dim3A_110 : vector<1x16xf32> to vector<512x16xf32>
    %mul3A_113 = arith.mulf %mul3A_111, %mul3A_112 : vector<512x16xf32>
    %mul3A_114 = vector.broadcast %div3A_98 : vector<512x1xf32> to vector<512x16xf32>
    %mul3A_115 = vector.broadcast %broadcast_in_dim3A_110 : vector<1x16xf32> to vector<512x16xf32>
    %mul3A_116 = arith.mulf %mul3A_114, %mul3A_115 : vector<512x16xf32>
    %mul3A_117 = vector.broadcast %div3A_99 : vector<512x1xf32> to vector<512x16xf32>
    %mul3A_118 = vector.broadcast %broadcast_in_dim3A_110 : vector<1x16xf32> to vector<512x16xf32>
    %mul3A_119 = arith.mulf %mul3A_117, %mul3A_118 : vector<512x16xf32>
    %concatenate3A_120 = tpu.concatenate %mul3A_113, %mul3A_116, %mul3A_119 in 1 : vector<512x16xf32>, vector<512x16xf32>, vector<512x16xf32> -> vector<512x48xf32>
    %swap3A_121 = arith.constant 0 : index
    %swap3A_122 = arith.constant 0 : index
    %swap3A_123 = arith.constant 0 : index
    %swap3A_124 = vector.load %arg4[%swap3A_121, %swap3A_122, %swap3A_123] : memref<1x512x48xf32, #tpu.memory_space<vmem>>, vector<1x512x48xf32>
    %swap3A_125 = vector.shape_cast %swap3A_124 : vector<1x512x48xf32> to vector<512x48xf32>
    %swap3A_126 = vector.shape_cast %concatenate3A_120 : vector<512x48xf32> to vector<1x512x48xf32>
    tpu.vector_store %arg4[%swap3A_121, %swap3A_122, %swap3A_123], %swap3A_126 {strides = array<i32>} : memref<1x512x48xf32, #tpu.memory_space<vmem>>, vector<1x512x48xf32>,
    return
  }
  func.func @transform_0(%arg0: i32) -> (i32, i32, i32) {
    %jit3A = arith.constant 8 : i32
    %div3A = arith.divsi %arg0, %jit3A : i32
    %sign3A = arith.constant 0 : i32
    %sign3A_0 = arith.cmpi sgt, %arg0, %sign3A : i32
    %sign3A_1 = arith.extui %sign3A_0 : i1 to i32
    %sign3A_2 = arith.constant 0 : i32
    %sign3A_3 = arith.cmpi slt, %arg0, %sign3A_2 : i32
    %sign3A_4 = arith.extui %sign3A_3 : i1 to i32
    %sign3A_5 = arith.subi %sign3A_1, %sign3A_4 : i32
    %sign3A_6 = arith.constant 0 : i32
    %sign3A_7 = arith.cmpi sgt, %jit3A, %sign3A_6 : i32
    %sign3A_8 = arith.extui %sign3A_7 : i1 to i32
    %sign3A_9 = arith.constant 0 : i32
    %sign3A_10 = arith.cmpi slt, %jit3A, %sign3A_9 : i32
    %sign3A_11 = arith.extui %sign3A_10 : i1 to i32
    %sign3A_12 = arith.subi %sign3A_8, %sign3A_11 : i32
    %ne3A = arith.cmpi ne, %sign3A_5, %sign3A_12 : i32
    %rem3A = arith.remsi %arg0, %jit3A : i32
    %ne3A_13 = arith.constant 0 : i32
    %ne3A_14 = arith.cmpi ne, %rem3A, %ne3A_13 : i32
    %and3A = arith.andi %ne3A, %ne3A_14 : i1
    %sub3A = arith.constant 1 : i32
    %sub3A_15 = arith.subi %div3A, %sub3A : i32
    %select_n3A = arith.select %and3A, %sub3A_15, %div3A : i32
    %c0_i32 = arith.constant 0 : i32
    %c0_i32_16 = arith.constant 0 : i32
    %c0_i32_17 = arith.constant 0 : i32
    return %select_n3A, %c0_i32, %c0_i32_16 : i32, i32, i32
  }
  func.func @transform_1(%arg0: i32) -> (i32, i32, i32) {
    %jit3A = arith.constant 8 : i32
    %div3A = arith.divsi %arg0, %jit3A : i32
    %sign3A = arith.constant 0 : i32
    %sign3A_0 = arith.cmpi sgt, %arg0, %sign3A : i32
    %sign3A_1 = arith.extui %sign3A_0 : i1 to i32
    %sign3A_2 = arith.constant 0 : i32
    %sign3A_3 = arith.cmpi slt, %arg0, %sign3A_2 : i32
    %sign3A_4 = arith.extui %sign3A_3 : i1 to i32
    %sign3A_5 = arith.subi %sign3A_1, %sign3A_4 : i32
    %sign3A_6 = arith.constant 0 : i32
    %sign3A_7 = arith.cmpi sgt, %jit3A, %sign3A_6 : i32
    %sign3A_8 = arith.extui %sign3A_7 : i1 to i32
    %sign3A_9 = arith.constant 0 : i32
    %sign3A_10 = arith.cmpi slt, %jit3A, %sign3A_9 : i32
    %sign3A_11 = arith.extui %sign3A_10 : i1 to i32
    %sign3A_12 = arith.subi %sign3A_8, %sign3A_11 : i32
    %ne3A = arith.cmpi ne, %sign3A_5, %sign3A_12 : i32
    %rem3A = arith.remsi %arg0, %jit3A : i32
    %ne3A_13 = arith.constant 0 : i32
    %ne3A_14 = arith.cmpi ne, %rem3A, %ne3A_13 : i32
    %and3A = arith.andi %ne3A, %ne3A_14 : i1
    %sub3A = arith.constant 1 : i32
    %sub3A_15 = arith.subi %div3A, %sub3A : i32
    %select_n3A = arith.select %and3A, %sub3A_15, %div3A : i32
    %jit3A_16 = arith.constant 8 : i32
    %eq3A = arith.constant 0 : i32
    %eq3A_17 = arith.cmpi eq, %jit3A_16, %eq3A : i32
    %jit3A_18 = arith.constant 1 : i32
    %select_n3A_19 = arith.select %eq3A_17, %jit3A_18, %jit3A_16 : i32
    %rem3A_20 = arith.remsi %arg0, %select_n3A_19 : i32
    %ne3A_21 = arith.constant 0 : i32
    %ne3A_22 = arith.cmpi ne, %rem3A_20, %ne3A_21 : i32
    %lt3A = arith.constant 0 : i32
    %lt3A_23 = arith.cmpi slt, %rem3A_20, %lt3A : i32
    %lt3A_24 = arith.constant 0 : i32
    %lt3A_25 = arith.cmpi slt, %select_n3A_19, %lt3A_24 : i32
    %ne3A_26 = arith.xori %lt3A_23, %lt3A_25 : i1
    %and3A_27 = arith.andi %ne3A_26, %ne3A_22 : i1
    %add3A = arith.addi %rem3A_20, %select_n3A_19 : i32
    %select_n3A_28 = arith.select %and3A_27, %add3A, %rem3A_20 : i32
    %c0_i32 = arith.constant 0 : i32
    %c0_i32_29 = arith.constant 0 : i32
    return %select_n3A, %select_n3A_28, %c0_i32 : i32, i32, i32
  }
  func.func @transform_2(%arg0: i32) -> (i32, i32, i32) {
    %jit3A = arith.constant 8 : i32
    %div3A = arith.divsi %arg0, %jit3A : i32
    %sign3A = arith.constant 0 : i32
    %sign3A_0 = arith.cmpi sgt, %arg0, %sign3A : i32
    %sign3A_1 = arith.extui %sign3A_0 : i1 to i32
    %sign3A_2 = arith.constant 0 : i32
    %sign3A_3 = arith.cmpi slt, %arg0, %sign3A_2 : i32
    %sign3A_4 = arith.extui %sign3A_3 : i1 to i32
    %sign3A_5 = arith.subi %sign3A_1, %sign3A_4 : i32
    %sign3A_6 = arith.constant 0 : i32
    %sign3A_7 = arith.cmpi sgt, %jit3A, %sign3A_6 : i32
    %sign3A_8 = arith.extui %sign3A_7 : i1 to i32
    %sign3A_9 = arith.constant 0 : i32
    %sign3A_10 = arith.cmpi slt, %jit3A, %sign3A_9 : i32
    %sign3A_11 = arith.extui %sign3A_10 : i1 to i32
    %sign3A_12 = arith.subi %sign3A_8, %sign3A_11 : i32
    %ne3A = arith.cmpi ne, %sign3A_5, %sign3A_12 : i32
    %rem3A = arith.remsi %arg0, %jit3A : i32
    %ne3A_13 = arith.constant 0 : i32
    %ne3A_14 = arith.cmpi ne, %rem3A, %ne3A_13 : i32
    %and3A = arith.andi %ne3A, %ne3A_14 : i1
    %sub3A = arith.constant 1 : i32
    %sub3A_15 = arith.subi %div3A, %sub3A : i32
    %select_n3A = arith.select %and3A, %sub3A_15, %div3A : i32
    %jit3A_16 = arith.constant 8 : i32
    %eq3A = arith.constant 0 : i32
    %eq3A_17 = arith.cmpi eq, %jit3A_16, %eq3A : i32
    %jit3A_18 = arith.constant 1 : i32
    %select_n3A_19 = arith.select %eq3A_17, %jit3A_18, %jit3A_16 : i32
    %rem3A_20 = arith.remsi %arg0, %select_n3A_19 : i32
    %ne3A_21 = arith.constant 0 : i32
    %ne3A_22 = arith.cmpi ne, %rem3A_20, %ne3A_21 : i32
    %lt3A = arith.constant 0 : i32
    %lt3A_23 = arith.cmpi slt, %rem3A_20, %lt3A : i32
    %lt3A_24 = arith.constant 0 : i32
    %lt3A_25 = arith.cmpi slt, %select_n3A_19, %lt3A_24 : i32
    %ne3A_26 = arith.xori %lt3A_23, %lt3A_25 : i1
    %and3A_27 = arith.andi %ne3A_26, %ne3A_22 : i1
    %add3A = arith.addi %rem3A_20, %select_n3A_19 : i32
    %select_n3A_28 = arith.select %and3A_27, %add3A, %rem3A_20 : i32
    %c0_i32 = arith.constant 0 : i32
    %c0_i32_29 = arith.constant 0 : i32
    return %select_n3A, %select_n3A_28, %c0_i32 : i32, i32, i32
  }
  func.func @transform_3(%arg0: i32) -> (i32, i32, i32) {
    %jit3A = arith.constant 8 : i32
    %div3A = arith.divsi %arg0, %jit3A : i32
    %sign3A = arith.constant 0 : i32
    %sign3A_0 = arith.cmpi sgt, %arg0, %sign3A : i32
    %sign3A_1 = arith.extui %sign3A_0 : i1 to i32
    %sign3A_2 = arith.constant 0 : i32
    %sign3A_3 = arith.cmpi slt, %arg0, %sign3A_2 : i32
    %sign3A_4 = arith.extui %sign3A_3 : i1 to i32
    %sign3A_5 = arith.subi %sign3A_1, %sign3A_4 : i32
    %sign3A_6 = arith.constant 0 : i32
    %sign3A_7 = arith.cmpi sgt, %jit3A, %sign3A_6 : i32
    %sign3A_8 = arith.extui %sign3A_7 : i1 to i32
    %sign3A_9 = arith.constant 0 : i32
    %sign3A_10 = arith.cmpi slt, %jit3A, %sign3A_9 : i32
    %sign3A_11 = arith.extui %sign3A_10 : i1 to i32
    %sign3A_12 = arith.subi %sign3A_8, %sign3A_11 : i32
    %ne3A = arith.cmpi ne, %sign3A_5, %sign3A_12 : i32
    %rem3A = arith.remsi %arg0, %jit3A : i32
    %ne3A_13 = arith.constant 0 : i32
    %ne3A_14 = arith.cmpi ne, %rem3A, %ne3A_13 : i32
    %and3A = arith.andi %ne3A, %ne3A_14 : i1
    %sub3A = arith.constant 1 : i32
    %sub3A_15 = arith.subi %div3A, %sub3A : i32
    %select_n3A = arith.select %and3A, %sub3A_15, %div3A : i32
    %jit3A_16 = arith.constant 8 : i32
    %eq3A = arith.constant 0 : i32
    %eq3A_17 = arith.cmpi eq, %jit3A_16, %eq3A : i32
    %jit3A_18 = arith.constant 1 : i32
    %select_n3A_19 = arith.select %eq3A_17, %jit3A_18, %jit3A_16 : i32
    %rem3A_20 = arith.remsi %arg0, %select_n3A_19 : i32
    %ne3A_21 = arith.constant 0 : i32
    %ne3A_22 = arith.cmpi ne, %rem3A_20, %ne3A_21 : i32
    %lt3A = arith.constant 0 : i32
    %lt3A_23 = arith.cmpi slt, %rem3A_20, %lt3A : i32
    %lt3A_24 = arith.constant 0 : i32
    %lt3A_25 = arith.cmpi slt, %select_n3A_19, %lt3A_24 : i32
    %ne3A_26 = arith.xori %lt3A_23, %lt3A_25 : i1
    %and3A_27 = arith.andi %ne3A_26, %ne3A_22 : i1
    %add3A = arith.addi %rem3A_20, %select_n3A_19 : i32
    %select_n3A_28 = arith.select %and3A_27, %add3A, %rem3A_20 : i32
    %c0_i32 = arith.constant 0 : i32
    %c0_i32_29 = arith.constant 0 : i32
    return %select_n3A, %select_n3A_28, %c0_i32 : i32, i32, i32
  }
}

module attributes {stable_mosaic.version = 14 : i64} {
  func.func @_l1_kernel(%arg0: i32, %arg1: i32, %arg2: memref<1x512x512xf32, #tpu.memory_space<vmem>>, %arg3: memref<1x256x512xf32, #tpu.memory_space<vmem>>, %arg4: memref<512x512xbf16, #tpu.memory_space<vmem>>, %arg5: memref<512x256xbf16, #tpu.memory_space<vmem>>, %arg6: memref<512x1xf32, #tpu.memory_space<vmem>>, %arg7: memref<1x512x512xbf16, #tpu.memory_space<vmem>>, %arg8: memref<512x1xf32, #tpu.memory_space<vmem>>, %arg9: memref<512x1xf32, #tpu.memory_space<vmem>>) attributes {dimension_semantics = [#tpu.dimension_semantics<arbitrary>, #tpu.dimension_semantics<arbitrary>], iteration_bounds = array<i64: 16, 8>, scalar_prefetch = 0 : i64, scratch_operands = 0 : i64, tpu.core_type = #tpu.core_type<tc>, window_params = [{transform_indices = @transform_0, window_bounds = array<i64: 1, 512, 512>}, {transform_indices = @transform_1, window_bounds = array<i64: 1, 256, 512>}, {pipeline_mode = #tpu.pipeline_mode<synchronous>, transform_indices = @transform_2, window_bounds = array<i64: 512, 512>}, {pipeline_mode = #tpu.pipeline_mode<synchronous>, transform_indices = @transform_3, window_bounds = array<i64: 512, 256>}, {pipeline_mode = #tpu.pipeline_mode<synchronous>, transform_indices = @transform_4, window_bounds = array<i64: 512, 1>}, {transform_indices = @transform_5, window_bounds = array<i64: 1, 512, 512>}, {pipeline_mode = #tpu.pipeline_mode<synchronous>, transform_indices = @transform_6, window_bounds = array<i64: 512, 1>}, {pipeline_mode = #tpu.pipeline_mode<synchronous>, transform_indices = @transform_7, window_bounds = array<i64: 512, 1>}]} {
    %get3A = arith.constant 0 : index
    %get3A_0 = arith.constant 0 : index
    %get3A_1 = vector.load %arg4[%get3A, %get3A_0] : memref<512x512xbf16, #tpu.memory_space<vmem>>, vector<512x512xbf16>
    %get3A_2 = arith.constant 0 : index
    %get3A_3 = arith.constant 0 : index
    %get3A_4 = arith.constant 0 : index
    %get3A_5 = vector.load %arg2[%get3A_2, %get3A_3, %get3A_4] : memref<1x512x512xf32, #tpu.memory_space<vmem>>, vector<1x512x512xf32>
    %get3A_6 = vector.shape_cast %get3A_5 : vector<1x512x512xf32> to vector<512x512xf32>
    %convert_element_type3A = arith.truncf %get3A_6 : vector<512x512xf32> to vector<512x512xbf16>
    %dot_general3A = arith.constant dense<0.000000e+00> : vector<512x512xf32>
    %dot_general3A_7 = tpu.matmul %get3A_1, %convert_element_type3A, %dot_general3A {dimension_numbers = #tpu.dot_dimension_numbers<[1], [1], [0], [0], [0, 0, 1, 0], [], []>, transpose_lhs_hint = false} : vector<512x512xbf16>, vector<512x512xbf16>, vector<512x512xf32> -> vector<512x512xf32>
    %get3A_8 = arith.constant 0 : index
    %get3A_9 = arith.constant 0 : index
    %get3A_10 = vector.load %arg5[%get3A_8, %get3A_9] : memref<512x256xbf16, #tpu.memory_space<vmem>>, vector<512x256xbf16>
    %get3A_11 = arith.constant 0 : index
    %get3A_12 = arith.constant 0 : index
    %get3A_13 = arith.constant 0 : index
    %get3A_14 = vector.load %arg3[%get3A_11, %get3A_12, %get3A_13] : memref<1x256x512xf32, #tpu.memory_space<vmem>>, vector<1x256x512xf32>
    %get3A_15 = vector.shape_cast %get3A_14 : vector<1x256x512xf32> to vector<256x512xf32>
    %convert_element_type3A_16 = arith.truncf %get3A_15 : vector<256x512xf32> to vector<256x512xbf16>
    %dot_general3A_17 = arith.constant dense<0.000000e+00> : vector<512x512xf32>
    %dot_general3A_18 = tpu.matmul %get3A_10, %convert_element_type3A_16, %dot_general3A_17 {dimension_numbers = #tpu.dot_dimension_numbers<[1], [0], [0], [1], [0, 0, 1, 1], [], []>, transpose_lhs_hint = false} : vector<512x256xbf16>, vector<256x512xbf16>, vector<512x512xf32> -> vector<512x512xf32>
    %add3A = arith.addf %dot_general3A_7, %dot_general3A_18 : vector<512x512xf32>
    %get3A_19 = arith.constant 0 : index
    %get3A_20 = arith.constant 0 : index
    %get3A_21 = vector.load %arg6[%get3A_19, %get3A_20] : memref<512x1xf32, #tpu.memory_space<vmem>>, vector<512x1xf32>
    %add3A_22 = vector.broadcast %get3A_21 : vector<512x1xf32> to vector<512x512xf32>
    %add3A_23 = arith.addf %add3A, %add3A_22 : vector<512x512xf32>
    %convert_element_type3A_24 = arith.truncf %add3A_23 : vector<512x512xf32> to vector<512x512xbf16>
    %swap3A = arith.constant 0 : index
    %swap3A_25 = arith.constant 0 : index
    %swap3A_26 = arith.constant 0 : index
    %swap3A_27 = vector.load %arg7[%swap3A, %swap3A_25, %swap3A_26] : memref<1x512x512xbf16, #tpu.memory_space<vmem>>, vector<1x512x512xbf16>
    %swap3A_28 = vector.shape_cast %swap3A_27 : vector<1x512x512xbf16> to vector<512x512xbf16>
    %swap3A_29 = vector.shape_cast %convert_element_type3A_24 : vector<512x512xbf16> to vector<1x512x512xbf16>
    tpu.vector_store %arg7[%swap3A, %swap3A_25, %swap3A_26], %swap3A_29 {strides = array<i32>} : memref<1x512x512xbf16, #tpu.memory_space<vmem>>, vector<1x512x512xbf16>,
    %eq3A = arith.constant 0 : i32
    %eq3A_30 = arith.cmpi eq, %arg0, %eq3A : i32
    %eq3A_31 = arith.constant 0 : i32
    %eq3A_32 = arith.cmpi eq, %arg1, %eq3A_31 : i32
    %and3A = arith.andi %eq3A_30, %eq3A_32 : i1
    %convert_element_type3A_33 = arith.extui %and3A : i1 to i32
    %cond3A = arith.constant 0 : i32
    %cond3A_34 = arith.cmpi ne, %convert_element_type3A_33, %cond3A : i32
    scf.if %cond3A_34 {
      %broadcast_in_dim3A_53 = arith.constant 0.000000e+00 : f32
      %broadcast_in_dim3A_54 = vector.broadcast %broadcast_in_dim3A_53 : f32 to vector<512x1xf32>
      %swap3A_55 = arith.constant 0 : index
      %swap3A_56 = arith.constant 0 : index
      %swap3A_57 = vector.load %arg8[%swap3A_55, %swap3A_56] : memref<512x1xf32, #tpu.memory_space<vmem>>, vector<512x1xf32>
      tpu.vector_store %arg8[%swap3A_55, %swap3A_56], %broadcast_in_dim3A_54 {strides = array<i32>} : memref<512x1xf32, #tpu.memory_space<vmem>>, vector<512x1xf32>,
      %broadcast_in_dim3A_58 = arith.constant 0.000000e+00 : f32
      %broadcast_in_dim3A_59 = vector.broadcast %broadcast_in_dim3A_58 : f32 to vector<512x1xf32>
      %swap3A_60 = arith.constant 0 : index
      %swap3A_61 = arith.constant 0 : index
      %swap3A_62 = vector.load %arg9[%swap3A_60, %swap3A_61] : memref<512x1xf32, #tpu.memory_space<vmem>>, vector<512x1xf32>
      tpu.vector_store %arg9[%swap3A_60, %swap3A_61], %broadcast_in_dim3A_59 {strides = array<i32>} : memref<512x1xf32, #tpu.memory_space<vmem>>, vector<512x1xf32>,
    } else {
    }
    %get3A_35 = arith.constant 0 : index
    %get3A_36 = arith.constant 0 : index
    %get3A_37 = vector.load %arg8[%get3A_35, %get3A_36] : memref<512x1xf32, #tpu.memory_space<vmem>>, vector<512x1xf32>
    %reduce_sum3A = arith.constant dense<0.000000e+00> : vector<512xf32>
    %reduce_sum3A_38 = vector.multi_reduction <add>, %add3A_23, %reduce_sum3A [1] : vector<512x512xf32> to vector<512xf32>
    %broadcast_in_dim3A = vector.shape_cast %reduce_sum3A_38 : vector<512xf32> to vector<512x1xf32>
    %add3A_39 = arith.addf %get3A_37, %broadcast_in_dim3A : vector<512x1xf32>
    %swap3A_40 = arith.constant 0 : index
    %swap3A_41 = arith.constant 0 : index
    %swap3A_42 = vector.load %arg8[%swap3A_40, %swap3A_41] : memref<512x1xf32, #tpu.memory_space<vmem>>, vector<512x1xf32>
    tpu.vector_store %arg8[%swap3A_40, %swap3A_41], %add3A_39 {strides = array<i32>} : memref<512x1xf32, #tpu.memory_space<vmem>>, vector<512x1xf32>,
    %get3A_43 = arith.constant 0 : index
    %get3A_44 = arith.constant 0 : index
    %get3A_45 = vector.load %arg9[%get3A_43, %get3A_44] : memref<512x1xf32, #tpu.memory_space<vmem>>, vector<512x1xf32>
    %mul3A = arith.mulf %add3A_23, %add3A_23 : vector<512x512xf32>
    %reduce_sum3A_46 = arith.constant dense<0.000000e+00> : vector<512xf32>
    %reduce_sum3A_47 = vector.multi_reduction <add>, %mul3A, %reduce_sum3A_46 [1] : vector<512x512xf32> to vector<512xf32>
    %broadcast_in_dim3A_48 = vector.shape_cast %reduce_sum3A_47 : vector<512xf32> to vector<512x1xf32>
    %add3A_49 = arith.addf %get3A_45, %broadcast_in_dim3A_48 : vector<512x1xf32>
    %swap3A_50 = arith.constant 0 : index
    %swap3A_51 = arith.constant 0 : index
    %swap3A_52 = vector.load %arg9[%swap3A_50, %swap3A_51] : memref<512x1xf32, #tpu.memory_space<vmem>>, vector<512x1xf32>
    tpu.vector_store %arg9[%swap3A_50, %swap3A_51], %add3A_49 {strides = array<i32>} : memref<512x1xf32, #tpu.memory_space<vmem>>, vector<512x1xf32>,
    return
  }
  func.func @transform_0(%arg0: i32, %arg1: i32) -> (i32, i32, i32) {
    %c0_i32 = arith.constant 0 : i32
    %c0_i32_0 = arith.constant 0 : i32
    return %arg0, %arg1, %c0_i32 : i32, i32, i32
  }
  func.func @transform_1(%arg0: i32, %arg1: i32) -> (i32, i32, i32) {
    %c0_i32 = arith.constant 0 : i32
    %c0_i32_0 = arith.constant 0 : i32
    return %arg0, %c0_i32, %arg1 : i32, i32, i32
  }
  func.func @transform_2(%arg0: i32, %arg1: i32) -> (i32, i32) {
    %c0_i32 = arith.constant 0 : i32
    %c0_i32_0 = arith.constant 0 : i32
    %c0_i32_1 = arith.constant 0 : i32
    return %c0_i32, %c0_i32_0 : i32, i32
  }
  func.func @transform_3(%arg0: i32, %arg1: i32) -> (i32, i32) {
    %c0_i32 = arith.constant 0 : i32
    %c0_i32_0 = arith.constant 0 : i32
    %c0_i32_1 = arith.constant 0 : i32
    return %c0_i32, %c0_i32_0 : i32, i32
  }
  func.func @transform_4(%arg0: i32, %arg1: i32) -> (i32, i32) {
    %c0_i32 = arith.constant 0 : i32
    %c0_i32_0 = arith.constant 0 : i32
    %c0_i32_1 = arith.constant 0 : i32
    return %c0_i32, %c0_i32_0 : i32, i32
  }
  func.func @transform_5(%arg0: i32, %arg1: i32) -> (i32, i32, i32) {
    %c0_i32 = arith.constant 0 : i32
    %c0_i32_0 = arith.constant 0 : i32
    return %arg0, %c0_i32, %arg1 : i32, i32, i32
  }
  func.func @transform_6(%arg0: i32, %arg1: i32) -> (i32, i32) {
    %c0_i32 = arith.constant 0 : i32
    %c0_i32_0 = arith.constant 0 : i32
    %c0_i32_1 = arith.constant 0 : i32
    return %c0_i32, %c0_i32_0 : i32, i32
  }
  func.func @transform_7(%arg0: i32, %arg1: i32) -> (i32, i32) {
    %c0_i32 = arith.constant 0 : i32
    %c0_i32_0 = arith.constant 0 : i32
    %c0_i32_1 = arith.constant 0 : i32
    return %c0_i32, %c0_i32_0 : i32, i32
  }
}

module attributes {stable_mosaic.version = 14 : i64} {
  func.func @_bn_l2_kernel(%arg0: i32, %arg1: i32, %arg2: memref<1x512x2048xbf16, #tpu.memory_space<vmem>>, %arg3: memref<512x1xf32, #tpu.memory_space<vmem>>, %arg4: memref<512x1xf32, #tpu.memory_space<vmem>>, %arg5: memref<512x1xf32, #tpu.memory_space<vmem>>, %arg6: memref<512x1xf32, #tpu.memory_space<vmem>>, %arg7: memref<512x512xbf16, #tpu.memory_space<vmem>>, %arg8: memref<512x1xf32, #tpu.memory_space<vmem>>, %arg9: memref<1x512x2048xbf16, #tpu.memory_space<vmem>>, %arg10: memref<512x1xf32, #tpu.memory_space<vmem>>, %arg11: memref<512x1xf32, #tpu.memory_space<vmem>>) attributes {dimension_semantics = [#tpu.dimension_semantics<arbitrary>, #tpu.dimension_semantics<arbitrary>], iteration_bounds = array<i64: 16, 2>, scalar_prefetch = 0 : i64, scratch_operands = 0 : i64, tpu.core_type = #tpu.core_type<tc>, window_params = [{transform_indices = @transform_0, window_bounds = array<i64: 1, 512, 2048>}, {pipeline_mode = #tpu.pipeline_mode<synchronous>, transform_indices = @transform_1, window_bounds = array<i64: 512, 1>}, {pipeline_mode = #tpu.pipeline_mode<synchronous>, transform_indices = @transform_2, window_bounds = array<i64: 512, 1>}, {pipeline_mode = #tpu.pipeline_mode<synchronous>, transform_indices = @transform_3, window_bounds = array<i64: 512, 1>}, {pipeline_mode = #tpu.pipeline_mode<synchronous>, transform_indices = @transform_4, window_bounds = array<i64: 512, 1>}, {pipeline_mode = #tpu.pipeline_mode<synchronous>, transform_indices = @transform_5, window_bounds = array<i64: 512, 512>}, {pipeline_mode = #tpu.pipeline_mode<synchronous>, transform_indices = @transform_6, window_bounds = array<i64: 512, 1>}, {transform_indices = @transform_7, window_bounds = array<i64: 1, 512, 2048>}, {pipeline_mode = #tpu.pipeline_mode<synchronous>, transform_indices = @transform_8, window_bounds = array<i64: 512, 1>}, {pipeline_mode = #tpu.pipeline_mode<synchronous>, transform_indices = @transform_9, window_bounds = array<i64: 512, 1>}]} {
    %get3A = arith.constant 0 : index
    %get3A_0 = arith.constant 0 : index
    %get3A_1 = vector.load %arg3[%get3A, %get3A_0] : memref<512x1xf32, #tpu.memory_space<vmem>>, vector<512x1xf32>
    %div3A = arith.constant 6.553600e+04 : f32
    %div3A_2 = vector.broadcast %div3A : f32 to vector<512x1xf32>
    %div3A_3 = arith.divf %get3A_1, %div3A_2 : vector<512x1xf32>
    %get3A_4 = arith.constant 0 : index
    %get3A_5 = arith.constant 0 : index
    %get3A_6 = vector.load %arg4[%get3A_4, %get3A_5] : memref<512x1xf32, #tpu.memory_space<vmem>>, vector<512x1xf32>
    %div3A_7 = arith.constant 6.553600e+04 : f32
    %div3A_8 = vector.broadcast %div3A_7 : f32 to vector<512x1xf32>
    %div3A_9 = arith.divf %get3A_6, %div3A_8 : vector<512x1xf32>
    %mul3A = arith.mulf %div3A_3, %div3A_3 : vector<512x1xf32>
    %sub3A = arith.subf %div3A_9, %mul3A : vector<512x1xf32>
    %add3A = arith.constant 9.99999974E-6 : f32
    %add3A_10 = vector.broadcast %add3A : f32 to vector<512x1xf32>
    %add3A_11 = arith.addf %sub3A, %add3A_10 : vector<512x1xf32>
    %rsqrt3A = math.rsqrt %add3A_11 : vector<512x1xf32>
    %get3A_12 = arith.constant 0 : index
    %get3A_13 = arith.constant 0 : index
    %get3A_14 = vector.load %arg5[%get3A_12, %get3A_13] : memref<512x1xf32, #tpu.memory_space<vmem>>, vector<512x1xf32>
    %mul3A_15 = arith.mulf %get3A_14, %rsqrt3A : vector<512x1xf32>
    %get3A_16 = arith.constant 0 : index
    %get3A_17 = arith.constant 0 : index
    %get3A_18 = vector.load %arg6[%get3A_16, %get3A_17] : memref<512x1xf32, #tpu.memory_space<vmem>>, vector<512x1xf32>
    %mul3A_19 = arith.mulf %div3A_3, %mul3A_15 : vector<512x1xf32>
    %sub3A_20 = arith.subf %get3A_18, %mul3A_19 : vector<512x1xf32>
    %get3A_21 = arith.constant 0 : index
    %get3A_22 = arith.constant 0 : index
    %get3A_23 = arith.constant 0 : index
    %get3A_24 = vector.load %arg2[%get3A_21, %get3A_22, %get3A_23] : memref<1x512x2048xbf16, #tpu.memory_space<vmem>>, vector<1x512x2048xbf16>
    %get3A_25 = vector.shape_cast %get3A_24 : vector<1x512x2048xbf16> to vector<512x2048xbf16>
    %convert_element_type3A = arith.extf %get3A_25 : vector<512x2048xbf16> to vector<512x2048xf32>
    %mul3A_26 = vector.broadcast %mul3A_15 : vector<512x1xf32> to vector<512x2048xf32>
    %mul3A_27 = arith.mulf %convert_element_type3A, %mul3A_26 : vector<512x2048xf32>
    %add3A_28 = vector.broadcast %sub3A_20 : vector<512x1xf32> to vector<512x2048xf32>
    %add3A_29 = arith.addf %mul3A_27, %add3A_28 : vector<512x2048xf32>
    %max3A = arith.constant 0.000000e+00 : f32
    %max3A_30 = vector.broadcast %max3A : f32 to vector<512x2048xf32>
    %max3A_31 = arith.maximumf %add3A_29, %max3A_30 : vector<512x2048xf32>
    %get3A_32 = arith.constant 0 : index
    %get3A_33 = arith.constant 0 : index
    %get3A_34 = vector.load %arg7[%get3A_32, %get3A_33] : memref<512x512xbf16, #tpu.memory_space<vmem>>, vector<512x512xbf16>
    %convert_element_type3A_35 = arith.truncf %max3A_31 : vector<512x2048xf32> to vector<512x2048xbf16>
    %dot_general3A = arith.constant dense<0.000000e+00> : vector<512x2048xf32>
    %dot_general3A_36 = tpu.matmul %get3A_34, %convert_element_type3A_35, %dot_general3A {dimension_numbers = #tpu.dot_dimension_numbers<[1], [0], [0], [1], [0, 0, 1, 1], [], []>, transpose_lhs_hint = false} : vector<512x512xbf16>, vector<512x2048xbf16>, vector<512x2048xf32> -> vector<512x2048xf32>
    %get3A_37 = arith.constant 0 : index
    %get3A_38 = arith.constant 0 : index
    %get3A_39 = vector.load %arg8[%get3A_37, %get3A_38] : memref<512x1xf32, #tpu.memory_space<vmem>>, vector<512x1xf32>
    %add3A_40 = vector.broadcast %get3A_39 : vector<512x1xf32> to vector<512x2048xf32>
    %add3A_41 = arith.addf %dot_general3A_36, %add3A_40 : vector<512x2048xf32>
    %convert_element_type3A_42 = arith.truncf %add3A_41 : vector<512x2048xf32> to vector<512x2048xbf16>
    %swap3A = arith.constant 0 : index
    %swap3A_43 = arith.constant 0 : index
    %swap3A_44 = arith.constant 0 : index
    %swap3A_45 = vector.load %arg9[%swap3A, %swap3A_43, %swap3A_44] : memref<1x512x2048xbf16, #tpu.memory_space<vmem>>, vector<1x512x2048xbf16>
    %swap3A_46 = vector.shape_cast %swap3A_45 : vector<1x512x2048xbf16> to vector<512x2048xbf16>
    %swap3A_47 = vector.shape_cast %convert_element_type3A_42 : vector<512x2048xbf16> to vector<1x512x2048xbf16>
    tpu.vector_store %arg9[%swap3A, %swap3A_43, %swap3A_44], %swap3A_47 {strides = array<i32>} : memref<1x512x2048xbf16, #tpu.memory_space<vmem>>, vector<1x512x2048xbf16>,
    %eq3A = arith.constant 0 : i32
    %eq3A_48 = arith.cmpi eq, %arg0, %eq3A : i32
    %eq3A_49 = arith.constant 0 : i32
    %eq3A_50 = arith.cmpi eq, %arg1, %eq3A_49 : i32
    %and3A = arith.andi %eq3A_48, %eq3A_50 : i1
    %convert_element_type3A_51 = arith.extui %and3A : i1 to i32
    %cond3A = arith.constant 0 : i32
    %cond3A_52 = arith.cmpi ne, %convert_element_type3A_51, %cond3A : i32
    scf.if %cond3A_52 {
      %broadcast_in_dim3A_72 = arith.constant 0.000000e+00 : f32
      %broadcast_in_dim3A_73 = vector.broadcast %broadcast_in_dim3A_72 : f32 to vector<512x1xf32>
      %swap3A_74 = arith.constant 0 : index
      %swap3A_75 = arith.constant 0 : index
      %swap3A_76 = vector.load %arg10[%swap3A_74, %swap3A_75] : memref<512x1xf32, #tpu.memory_space<vmem>>, vector<512x1xf32>
      tpu.vector_store %arg10[%swap3A_74, %swap3A_75], %broadcast_in_dim3A_73 {strides = array<i32>} : memref<512x1xf32, #tpu.memory_space<vmem>>, vector<512x1xf32>,
      %broadcast_in_dim3A_77 = arith.constant 0.000000e+00 : f32
      %broadcast_in_dim3A_78 = vector.broadcast %broadcast_in_dim3A_77 : f32 to vector<512x1xf32>
      %swap3A_79 = arith.constant 0 : index
      %swap3A_80 = arith.constant 0 : index
      %swap3A_81 = vector.load %arg11[%swap3A_79, %swap3A_80] : memref<512x1xf32, #tpu.memory_space<vmem>>, vector<512x1xf32>
      tpu.vector_store %arg11[%swap3A_79, %swap3A_80], %broadcast_in_dim3A_78 {strides = array<i32>} : memref<512x1xf32, #tpu.memory_space<vmem>>, vector<512x1xf32>,
    } else {
    }
    %get3A_53 = arith.constant 0 : index
    %get3A_54 = arith.constant 0 : index
    %get3A_55 = vector.load %arg10[%get3A_53, %get3A_54] : memref<512x1xf32, #tpu.memory_space<vmem>>, vector<512x1xf32>
    %reduce_sum3A = arith.constant dense<0.000000e+00> : vector<512xf32>
    %reduce_sum3A_56 = vector.multi_reduction <add>, %add3A_41, %reduce_sum3A [1] : vector<512x2048xf32> to vector<512xf32>
    %broadcast_in_dim3A = vector.shape_cast %reduce_sum3A_56 : vector<512xf32> to vector<512x1xf32>
    %add3A_57 = arith.addf %get3A_55, %broadcast_in_dim3A : vector<512x1xf32>
    %swap3A_58 = arith.constant 0 : index
    %swap3A_59 = arith.constant 0 : index
    %swap3A_60 = vector.load %arg10[%swap3A_58, %swap3A_59] : memref<512x1xf32, #tpu.memory_space<vmem>>, vector<512x1xf32>
    tpu.vector_store %arg10[%swap3A_58, %swap3A_59], %add3A_57 {strides = array<i32>} : memref<512x1xf32, #tpu.memory_space<vmem>>, vector<512x1xf32>,
    %get3A_61 = arith.constant 0 : index
    %get3A_62 = arith.constant 0 : index
    %get3A_63 = vector.load %arg11[%get3A_61, %get3A_62] : memref<512x1xf32, #tpu.memory_space<vmem>>, vector<512x1xf32>
    %mul3A_64 = arith.mulf %add3A_41, %add3A_41 : vector<512x2048xf32>
    %reduce_sum3A_65 = arith.constant dense<0.000000e+00> : vector<512xf32>
    %reduce_sum3A_66 = vector.multi_reduction <add>, %mul3A_64, %reduce_sum3A_65 [1] : vector<512x2048xf32> to vector<512xf32>
    %broadcast_in_dim3A_67 = vector.shape_cast %reduce_sum3A_66 : vector<512xf32> to vector<512x1xf32>
    %add3A_68 = arith.addf %get3A_63, %broadcast_in_dim3A_67 : vector<512x1xf32>
    %swap3A_69 = arith.constant 0 : index
    %swap3A_70 = arith.constant 0 : index
    %swap3A_71 = vector.load %arg11[%swap3A_69, %swap3A_70] : memref<512x1xf32, #tpu.memory_space<vmem>>, vector<512x1xf32>
    tpu.vector_store %arg11[%swap3A_69, %swap3A_70], %add3A_68 {strides = array<i32>} : memref<512x1xf32, #tpu.memory_space<vmem>>, vector<512x1xf32>,
    return
  }
  func.func @transform_0(%arg0: i32, %arg1: i32) -> (i32, i32, i32) {
    %c0_i32 = arith.constant 0 : i32
    %c0_i32_0 = arith.constant 0 : i32
    return %arg0, %c0_i32, %arg1 : i32, i32, i32
  }
  func.func @transform_1(%arg0: i32, %arg1: i32) -> (i32, i32) {
    %c0_i32 = arith.constant 0 : i32
    %c0_i32_0 = arith.constant 0 : i32
    %c0_i32_1 = arith.constant 0 : i32
    return %c0_i32, %c0_i32_0 : i32, i32
  }
  func.func @transform_2(%arg0: i32, %arg1: i32) -> (i32, i32) {
    %c0_i32 = arith.constant 0 : i32
    %c0_i32_0 = arith.constant 0 : i32
    %c0_i32_1 = arith.constant 0 : i32
    return %c0_i32, %c0_i32_0 : i32, i32
  }
  func.func @transform_3(%arg0: i32, %arg1: i32) -> (i32, i32) {
    %c0_i32 = arith.constant 0 : i32
    %c0_i32_0 = arith.constant 0 : i32
    %c0_i32_1 = arith.constant 0 : i32
    return %c0_i32, %c0_i32_0 : i32, i32
  }
  func.func @transform_4(%arg0: i32, %arg1: i32) -> (i32, i32) {
    %c0_i32 = arith.constant 0 : i32
    %c0_i32_0 = arith.constant 0 : i32
    %c0_i32_1 = arith.constant 0 : i32
    return %c0_i32, %c0_i32_0 : i32, i32
  }
  func.func @transform_5(%arg0: i32, %arg1: i32) -> (i32, i32) {
    %c0_i32 = arith.constant 0 : i32
    %c0_i32_0 = arith.constant 0 : i32
    %c0_i32_1 = arith.constant 0 : i32
    return %c0_i32, %c0_i32_0 : i32, i32
  }
  func.func @transform_6(%arg0: i32, %arg1: i32) -> (i32, i32) {
    %c0_i32 = arith.constant 0 : i32
    %c0_i32_0 = arith.constant 0 : i32
    %c0_i32_1 = arith.constant 0 : i32
    return %c0_i32, %c0_i32_0 : i32, i32
  }
  func.func @transform_7(%arg0: i32, %arg1: i32) -> (i32, i32, i32) {
    %c0_i32 = arith.constant 0 : i32
    %c0_i32_0 = arith.constant 0 : i32
    return %arg0, %c0_i32, %arg1 : i32, i32, i32
  }
  func.func @transform_8(%arg0: i32, %arg1: i32) -> (i32, i32) {
    %c0_i32 = arith.constant 0 : i32
    %c0_i32_0 = arith.constant 0 : i32
    %c0_i32_1 = arith.constant 0 : i32
    return %c0_i32, %c0_i32_0 : i32, i32
  }
  func.func @transform_9(%arg0: i32, %arg1: i32) -> (i32, i32) {
    %c0_i32 = arith.constant 0 : i32
    %c0_i32_0 = arith.constant 0 : i32
    %c0_i32_1 = arith.constant 0 : i32
    return %c0_i32, %c0_i32_0 : i32, i32
  }
}

module attributes {stable_mosaic.version = 14 : i64} {
  func.func @_bn_out_kernel(%arg0: i32, %arg1: i32, %arg2: memref<1x512x2048xbf16, #tpu.memory_space<vmem>>, %arg3: memref<512x1xf32, #tpu.memory_space<vmem>>, %arg4: memref<512x1xf32, #tpu.memory_space<vmem>>, %arg5: memref<512x1xf32, #tpu.memory_space<vmem>>, %arg6: memref<512x1xf32, #tpu.memory_space<vmem>>, %arg7: memref<1x512x2048xf32, #tpu.memory_space<vmem>>) attributes {dimension_semantics = [#tpu.dimension_semantics<arbitrary>, #tpu.dimension_semantics<arbitrary>], iteration_bounds = array<i64: 16, 2>, scalar_prefetch = 0 : i64, scratch_operands = 0 : i64, tpu.core_type = #tpu.core_type<tc>, window_params = [{transform_indices = @transform_0, window_bounds = array<i64: 1, 512, 2048>}, {pipeline_mode = #tpu.pipeline_mode<synchronous>, transform_indices = @transform_1, window_bounds = array<i64: 512, 1>}, {pipeline_mode = #tpu.pipeline_mode<synchronous>, transform_indices = @transform_2, window_bounds = array<i64: 512, 1>}, {pipeline_mode = #tpu.pipeline_mode<synchronous>, transform_indices = @transform_3, window_bounds = array<i64: 512, 1>}, {pipeline_mode = #tpu.pipeline_mode<synchronous>, transform_indices = @transform_4, window_bounds = array<i64: 512, 1>}, {transform_indices = @transform_5, window_bounds = array<i64: 1, 512, 2048>}]} {
    %get3A = arith.constant 0 : index
    %get3A_0 = arith.constant 0 : index
    %get3A_1 = vector.load %arg3[%get3A, %get3A_0] : memref<512x1xf32, #tpu.memory_space<vmem>>, vector<512x1xf32>
    %div3A = arith.constant 6.553600e+04 : f32
    %div3A_2 = vector.broadcast %div3A : f32 to vector<512x1xf32>
    %div3A_3 = arith.divf %get3A_1, %div3A_2 : vector<512x1xf32>
    %get3A_4 = arith.constant 0 : index
    %get3A_5 = arith.constant 0 : index
    %get3A_6 = vector.load %arg4[%get3A_4, %get3A_5] : memref<512x1xf32, #tpu.memory_space<vmem>>, vector<512x1xf32>
    %div3A_7 = arith.constant 6.553600e+04 : f32
    %div3A_8 = vector.broadcast %div3A_7 : f32 to vector<512x1xf32>
    %div3A_9 = arith.divf %get3A_6, %div3A_8 : vector<512x1xf32>
    %mul3A = arith.mulf %div3A_3, %div3A_3 : vector<512x1xf32>
    %sub3A = arith.subf %div3A_9, %mul3A : vector<512x1xf32>
    %add3A = arith.constant 9.99999974E-6 : f32
    %add3A_10 = vector.broadcast %add3A : f32 to vector<512x1xf32>
    %add3A_11 = arith.addf %sub3A, %add3A_10 : vector<512x1xf32>
    %rsqrt3A = math.rsqrt %add3A_11 : vector<512x1xf32>
    %get3A_12 = arith.constant 0 : index
    %get3A_13 = arith.constant 0 : index
    %get3A_14 = vector.load %arg5[%get3A_12, %get3A_13] : memref<512x1xf32, #tpu.memory_space<vmem>>, vector<512x1xf32>
    %mul3A_15 = arith.mulf %get3A_14, %rsqrt3A : vector<512x1xf32>
    %get3A_16 = arith.constant 0 : index
    %get3A_17 = arith.constant 0 : index
    %get3A_18 = vector.load %arg6[%get3A_16, %get3A_17] : memref<512x1xf32, #tpu.memory_space<vmem>>, vector<512x1xf32>
    %mul3A_19 = arith.mulf %div3A_3, %mul3A_15 : vector<512x1xf32>
    %sub3A_20 = arith.subf %get3A_18, %mul3A_19 : vector<512x1xf32>
    %get3A_21 = arith.constant 0 : index
    %get3A_22 = arith.constant 0 : index
    %get3A_23 = arith.constant 0 : index
    %get3A_24 = vector.load %arg2[%get3A_21, %get3A_22, %get3A_23] : memref<1x512x2048xbf16, #tpu.memory_space<vmem>>, vector<1x512x2048xbf16>
    %get3A_25 = vector.shape_cast %get3A_24 : vector<1x512x2048xbf16> to vector<512x2048xbf16>
    %convert_element_type3A = arith.extf %get3A_25 : vector<512x2048xbf16> to vector<512x2048xf32>
    %mul3A_26 = vector.broadcast %mul3A_15 : vector<512x1xf32> to vector<512x2048xf32>
    %mul3A_27 = arith.mulf %convert_element_type3A, %mul3A_26 : vector<512x2048xf32>
    %add3A_28 = vector.broadcast %sub3A_20 : vector<512x1xf32> to vector<512x2048xf32>
    %add3A_29 = arith.addf %mul3A_27, %add3A_28 : vector<512x2048xf32>
    %max3A = arith.constant 0.000000e+00 : f32
    %max3A_30 = vector.broadcast %max3A : f32 to vector<512x2048xf32>
    %max3A_31 = arith.maximumf %add3A_29, %max3A_30 : vector<512x2048xf32>
    %swap3A = arith.constant 0 : index
    %swap3A_32 = arith.constant 0 : index
    %swap3A_33 = arith.constant 0 : index
    %swap3A_34 = vector.load %arg7[%swap3A, %swap3A_32, %swap3A_33] : memref<1x512x2048xf32, #tpu.memory_space<vmem>>, vector<1x512x2048xf32>
    %swap3A_35 = vector.shape_cast %swap3A_34 : vector<1x512x2048xf32> to vector<512x2048xf32>
    %swap3A_36 = vector.shape_cast %max3A_31 : vector<512x2048xf32> to vector<1x512x2048xf32>
    tpu.vector_store %arg7[%swap3A, %swap3A_32, %swap3A_33], %swap3A_36 {strides = array<i32>} : memref<1x512x2048xf32, #tpu.memory_space<vmem>>, vector<1x512x2048xf32>,
    return
  }
  func.func @transform_0(%arg0: i32, %arg1: i32) -> (i32, i32, i32) {
    %c0_i32 = arith.constant 0 : i32
    %c0_i32_0 = arith.constant 0 : i32
    return %arg0, %c0_i32, %arg1 : i32, i32, i32
  }
  func.func @transform_1(%arg0: i32, %arg1: i32) -> (i32, i32) {
    %c0_i32 = arith.constant 0 : i32
    %c0_i32_0 = arith.constant 0 : i32
    %c0_i32_1 = arith.constant 0 : i32
    return %c0_i32, %c0_i32_0 : i32, i32
  }
  func.func @transform_2(%arg0: i32, %arg1: i32) -> (i32, i32) {
    %c0_i32 = arith.constant 0 : i32
    %c0_i32_0 = arith.constant 0 : i32
    %c0_i32_1 = arith.constant 0 : i32
    return %c0_i32, %c0_i32_0 : i32, i32
  }
  func.func @transform_3(%arg0: i32, %arg1: i32) -> (i32, i32) {
    %c0_i32 = arith.constant 0 : i32
    %c0_i32_0 = arith.constant 0 : i32
    %c0_i32_1 = arith.constant 0 : i32
    return %c0_i32, %c0_i32_0 : i32, i32
  }
  func.func @transform_4(%arg0: i32, %arg1: i32) -> (i32, i32) {
    %c0_i32 = arith.constant 0 : i32
    %c0_i32_0 = arith.constant 0 : i32
    %c0_i32_1 = arith.constant 0 : i32
    return %c0_i32, %c0_i32_0 : i32, i32
  }
  func.func @transform_5(%arg0: i32, %arg1: i32) -> (i32, i32, i32) {
    %c0_i32 = arith.constant 0 : i32
    %c0_i32_0 = arith.constant 0 : i32
    return %arg0, %c0_i32, %arg1 : i32, i32, i32
  }
}

</mosaic_0001>

<sc_bundles>
// kernel: kernel.7.cloned.1.call-start
scs
__scs_entry_jumppad:
0x0: {  	(pc) =	sbr.rel $0x88, $3  }
0x1: {  	(tag) =	ssettag $0x0;
	lr =	simm.s32 $0x1  }
0x2: {  	[smem:$0x3F95] =	sst lr;
	_ =	strace $0xD0000000  }
0x3: {  	_ = 	snop  }
0x4: {  	_ = 	snop  }
0x5: {  	_ = 	snop  }
0x6: {  	_ = 	snop  }
0x7: {  	_ = 	snop  }
__scs_overlays_trampoline_lowered:
0x8: {  	[smem:$0x3FA4] =	sst s0  }
0x9: {  	[smem:$0x3FA5] =	sst s1  }
0xa: {  	[smem:$0x3FA6] =	sst s2  }
0xb: {  	[smem:$0x3FA7] =	sst s3  }
0xc: {  	[smem:$0x3FA8] =	sst s4  }
0xd: {  	[smem:$0x3FA9] =	sst s5  }
0xe: {  	[smem:$0x3FAA] =	sst s6  }
0xf: {  	[smem:$0x3FAB] =	sst s7  }
0x10: {  	[smem:$0x3FAC] =	sst s8  }
0x11: {  	[smem:$0x3FAD] =	sst s9;
	s0 =	simm.s32 @!p0 $0x0  }
0x12: {  	s1 =	sld [smem:$0x3F93];
	s0 =	simm.s32 @p0 $0x1  }
0x13: {  	[smem:$0x3FAE] =	sst s0;
	s0 =	simm.s32 @!p1 $0x0  }
0x14: {  	s2 =	sld [smem:$0x3F92];
	s0 =	simm.s32 @p1 $0x1  }
0x15: {  	[smem:$0x3FAF] =	sst s0;
	s0 =	simm.s32 @!p2 $0x0  }
0x16: {  	s3 =	sld [smem:$0x3FDB];
	s0 =	simm.s32 @p2 $0x1  }
0x17: {  	s4 =	simm.s32 $0x1BF5;
	[smem:$0x3FB1] =	sst s0  }
0x18: {  	s0 =	sld [smem:$0x3F94];
	_ =	swait.ge [sflag:s4], $0x0  }
0x19: {  	s7 =	sld [smem:$0x3F95]  }
0x1a: {  	s8 =	sadd.s32 $0xFFFFE003, lr  }
0x1b: {  	s9 =	sadd.s32 $0xFFFFFEF7, lr;
	s5 =	simm.s32 $0xFFFFFFFF;
	p2 =	slt.u32 s8, $0xFFFFF086  }
0x1c: {  	p1 =	slt.u32 s9, $0xF7A;
	s5 =	simm.s32 @!p2 $0x0  }
0x1d: {  	s5 =	simm.s32 @p1 $0x1;
	p0 =	seq.s32 s7, s2  }
0x1e: {  	s7 =	smul.u32 @!p0 $0xF7A, s2;
	p2 =	seq.s32 @!p0 s5, $0x0  }
0x1f: {  	s9 =	smul.u32 $0xF7A, s1;
	s8 =	simm.s32 @!p0 $0x1BF5;
	p2 =	por !p2, p0  }
0x20: {  	[sflag:s8] =	ssyncset.s32 @!p0 $0xFFFFF086;
	s6 =	sadd.s32 @!p0 s3, s7;
	s7 =	simm.s32 @!p0 $0x108  }
0x21: {  	s3 =	sadd.s32 s3, s9;
	s6 =	sadd.s32 @!p0 $0x88, s6;
	s7 =	simm.s32 @p2 $0x1082  }
0x22: {  	[simem:s7], [sflag:s8] =	dma.local @!p0 [hbm:s6], $0xF7A  }
0x23: {  	s9 =	sor.u32 $0xD0000000, s2;
	s6 =	simm.s32 $0x108;
	_ =	swait.ge @!p0 [sflag:s8], $0x0  }
0x24: {  	s3 =	sadd.s32 $0x88, s3;
	s6 =	simm.s32 @!p1 $0x1082;
	[sflag:s4] =	ssyncset.s32 $0xFFFFF086  }
0x25: {  	[simem:s6], [sflag:s4] =	dma.local [hbm:s3], $0xF7A  }
0x26: {  	[smem:$0x3F95] =	sst s1;
	(tag) =	ssettag s2;
	_ =	strace s9  }
0x27: {  	s1 =	sld [smem:$0x3FA5]  }
0x28: {  	s2 =	sld [smem:$0x3FA6]  }
0x29: {  	s4 =	sld [smem:$0x3FA8]  }
0x2a: {  	p0 =	seq.s32 s5, $0x0;
	s5 =	sld [smem:$0x3FA9]  }
0x2b: {  	s6 =	sld [smem:$0x3FAA]  }
0x2c: {  	s7 =	sld [smem:$0x3FAB]  }
0x2d: {  	s3 =	simm.s32 $0x108;
	s8 =	sld [smem:$0x3FAC]  }
0x2e: {  	s3 =	simm.s32 @!p0 $0x1082;
	s9 =	sld [smem:$0x3FAD]  }
0x2f: {  	lr =	sadd.s32 s0, s3;
	s0 =	sld [smem:$0x3FA4]  }
0x30: {  	s3 =	sld [smem:$0x3FA7]  }
0x31: {  	[smem:$0x3FB0] =	sst s10  }
0x32: {  	s10 =	sld [smem:$0x3FAE];
	_ =	sdelay $0x3  }
0x33: {  	p0 =	seq.s32 s10, $0x1;
	s10 =	sld [smem:$0x3FB0];
	_ =	sdelay $0x3  }
0x34: {  	[smem:$0x3FB0] =	sst s10  }
0x35: {  	s10 =	sld [smem:$0x3FAF];
	_ =	sdelay $0x3  }
0x36: {  	p1 =	seq.s32 s10, $0x1;
	s10 =	sld [smem:$0x3FB0];
	_ =	sdelay $0x3  }
0x37: {  	[smem:$0x3FB0] =	sst s10  }
0x38: {  	s10 =	sld [smem:$0x3FB1]  }
0x39: {  	_ = 	snop;
	(pc) =	sbr.ind lr, $3  }
0x3a: {  	_ = 	snop  }
0x3b: {  	_ = 	snop  }
0x3c: {  	p2 =	seq.s32 s10, $0x1;
	s10 =	sld [smem:$0x3FB0]  }
0x3d: {  	_ =	shalt  }
0x3e: {  	_ =	shalt  }
0x3f: {  	_ =	shalt  }
0x40: {  	_ =	shalt  }
0x41: {  	_ =	shalt  }
0x42: {  	_ =	shalt  }
0x43: {  	_ =	shalt  }
0x44: {  	_ =	shalt  }
0x45: {  	_ =	shalt  }
0x46: {  	_ =	shalt  }
0x47: {  	_ =	shalt  }
0x48: {  	_ =	shalt  }
0x49: {  	_ =	shalt  }
0x4a: {  	_ =	shalt  }
0x4b: {  	_ =	shalt  }
0x4c: {  	_ =	shalt  }
0x4d: {  	_ =	shalt  }
0x4e: {  	_ =	shalt  }
0x4f: {  	_ =	shalt  }
0x50: {  	_ =	shalt  }
0x51: {  	_ =	shalt  }
0x52: {  	_ =	shalt  }
0x53: {  	_ =	shalt  }
0x54: {  	_ =	shalt  }
0x55: {  	_ =	shalt  }
0x56: {  	_ =	shalt  }
0x57: {  	_ =	shalt  }
0x58: {  	_ =	shalt  }
0x59: {  	_ =	shalt  }
0x5a: {  	_ =	shalt  }
0x5b: {  	_ =	shalt  }
0x5c: {  	_ =	shalt  }
0x5d: {  	_ =	shalt  }
0x5e: {  	_ =	shalt  }
0x5f: {  	_ =	shalt  }
0x60: {  	_ =	shalt  }
0x61: {  	_ =	shalt  }
0x62: {  	_ =	shalt  }
0x63: {  	_ =	shalt  }
0x64: {  	_ =	shalt  }
0x65: {  	_ =	shalt  }
0x66: {  	_ =	shalt  }
0x67: {  	_ =	shalt  }
0x68: {  	_ =	shalt  }
0x69: {  	_ =	shalt  }
0x6a: {  	_ =	shalt  }
0x6b: {  	_ =	shalt  }
0x6c: {  	_ =	shalt  }
0x6d: {  	_ =	shalt  }
0x6e: {  	_ =	shalt  }
0x6f: {  	_ =	shalt  }
0x70: {  	_ =	shalt  }
0x71: {  	_ =	shalt  }
0x72: {  	_ =	shalt  }
0x73: {  	_ =	shalt  }
0x74: {  	_ =	shalt  }
0x75: {  	_ =	shalt  }
0x76: {  	_ =	shalt  }
0x77: {  	_ =	shalt  }
0x78: {  	_ =	shalt  }
0x79: {  	_ =	shalt  }
0x7a: {  	_ =	shalt  }
0x7b: {  	_ =	shalt  }
0x7c: {  	_ =	shalt  }
0x7d: {  	_ =	shalt  }
0x7e: {  	_ =	shalt  }
0x7f: {  	_ =	shalt  }
0x80: {  	_ =	shalt  }
0x81: {  	_ =	shalt  }
0x82: {  	_ =	shalt  }
0x83: {  	_ =	shalt  }
0x84: {  	_ =	shalt  }
0x85: {  	_ =	shalt  }
0x86: {  	_ =	shalt  }
0x87: {  	_ =	shalt  }
.Lfunc_end0:
.L_simem_size_0:
called_computation.1_lowered:
.L_overlay_start_0:
0x88: {  	s2 =	sld [smem:$0x3FD9]  }
0x89: {  	s3 =	sld [smem:$0x3FFE];
	_ =	sdelay $0x1  }
0x8a: {  	s1 =	srdreg.scid  }
0x8b: {  	s0 =	sand.u32 $0x1, s1  }
0x8c: {  	s14 =	sshll.u32 s0, $0xA;
	s2 =	sadd.s32 s3, s2  }
0x8d: {  	s2 =	sadd.s32 s2, s14  }
0x8e: {  	[smem:$0x3FBC] =	sst s2  }
0x8f: {  	_ = 	snop  }
0x90: {  	s2 =	sld [smem:$0x3FD0];
	_ =	sdelay $0x2  }
0x91: {  	s15 =	simm.s32 $0xA;
	s4 =	simm.s32 $0x10  }
0x92: {  	[smem:s4], [sflag:s15] =	dma.local [hbm:s2], $0x1  }
0x93: {  	_ =	swait.eq [sflag:s15], $0x1  }
0x94: {  	[sflag:s15] =	ssyncset.done $0x0  }
0x95: {  	s16 =	sld [smem:$0x10];
	[sflag:s15] =	ssyncadd.s32 $0xFFFFFFFF  }
0x96: {  	s17 =	sld [smem:$0x11];
	(tm) =	ssettm $0x1  }
0x97: {  	s18 =	sld [smem:$0x3FFB];
	_ =	sdelay $0x3  }
0x98: {  	_ =	strace s18  }
0x99: {  	s4 =	sld [smem:$0x3FFC];
	_ =	sdelay $0x3  }
0x9a: {  	_ =	strace s4  }
0x9b: {  	s4 =	sld [smem:$0x3FFD];
	_ =	sdelay $0x3  }
0x9c: {  	_ =	strace s4  }
0x9d: {  	_ =	strace $0x8FFFFFFF  }
0x9e: {  	s19 =	sld [smem:$0x3FDB];
	_ =	sdelay $0x1  }
0x9f: {  	s5 =	simm.s32 $_scs_section_size  }
0xa0: {  	s6 =	simm.s32 $_size__tile_overlayer_lowered;
	s7 =	simm.s32 $_tile_overlayer_lowered  }
0xa1: {  	s22 =	simm.s32 $0x1BFF;
	s21 =	sshll.u32 s7, $0x1;
	s4 =	sadd.s32 s5, s19  }
0xa2: {  	s8 =	simm.s32 $0x0;
	s20 =	sshll.u32 s6, $0x1;
	s6 =	sadd.s32 s21, s4  }
0xa3: {  	[timem:s8], [sflag:s22] =	dma.local [hbm:s6], s20  }
0xa4: {  	_ =	swait.ge [sflag:s22], s20  }
0xa5: {  	s5 =	ssub.s32 $0x0, s20;
	[sflag:s22] =	ssyncset.done $0x0  }
0xa6: {  	[sflag:s22] =	ssyncadd.s32 s5;
	_ =	sdelay $0x1  }
0xa7: {  	s23 =	simm.s32 $0x1B8B  }
0xa8: {  	_ =	swait.ge [sflag:s23], $0x1  }
0xa9: {  	[sflag:s23] =	ssyncset.done $0x0  }
0xaa: {  	s25 =	simm.s32 $0x1B8E;
	s24 =	sld [smem:$0x3FFE];
	[sflag:s23] =	ssyncadd.s32 $0xFFFFFFFF  }
0xab: {  	s26 =	simm.s32 $execute0_lowered;
	[smem:$0x3FD2] =	sst s25  }
0xac: {  	s6 =	sshll.u32 s26, $0x1;
	_ =	strace $0x80000049;
	[dreg:$0x1] =	wrdreg $0xFFFFFFFF  }
0xad: {  	s28 =	simm.s32 $_size_execute0_lowered;
	s4 =	sadd.s32 s4, s6;
	[dreg:$0x0] =	wrdreg $0x0  }
0xae: {  	s6 =	sshll.u32 s28, $0x1;
	[dreg:$0x2] =	wrdreg s4  }
0xaf: {  	[dreg:$0x3] =	wrdreg s6  }
0xb0: {  	[dreg:$0x4] =	wrdreg $0xC0  }
0xb1: {  	_ =	task [dreg:s8], $0x5FFFF  }
0xb2: {  	[dreg:$0x1] =	wrdreg $0xFFFFFFFF  }
0xb3: {  	[dreg:$0x0] =	wrdreg $0x60  }
0xb4: {  	[dreg:$0x2] =	wrdreg s24  }
0xb5: {  	[dreg:$0x3] =	wrdreg s16  }
0xb6: {  	[dreg:$0x4] =	wrdreg s17  }
0xb7: {  	[dreg:$0x5] =	wrdreg $0x9  }
0xb8: {  	_ =	task.clear_ibuf [dreg:s8], $0x6FFFF;
	_ =	strace $0x90000049  }
0xb9: {  	s29 =	simm.s32 $0x9;
	_ =	strace $0x8000004B  }
0xba: {  	_ =	swait.ge [sflag:s29], $0x1  }
0xbb: {  	[sflag:s29] =	ssyncadd.s32 $0xFFFFFFFF  }
0xbc: {  	_ =	strace $0x9000004B  }
0xbd: {  	_ =	sfence  }
0xbe: {  	s30 =	sld [smem:$0x0];
	_ =	sdelay $0x2  }
0xbf: {  	s31 =	sshll.u32 s1, $0xD;
	s1 =	sshrl.u32 s1, $0x2  }
0xc0: {  	s3 =	sand.u32 $0x4000, s31;
	s1 =	sadd.s32 s1, s30  }
0xc1: {  	s0 =	sor.u32 s3, s0;
	s1 =	sshll.u32 s1, $0x11  }
0xc2: {  	s0 =	sor.u32 s1, s0  }
0xc3: {  	s0 =	sadd.s32 $0x8F2B, s0  }
0xc4: {  	[sflag:s0] =	ssyncadd.remote.s32 $0x1  }
0xc5: {  	_ =	sfence.sel $0xFFFF  }
0xc6: {  	[dreg:$0x0] =	wrdreg $0xFFFFFFFF;
	(pc) =	sbr.abs _section_cstart, $3  }
0xc7: {  	[dreg:$0x1] =	wrdreg $0xFFFFFFFF  }
0xc8: {  	_ =	task.clear_ibuf [dreg:s8], $0x2FFFF;
	_ =	strace $0x9FFFFFFF  }
0xc9: {  	(tm) =	ssettm $0x7FFFFFFF  }
tec
execute0_lowered:
.L_overlay_start_1:
0x0: {  	(tag) =	ssettag $0x1  }
0x1: {  	s0 =	rddreg [dreg:$0x0]  }
0x2: {  	s1 =	simm.s32 $0x0;
	s30 =	srdreg.scid;
	s4 =	stileid.u32  }
0x3: {  	s10 =	simm.s32 $0x2;
	s12 =	simm.s32 $0x880;
	s13 =	simm.s32 $0x1080  }
0x4: {  	s14 =	simm.s32 $0x1880;
	s15 =	simm.s32 $0x2080;
	s16 =	simm.s32 $0x2880  }
0x5: {  	s17 =	simm.s32 $0x3080;
	s18 =	simm.s32 $0x3880;
	s19 =	simm.s32 $0x4080  }
0x6: {  	s20 =	simm.s32 $0x4880;
	s21 =	simm.s32 $0x5080;
	s22 =	simm.s32 $0x5880  }
0x7: {  	s23 =	simm.s32 $0x1;
	[smem:$0x7FF] =	sst s1;
	s1 =	sand.u32 $0x1, s30  }
0x8: {  	s24 =	simm.s32 $0x6080;
	s25 =	simm.s32 $0x7880;
	s2 =	ssub.s32 $0x2, s1  }
0x9: {  	s5 =	sadd.s32 $0x2400, s0;
	s6 =	sadd.s32 $0x302400, s0;
	s3 =	sshrl.u32 s2, $0x1  }
0xa: {  	v2 =	vlaneseq.u32;
	s4 =	sshll.u32 s4, $0xC;
	s8 =	sadd.s32 $0x2500, s0;
	s2 =	ssub.s32 s2, s3  }
0xb: {  	vm0 =	vmmov $0xffff;
	v1 =	vshrl.u32 v2, $0x3;
	_ =	strace $0x8000004A;
	s1 =	sshll.u32 s1, $0xB;
	s31 =	smax.u32 s2, $0x1  }
0xc: {  	v0 =	vand.u32 $0x7, v2;
	v2 =	vor.u32 $0x8, v2;
	v1 =	vmul.u32 $0x8, v1;
	s7 =	sor.u32 s1, s4;
	s1 =	simm.s32 $0x0;
	[dreg:$0x4] =	wrdreg s31  }
.LBB2_1:
0xd: {  	[dreg:$0x5] =	wrdreg s1;
	s28 =	simm.s32 $0x0  }
.LBB2_2:
0xe: {  	s0 =	sshll.u32 s28, $0x4  }
0xf: {  	s29 =	sadd.s32 s7, s0  }
0x10: {  	s0 =	smul.u32 $0x3, s29;
	_ =	sdelay $0x1  }
0x11: {  	s1 =	rddreg [dreg:$0x1];
	s0 =	sshrl.u32 s0, $0x3  }
0x12: {  	s30 =	simm.s32 $0x0;
	s0 =	sadd.s32 s1, s0  }
0x13: {  	[tilespmem:s30], [sflag:$0x2] =	stream.linear.gather [hbm4b:s0+s30], $0x30, $0x38;
	[tilespmem:$0x9880] =	vst v63  }
0x14: {  	_ =	swait.ge [sflag:s10], $0x30  }
0x15: {  	[sflag:s10] =	ssyncset.done $0x0  }
0x16: {  	[sflag:s10] =	ssyncadd.s32 $0xFFFFFFD0  }
0x17: {  	v3 =	vld [tilespmem:$0x0];
	_ =	sdelay $0x4  }
0x18: {  	v4 =	vshll.u32 v3, $0x2  }
0x19: {  	v3 =	vand.u32 $0x7, v3;
	v4 =	vand.u32 $0xFFFFFFE0, v4  }
0x1a: {  	v3 =	vor.u32 v3, v4  }
0x1b: {  	v4 =	vperm.xlane v3, v0;
	_ =	sdelay $0x1  }
0x1c: {  	v4 =	vadd.s32 v1, v4;
	_ =	sdelay $0x1  }
0x1d: {  	v3 =	vperm.xlane v3, v2;
	_ =	sdelay $0x1  }
0x1e: {  	s11 =	simm.s32 $0x80;
	v3 =	vadd.s32 v1, v3  }
0x1f: {  	[tilespmem:s11], [sflag:$0x1] =	stream.indirect_vreg.gather [hbm4b:s5+s30], $0x80, v4, vm0, $0xb8;
	[tilespmem:$0x9880] =	vst v63  }
0x20: {  	_ = 	snop  }
0x21: {  	[tilespmem:s12], [sflag:$0x1] =	stream.indirect_vreg.gather [hbm4b:s8+s30], $0x80, v4, vm0, $0xb8;
	[tilespmem:$0x9880] =	vst v63  }
0x22: {  	_ = 	snop  }
0x23: {  	[tilespmem:s13], [sflag:$0x1] =	stream.indirect_vreg.gather [hbm4b:s5+s30], $0x80, v3, vm0, $0xb8;
	[tilespmem:$0x9880] =	vst v63  }
0x24: {  	_ = 	snop  }
0x25: {  	[tilespmem:s14], [sflag:$0x1] =	stream.indirect_vreg.gather [hbm4b:s8+s30], $0x80, v3, vm0, $0xb8;
	[tilespmem:$0x9880] =	vst v63  }
0x26: {  	v3 =	vld [tilespmem:$0x10];
	_ =	sdelay $0x4  }
0x27: {  	v62 =	vshll.u32 v3, $0x2  }
0x28: {  	v3 =	vand.u32 $0x7, v3;
	v4 =	vand.u32 $0xFFFFFFE0, v62  }
0x29: {  	v3 =	vor.u32 v3, v4  }
0x2a: {  	v4 =	vperm.xlane v3, v0;
	_ =	sdelay $0x1  }
0x2b: {  	v4 =	vadd.s32 v1, v4;
	_ =	sdelay $0x1  }
0x2c: {  	v3 =	vperm.xlane v3, v2;
	_ =	sdelay $0x1  }
0x2d: {  	v3 =	vadd.s32 v1, v3  }
0x2e: {  	[tilespmem:s15], [sflag:$0x1] =	stream.indirect_vreg.gather [hbm4b:s5+s30], $0x80, v4, vm0, $0xb8;
	[tilespmem:$0x9880] =	vst v63  }
0x2f: {  	_ = 	snop  }
0x30: {  	[tilespmem:s16], [sflag:$0x1] =	stream.indirect_vreg.gather [hbm4b:s8+s30], $0x80, v4, vm0, $0xb8;
	[tilespmem:$0x9880] =	vst v63  }
0x31: {  	_ = 	snop  }
0x32: {  	[tilespmem:s17], [sflag:$0x1] =	stream.indirect_vreg.gather [hbm4b:s5+s30], $0x80, v3, vm0, $0xb8;
	[tilespmem:$0x9880] =	vst v63  }
0x33: {  	_ = 	snop  }
0x34: {  	[tilespmem:s18], [sflag:$0x1] =	stream.indirect_vreg.gather [hbm4b:s8+s30], $0x80, v3, vm0, $0xb8;
	[tilespmem:$0x9880] =	vst v63  }
0x35: {  	v3 =	vld [tilespmem:$0x20];
	_ =	sdelay $0x4  }
0x36: {  	v63 =	vshll.u32 v3, $0x2  }
0x37: {  	v3 =	vand.u32 $0x7, v3;
	v4 =	vand.u32 $0xFFFFFFE0, v63  }
0x38: {  	v3 =	vor.u32 v3, v4  }
0x39: {  	v4 =	vperm.xlane v3, v0;
	_ =	sdelay $0x1  }
0x3a: {  	v4 =	vadd.s32 v1, v4;
	_ =	sdelay $0x1  }
0x3b: {  	v3 =	vperm.xlane v3, v2;
	_ =	sdelay $0x1  }
0x3c: {  	v3 =	vadd.s32 v1, v3  }
0x3d: {  	[tilespmem:s19], [sflag:$0x1] =	stream.indirect_vreg.gather [hbm4b:s5+s30], $0x80, v4, vm0, $0xb8;
	[tilespmem:$0x9880] =	vst v63  }
0x3e: {  	_ = 	snop  }
0x3f: {  	[tilespmem:s20], [sflag:$0x1] =	stream.indirect_vreg.gather [hbm4b:s8+s30], $0x80, v4, vm0, $0xb8;
	[tilespmem:$0x9880] =	vst v63  }
0x40: {  	_ = 	snop  }
0x41: {  	[tilespmem:s21], [sflag:$0x1] =	stream.indirect_vreg.gather [hbm4b:s5+s30], $0x80, v3, vm0, $0xb8;
	[tilespmem:$0x9880] =	vst v63  }
0x42: {  	_ = 	snop  }
0x43: {  	[tilespmem:s22], [sflag:$0x1] =	stream.indirect_vreg.gather [hbm4b:s8+s30], $0x80, v3, vm0, $0xb8;
	[tilespmem:$0x9880] =	vst v63  }
0x44: {  	s26 =	smul.u32 $0x30, s29;
	_ =	swait.ge [sflag:s23], $0x6000  }
0x45: {  	[sflag:s23] =	ssyncset.done $0x0  }
0x46: {  	s0 =	sadd.s32 s6, s26;
	[sflag:s23] =	ssyncadd.s32 $0xFFFFA000  }
0x47: {  	[tilespmem:s24], [sflag:$0x2] =	stream.linear.gather [hbm4b:s0+s30], $0x1800, $0x38;
	[tilespmem:$0x9880] =	vst v63  }
0x48: {  	_ =	swait.ge [sflag:s10], $0x1800  }
0x49: {  	s31 =	simm.s32 $0x0;
	[sflag:s10] =	ssyncset.done $0x0  }
0x4a: {  	s4 =	simm.s32 $0x0;
	s0 =	simm.s32 $0x0;
	[sflag:s10] =	ssyncadd.s32 $0xFFFFE800  }
.LBB2_3:
0x4b: {  	s1 =	sand.u32 $0x7000, s4;
	s2 =	sand.u32 $0x380, s30;
	s9 =	sshra.s32 s4, $0x2  }
0x4c: {  	s3 =	sadd.s32 $0x80, s30;
	s26 =	sor.u32 s2, s1;
	s2 =	sadd.s32 $0x200, s4;
	v4 =	vld [tilespmem:s9+$0x6080]  }
0x4d: {  	v6 =	vld [tilespmem:s9+$0x6100];
	s1 =	sand.u32 $0xF000, s2;
	s2 =	sand.u32 $0x380, s3  }
0x4e: {  	s11 =	sadd.s32 $0x400, s4;
	v3 =	vld [tilespmem:s26+$0x80];
	s3 =	sadd.s32 $0x100, s30;
	s1 =	sor.u32 s2, s1  }
0x4f: {  	s2 =	sand.u32 $0xF000, s11;
	s3 =	sand.u32 $0x380, s3;
	v5 =	vld [tilespmem:s1+$0x80]  }
0x50: {  	v8 =	vld [tilespmem:s9+$0x6180];
	s2 =	sor.u32 s3, s2  }
0x51: {  	v7 =	vld [tilespmem:s2+$0x80];
	_ =	sdelay $0x2  }
0x52: {  	v3 =	vmul.f32 v4, v3;
	v53 =	vmul.f32 v6, v5;
	_ =	sdelay $0x1  }
0x53: {  	v54 =	vmul.f32 v8, v7;
	v3 =	vadd.f32 v53, v3;
	_ =	sdelay $0x1  }
0x54: {  	s11 =	sand.u32 $0x380, s0;
	s3 =	sand.u32 $0x1000, s31;
	v3 =	vadd.f32 v54, v3  }
0x55: {  	s3 =	sor.u32 s11, s3  }
0x56: {  	[tilespmem:s3+$0x7880] =	vst v3  }
0x57: {  	v3 =	vld [tilespmem:s26+$0x90]  }
0x58: {  	v55 =	vld [tilespmem:s9+$0x6080]  }
0x59: {  	v56 =	vld [tilespmem:s1+$0x90]  }
0x5a: {  	v57 =	vld [tilespmem:s9+$0x6100]  }
0x5b: {  	v58 =	vld [tilespmem:s2+$0x90]  }
0x5c: {  	v59 =	vld [tilespmem:s9+$0x6180];
	_ =	sdelay $0x2  }
0x5d: {  	v3 =	vmul.f32 v55, v3;
	v60 =	vmul.f32 v57, v56;
	_ =	sdelay $0x1  }
0x5e: {  	v61 =	vmul.f32 v59, v58;
	v3 =	vadd.f32 v60, v3;
	_ =	sdelay $0x1  }
0x5f: {  	v3 =	vadd.f32 v61, v3;
	_ =	sdelay $0x1  }
0x60: {  	[tilespmem:s3+$0x7890] =	vst v3  }
0x61: {  	v3 =	vld [tilespmem:s26+$0xA0]  }
0x62: {  	v62 =	vld [tilespmem:s9+$0x6080]  }
0x63: {  	v63 =	vld [tilespmem:s1+$0xA0]  }
0x64: {  	v12 =	vld [tilespmem:s9+$0x6100]  }
0x65: {  	v13 =	vld [tilespmem:s2+$0xA0]  }
0x66: {  	v14 =	vld [tilespmem:s9+$0x6180];
	_ =	sdelay $0x2  }
0x67: {  	v3 =	vmul.f32 v62, v3;
	v15 =	vmul.f32 v12, v63;
	_ =	sdelay $0x1  }
0x68: {  	v16 =	vmul.f32 v14, v13;
	v3 =	vadd.f32 v15, v3;
	_ =	sdelay $0x1  }
0x69: {  	v3 =	vadd.f32 v16, v3;
	_ =	sdelay $0x1  }
0x6a: {  	[tilespmem:s3+$0x78A0] =	vst v3  }
0x6b: {  	v3 =	vld [tilespmem:s26+$0xB0]  }
0x6c: {  	v17 =	vld [tilespmem:s9+$0x6080]  }
0x6d: {  	v18 =	vld [tilespmem:s1+$0xB0]  }
0x6e: {  	v19 =	vld [tilespmem:s9+$0x6100]  }
0x6f: {  	v20 =	vld [tilespmem:s2+$0xB0]  }
0x70: {  	v21 =	vld [tilespmem:s9+$0x6180];
	_ =	sdelay $0x2  }
0x71: {  	v3 =	vmul.f32 v17, v3;
	v22 =	vmul.f32 v19, v18;
	_ =	sdelay $0x1  }
0x72: {  	v23 =	vmul.f32 v21, v20;
	v3 =	vadd.f32 v22, v3;
	_ =	sdelay $0x1  }
0x73: {  	v3 =	vadd.f32 v23, v3;
	_ =	sdelay $0x1  }
0x74: {  	[tilespmem:s3+$0x78B0] =	vst v3  }
0x75: {  	v3 =	vld [tilespmem:s26+$0xC0]  }
0x76: {  	v24 =	vld [tilespmem:s9+$0x6080]  }
0x77: {  	v25 =	vld [tilespmem:s1+$0xC0]  }
0x78: {  	v26 =	vld [tilespmem:s9+$0x6100]  }
0x79: {  	v27 =	vld [tilespmem:s2+$0xC0]  }
0x7a: {  	v28 =	vld [tilespmem:s9+$0x6180];
	_ =	sdelay $0x2  }
0x7b: {  	v3 =	vmul.f32 v24, v3;
	v29 =	vmul.f32 v26, v25;
	_ =	sdelay $0x1  }
0x7c: {  	v30 =	vmul.f32 v28, v27;
	v3 =	vadd.f32 v29, v3;
	_ =	sdelay $0x1  }
0x7d: {  	v3 =	vadd.f32 v30, v3;
	_ =	sdelay $0x1  }
0x7e: {  	[tilespmem:s3+$0x78C0] =	vst v3  }
0x7f: {  	v3 =	vld [tilespmem:s26+$0xD0]  }
0x80: {  	v31 =	vld [tilespmem:s9+$0x6080]  }
0x81: {  	v32 =	vld [tilespmem:s1+$0xD0]  }
0x82: {  	v33 =	vld [tilespmem:s9+$0x6100]  }
0x83: {  	v34 =	vld [tilespmem:s2+$0xD0]  }
0x84: {  	v35 =	vld [tilespmem:s9+$0x6180];
	_ =	sdelay $0x2  }
0x85: {  	v3 =	vmul.f32 v31, v3;
	v36 =	vmul.f32 v33, v32;
	_ =	sdelay $0x1  }
0x86: {  	v37 =	vmul.f32 v35, v34;
	v3 =	vadd.f32 v36, v3;
	_ =	sdelay $0x1  }
0x87: {  	v3 =	vadd.f32 v37, v3;
	_ =	sdelay $0x1  }
0x88: {  	[tilespmem:s3+$0x78D0] =	vst v3  }
0x89: {  	v3 =	vld [tilespmem:s26+$0xE0]  }
0x8a: {  	v38 =	vld [tilespmem:s9+$0x6080]  }
0x8b: {  	v39 =	vld [tilespmem:s1+$0xE0]  }
0x8c: {  	v40 =	vld [tilespmem:s9+$0x6100]  }
0x8d: {  	v41 =	vld [tilespmem:s2+$0xE0]  }
0x8e: {  	v42 =	vld [tilespmem:s9+$0x6180];
	_ =	sdelay $0x2  }
0x8f: {  	v3 =	vmul.f32 v38, v3;
	v43 =	vmul.f32 v40, v39;
	_ =	sdelay $0x1  }
0x90: {  	v44 =	vmul.f32 v42, v41;
	v3 =	vadd.f32 v43, v3;
	_ =	sdelay $0x1  }
0x91: {  	v3 =	vadd.f32 v44, v3;
	_ =	sdelay $0x1  }
0x92: {  	[tilespmem:s3+$0x78E0] =	vst v3  }
0x93: {  	v3 =	vld [tilespmem:s26+$0xF0]  }
0x94: {  	v45 =	vld [tilespmem:s9+$0x6080]  }
0x95: {  	v46 =	vld [tilespmem:s1+$0xF0]  }
0x96: {  	v47 =	vld [tilespmem:s9+$0x6100]  }
0x97: {  	v48 =	vld [tilespmem:s2+$0xF0]  }
0x98: {  	v49 =	vld [tilespmem:s9+$0x6180];
	_ =	sdelay $0x2  }
0x99: {  	v3 =	vmul.f32 v45, v3;
	v50 =	vmul.f32 v47, v46;
	_ =	sdelay $0x1  }
0x9a: {  	v51 =	vmul.f32 v49, v48;
	v3 =	vadd.f32 v50, v3;
	_ =	sdelay $0x1  }
0x9b: {  	v3 =	vadd.f32 v51, v3;
	_ =	sdelay $0x1  }
0x9c: {  	[tilespmem:s3+$0x78F0] =	vst v3  }
0x9d: {  	v3 =	vld [tilespmem:s26+$0x480]  }
0x9e: {  	v52 =	vld [tilespmem:s9+$0x6080]  }
0x9f: {  	v53 =	vld [tilespmem:s1+$0x480]  }
0xa0: {  	v54 =	vld [tilespmem:s9+$0x6100]  }
0xa1: {  	v55 =	vld [tilespmem:s2+$0x480]  }
0xa2: {  	v56 =	vld [tilespmem:s9+$0x6180];
	_ =	sdelay $0x2  }
0xa3: {  	v3 =	vmul.f32 v52, v3;
	v57 =	vmul.f32 v54, v53;
	_ =	sdelay $0x1  }
0xa4: {  	v58 =	vmul.f32 v56, v55;
	v3 =	vadd.f32 v57, v3;
	_ =	sdelay $0x1  }
0xa5: {  	v3 =	vadd.f32 v58, v3;
	_ =	sdelay $0x1  }
0xa6: {  	[tilespmem:s3+$0x7C80] =	vst v3  }
0xa7: {  	v3 =	vld [tilespmem:s26+$0x490]  }
0xa8: {  	v59 =	vld [tilespmem:s9+$0x6080]  }
0xa9: {  	v60 =	vld [tilespmem:s1+$0x490]  }
0xaa: {  	v61 =	vld [tilespmem:s9+$0x6100]  }
0xab: {  	v62 =	vld [tilespmem:s2+$0x490]  }
0xac: {  	v63 =	vld [tilespmem:s9+$0x6180];
	_ =	sdelay $0x2  }
0xad: {  	v3 =	vmul.f32 v59, v3;
	v12 =	vmul.f32 v61, v60;
	_ =	sdelay $0x1  }
0xae: {  	v13 =	vmul.f32 v63, v62;
	v3 =	vadd.f32 v12, v3;
	_ =	sdelay $0x1  }
0xaf: {  	v3 =	vadd.f32 v13, v3;
	_ =	sdelay $0x1  }
0xb0: {  	[tilespmem:s3+$0x7C90] =	vst v3  }
0xb1: {  	v3 =	vld [tilespmem:s26+$0x4A0]  }
0xb2: {  	v14 =	vld [tilespmem:s9+$0x6080]  }
0xb3: {  	v15 =	vld [tilespmem:s1+$0x4A0]  }
0xb4: {  	v16 =	vld [tilespmem:s9+$0x6100]  }
0xb5: {  	v17 =	vld [tilespmem:s2+$0x4A0]  }
0xb6: {  	v18 =	vld [tilespmem:s9+$0x6180];
	_ =	sdelay $0x2  }
0xb7: {  	v3 =	vmul.f32 v14, v3;
	v19 =	vmul.f32 v16, v15;
	_ =	sdelay $0x1  }
0xb8: {  	v20 =	vmul.f32 v18, v17;
	v3 =	vadd.f32 v19, v3;
	_ =	sdelay $0x1  }
0xb9: {  	v3 =	vadd.f32 v20, v3;
	_ =	sdelay $0x1  }
0xba: {  	[tilespmem:s3+$0x7CA0] =	vst v3  }
0xbb: {  	v3 =	vld [tilespmem:s26+$0x4B0]  }
0xbc: {  	v21 =	vld [tilespmem:s9+$0x6080]  }
0xbd: {  	v22 =	vld [tilespmem:s1+$0x4B0]  }
0xbe: {  	v23 =	vld [tilespmem:s9+$0x6100]  }
0xbf: {  	v24 =	vld [tilespmem:s2+$0x4B0]  }
0xc0: {  	v25 =	vld [tilespmem:s9+$0x6180];
	_ =	sdelay $0x2  }
0xc1: {  	v3 =	vmul.f32 v21, v3;
	v26 =	vmul.f32 v23, v22;
	_ =	sdelay $0x1  }
0xc2: {  	v27 =	vmul.f32 v25, v24;
	v3 =	vadd.f32 v26, v3;
	_ =	sdelay $0x1  }
0xc3: {  	v3 =	vadd.f32 v27, v3;
	_ =	sdelay $0x1  }
0xc4: {  	[tilespmem:s3+$0x7CB0] =	vst v3  }
0xc5: {  	v3 =	vld [tilespmem:s26+$0x4C0]  }
0xc6: {  	v28 =	vld [tilespmem:s9+$0x6080]  }
0xc7: {  	v29 =	vld [tilespmem:s1+$0x4C0]  }
0xc8: {  	v30 =	vld [tilespmem:s9+$0x6100]  }
0xc9: {  	v31 =	vld [tilespmem:s2+$0x4C0]  }
0xca: {  	v32 =	vld [tilespmem:s9+$0x6180];
	_ =	sdelay $0x2  }
0xcb: {  	v3 =	vmul.f32 v28, v3;
	v33 =	vmul.f32 v30, v29;
	_ =	sdelay $0x1  }
0xcc: {  	v34 =	vmul.f32 v32, v31;
	v3 =	vadd.f32 v33, v3;
	_ =	sdelay $0x1  }
0xcd: {  	v3 =	vadd.f32 v34, v3;
	_ =	sdelay $0x1  }
0xce: {  	[tilespmem:s3+$0x7CC0] =	vst v3  }
0xcf: {  	v3 =	vld [tilespmem:s26+$0x4D0]  }
0xd0: {  	v35 =	vld [tilespmem:s9+$0x6080]  }
0xd1: {  	v36 =	vld [tilespmem:s1+$0x4D0]  }
0xd2: {  	v37 =	vld [tilespmem:s9+$0x6100]  }
0xd3: {  	v38 =	vld [tilespmem:s2+$0x4D0]  }
0xd4: {  	v39 =	vld [tilespmem:s9+$0x6180];
	_ =	sdelay $0x2  }
0xd5: {  	v3 =	vmul.f32 v35, v3;
	v40 =	vmul.f32 v37, v36;
	_ =	sdelay $0x1  }
0xd6: {  	v41 =	vmul.f32 v39, v38;
	v3 =	vadd.f32 v40, v3;
	_ =	sdelay $0x1  }
0xd7: {  	v3 =	vadd.f32 v41, v3;
	_ =	sdelay $0x1  }
0xd8: {  	[tilespmem:s3+$0x7CD0] =	vst v3  }
0xd9: {  	v3 =	vld [tilespmem:s26+$0x4E0]  }
0xda: {  	v42 =	vld [tilespmem:s9+$0x6080]  }
0xdb: {  	v43 =	vld [tilespmem:s1+$0x4E0]  }
0xdc: {  	v44 =	vld [tilespmem:s9+$0x6100]  }
0xdd: {  	v45 =	vld [tilespmem:s2+$0x4E0]  }
0xde: {  	v46 =	vld [tilespmem:s9+$0x6180];
	_ =	sdelay $0x2  }
0xdf: {  	v3 =	vmul.f32 v42, v3;
	v47 =	vmul.f32 v44, v43;
	_ =	sdelay $0x1  }
0xe0: {  	v48 =	vmul.f32 v46, v45;
	v3 =	vadd.f32 v47, v3;
	_ =	sdelay $0x1  }
0xe1: {  	v3 =	vadd.f32 v48, v3;
	_ =	sdelay $0x1  }
0xe2: {  	[tilespmem:s3+$0x7CE0] =	vst v3  }
0xe3: {  	v3 =	vld [tilespmem:s26+$0x4F0]  }
0xe4: {  	v49 =	vld [tilespmem:s9+$0x6080]  }
0xe5: {  	v50 =	vld [tilespmem:s1+$0x4F0]  }
0xe6: {  	v51 =	vld [tilespmem:s9+$0x6100]  }
0xe7: {  	v52 =	vld [tilespmem:s2+$0x4F0]  }
0xe8: {  	v53 =	vld [tilespmem:s9+$0x6180];
	_ =	sdelay $0x2  }
0xe9: {  	v3 =	vmul.f32 v49, v3;
	v54 =	vmul.f32 v51, v50;
	_ =	sdelay $0x1  }
0xea: {  	v55 =	vmul.f32 v53, v52;
	v3 =	vadd.f32 v54, v3;
	_ =	sdelay $0x1  }
0xeb: {  	v3 =	vadd.f32 v55, v3;
	_ =	sdelay $0x1  }
0xec: {  	[tilespmem:s3+$0x7CF0] =	vst v3  }
0xed: {  	v3 =	vld [tilespmem:s26+$0x880]  }
0xee: {  	v56 =	vld [tilespmem:s9+$0x6080]  }
0xef: {  	v57 =	vld [tilespmem:s1+$0x880]  }
0xf0: {  	v58 =	vld [tilespmem:s9+$0x6100]  }
0xf1: {  	v59 =	vld [tilespmem:s2+$0x880]  }
0xf2: {  	v60 =	vld [tilespmem:s9+$0x6180];
	_ =	sdelay $0x2  }
0xf3: {  	v3 =	vmul.f32 v56, v3;
	v61 =	vmul.f32 v58, v57;
	_ =	sdelay $0x1  }
0xf4: {  	v62 =	vmul.f32 v60, v59;
	v3 =	vadd.f32 v61, v3;
	_ =	sdelay $0x1  }
0xf5: {  	v3 =	vadd.f32 v62, v3;
	_ =	sdelay $0x1  }
0xf6: {  	[tilespmem:s3+$0x8080] =	vst v3  }
0xf7: {  	v3 =	vld [tilespmem:s26+$0x890]  }
0xf8: {  	v63 =	vld [tilespmem:s9+$0x6080]  }
0xf9: {  	v12 =	vld [tilespmem:s1+$0x890]  }
0xfa: {  	v13 =	vld [tilespmem:s9+$0x6100]  }
0xfb: {  	v14 =	vld [tilespmem:s2+$0x890]  }
0xfc: {  	v15 =	vld [tilespmem:s9+$0x6180];
	_ =	sdelay $0x2  }
0xfd: {  	v3 =	vmul.f32 v63, v3;
	v16 =	vmul.f32 v13, v12;
	_ =	sdelay $0x1  }
0xfe: {  	v17 =	vmul.f32 v15, v14;
	v3 =	vadd.f32 v16, v3;
	_ =	sdelay $0x1  }
0xff: {  	v3 =	vadd.f32 v17, v3;
	_ =	sdelay $0x1  }
0x100: {  	[tilespmem:s3+$0x8090] =	vst v3  }
0x101: {  	v3 =	vld [tilespmem:s26+$0x8A0]  }
0x102: {  	v18 =	vld [tilespmem:s9+$0x6080]  }
0x103: {  	v19 =	vld [tilespmem:s1+$0x8A0]  }
0x104: {  	v20 =	vld [tilespmem:s9+$0x6100]  }
0x105: {  	v21 =	vld [tilespmem:s2+$0x8A0]  }
0x106: {  	v22 =	vld [tilespmem:s9+$0x6180];
	_ =	sdelay $0x2  }
0x107: {  	v3 =	vmul.f32 v18, v3;
	v23 =	vmul.f32 v20, v19;
	_ =	sdelay $0x1  }
0x108: {  	v24 =	vmul.f32 v22, v21;
	v3 =	vadd.f32 v23, v3;
	_ =	sdelay $0x1  }
0x109: {  	v3 =	vadd.f32 v24, v3;
	_ =	sdelay $0x1  }
0x10a: {  	[tilespmem:s3+$0x80A0] =	vst v3  }
0x10b: {  	v3 =	vld [tilespmem:s26+$0x8B0]  }
0x10c: {  	v25 =	vld [tilespmem:s9+$0x6080]  }
0x10d: {  	v26 =	vld [tilespmem:s1+$0x8B0]  }
0x10e: {  	v27 =	vld [tilespmem:s9+$0x6100]  }
0x10f: {  	v28 =	vld [tilespmem:s2+$0x8B0]  }
0x110: {  	v29 =	vld [tilespmem:s9+$0x6180];
	_ =	sdelay $0x2  }
0x111: {  	v3 =	vmul.f32 v25, v3;
	v30 =	vmul.f32 v27, v26;
	_ =	sdelay $0x1  }
0x112: {  	v31 =	vmul.f32 v29, v28;
	v3 =	vadd.f32 v30, v3;
	_ =	sdelay $0x1  }
0x113: {  	v3 =	vadd.f32 v31, v3;
	_ =	sdelay $0x1  }
0x114: {  	[tilespmem:s3+$0x80B0] =	vst v3  }
0x115: {  	v3 =	vld [tilespmem:s26+$0x8C0]  }
0x116: {  	v32 =	vld [tilespmem:s9+$0x6080]  }
0x117: {  	v33 =	vld [tilespmem:s1+$0x8C0]  }
0x118: {  	v34 =	vld [tilespmem:s9+$0x6100]  }
0x119: {  	v35 =	vld [tilespmem:s2+$0x8C0]  }
0x11a: {  	v36 =	vld [tilespmem:s9+$0x6180];
	_ =	sdelay $0x2  }
0x11b: {  	v3 =	vmul.f32 v32, v3;
	v37 =	vmul.f32 v34, v33;
	_ =	sdelay $0x1  }
0x11c: {  	v38 =	vmul.f32 v36, v35;
	v3 =	vadd.f32 v37, v3;
	_ =	sdelay $0x1  }
0x11d: {  	v3 =	vadd.f32 v38, v3;
	_ =	sdelay $0x1  }
0x11e: {  	[tilespmem:s3+$0x80C0] =	vst v3  }
0x11f: {  	v3 =	vld [tilespmem:s26+$0x8D0]  }
0x120: {  	v39 =	vld [tilespmem:s9+$0x6080]  }
0x121: {  	v40 =	vld [tilespmem:s1+$0x8D0]  }
0x122: {  	v41 =	vld [tilespmem:s9+$0x6100]  }
0x123: {  	v42 =	vld [tilespmem:s2+$0x8D0]  }
0x124: {  	v43 =	vld [tilespmem:s9+$0x6180];
	_ =	sdelay $0x2  }
0x125: {  	v3 =	vmul.f32 v39, v3;
	v44 =	vmul.f32 v41, v40;
	_ =	sdelay $0x1  }
0x126: {  	v45 =	vmul.f32 v43, v42;
	v3 =	vadd.f32 v44, v3;
	_ =	sdelay $0x1  }
0x127: {  	v3 =	vadd.f32 v45, v3;
	_ =	sdelay $0x1  }
0x128: {  	[tilespmem:s3+$0x80D0] =	vst v3  }
0x129: {  	v3 =	vld [tilespmem:s26+$0x8E0]  }
0x12a: {  	v46 =	vld [tilespmem:s9+$0x6080]  }
0x12b: {  	v47 =	vld [tilespmem:s1+$0x8E0]  }
0x12c: {  	v48 =	vld [tilespmem:s9+$0x6100]  }
0x12d: {  	v49 =	vld [tilespmem:s2+$0x8E0]  }
0x12e: {  	v50 =	vld [tilespmem:s9+$0x6180];
	_ =	sdelay $0x2  }
0x12f: {  	v3 =	vmul.f32 v46, v3;
	v51 =	vmul.f32 v48, v47;
	_ =	sdelay $0x1  }
0x130: {  	v52 =	vmul.f32 v50, v49;
	v3 =	vadd.f32 v51, v3;
	_ =	sdelay $0x1  }
0x131: {  	v3 =	vadd.f32 v52, v3;
	_ =	sdelay $0x1  }
0x132: {  	[tilespmem:s3+$0x80E0] =	vst v3  }
0x133: {  	v3 =	vld [tilespmem:s26+$0x8F0]  }
0x134: {  	v53 =	vld [tilespmem:s9+$0x6080]  }
0x135: {  	v54 =	vld [tilespmem:s1+$0x8F0]  }
0x136: {  	v55 =	vld [tilespmem:s9+$0x6100]  }
0x137: {  	v56 =	vld [tilespmem:s2+$0x8F0]  }
0x138: {  	v57 =	vld [tilespmem:s9+$0x6180];
	_ =	sdelay $0x2  }
0x139: {  	v3 =	vmul.f32 v53, v3;
	v58 =	vmul.f32 v55, v54;
	_ =	sdelay $0x1  }
0x13a: {  	v59 =	vmul.f32 v57, v56;
	v3 =	vadd.f32 v58, v3;
	_ =	sdelay $0x1  }
0x13b: {  	v3 =	vadd.f32 v59, v3;
	_ =	sdelay $0x1  }
0x13c: {  	[tilespmem:s3+$0x80F0] =	vst v3  }
0x13d: {  	v3 =	vld [tilespmem:s26+$0xC80]  }
0x13e: {  	v60 =	vld [tilespmem:s9+$0x6080]  }
0x13f: {  	v61 =	vld [tilespmem:s1+$0xC80]  }
0x140: {  	v62 =	vld [tilespmem:s9+$0x6100]  }
0x141: {  	v63 =	vld [tilespmem:s2+$0xC80]  }
0x142: {  	v12 =	vld [tilespmem:s9+$0x6180];
	_ =	sdelay $0x2  }
0x143: {  	v3 =	vmul.f32 v60, v3;
	v13 =	vmul.f32 v62, v61;
	_ =	sdelay $0x1  }
0x144: {  	v14 =	vmul.f32 v12, v63;
	v3 =	vadd.f32 v13, v3;
	_ =	sdelay $0x1  }
0x145: {  	v3 =	vadd.f32 v14, v3;
	_ =	sdelay $0x1  }
0x146: {  	[tilespmem:s3+$0x8480] =	vst v3  }
0x147: {  	v3 =	vld [tilespmem:s26+$0xC90]  }
0x148: {  	v15 =	vld [tilespmem:s9+$0x6080]  }
0x149: {  	v16 =	vld [tilespmem:s1+$0xC90]  }
0x14a: {  	v17 =	vld [tilespmem:s9+$0x6100]  }
0x14b: {  	v18 =	vld [tilespmem:s2+$0xC90]  }
0x14c: {  	v19 =	vld [tilespmem:s9+$0x6180];
	_ =	sdelay $0x2  }
0x14d: {  	v3 =	vmul.f32 v15, v3;
	v20 =	vmul.f32 v17, v16;
	_ =	sdelay $0x1  }
0x14e: {  	v21 =	vmul.f32 v19, v18;
	v3 =	vadd.f32 v20, v3;
	_ =	sdelay $0x1  }
0x14f: {  	v3 =	vadd.f32 v21, v3;
	_ =	sdelay $0x1  }
0x150: {  	[tilespmem:s3+$0x8490] =	vst v3  }
0x151: {  	v3 =	vld [tilespmem:s26+$0xCA0]  }
0x152: {  	v22 =	vld [tilespmem:s9+$0x6080]  }
0x153: {  	v23 =	vld [tilespmem:s1+$0xCA0]  }
0x154: {  	v24 =	vld [tilespmem:s9+$0x6100]  }
0x155: {  	v25 =	vld [tilespmem:s2+$0xCA0]  }
0x156: {  	v26 =	vld [tilespmem:s9+$0x6180];
	_ =	sdelay $0x2  }
0x157: {  	v3 =	vmul.f32 v22, v3;
	v27 =	vmul.f32 v24, v23;
	_ =	sdelay $0x1  }
0x158: {  	v28 =	vmul.f32 v26, v25;
	v3 =	vadd.f32 v27, v3;
	_ =	sdelay $0x1  }
0x159: {  	v3 =	vadd.f32 v28, v3;
	_ =	sdelay $0x1  }
0x15a: {  	[tilespmem:s3+$0x84A0] =	vst v3  }
0x15b: {  	v3 =	vld [tilespmem:s26+$0xCB0]  }
0x15c: {  	v29 =	vld [tilespmem:s9+$0x6080]  }
0x15d: {  	v30 =	vld [tilespmem:s1+$0xCB0]  }
0x15e: {  	v31 =	vld [tilespmem:s9+$0x6100]  }
0x15f: {  	v32 =	vld [tilespmem:s2+$0xCB0]  }
0x160: {  	v33 =	vld [tilespmem:s9+$0x6180];
	_ =	sdelay $0x2  }
0x161: {  	v3 =	vmul.f32 v29, v3;
	v34 =	vmul.f32 v31, v30;
	_ =	sdelay $0x1  }
0x162: {  	v35 =	vmul.f32 v33, v32;
	v3 =	vadd.f32 v34, v3;
	_ =	sdelay $0x1  }
0x163: {  	v3 =	vadd.f32 v35, v3;
	_ =	sdelay $0x1  }
0x164: {  	[tilespmem:s3+$0x84B0] =	vst v3  }
0x165: {  	v3 =	vld [tilespmem:s26+$0xCC0]  }
0x166: {  	v36 =	vld [tilespmem:s9+$0x6080]  }
0x167: {  	v37 =	vld [tilespmem:s1+$0xCC0]  }
0x168: {  	v38 =	vld [tilespmem:s9+$0x6100]  }
0x169: {  	v39 =	vld [tilespmem:s2+$0xCC0]  }
0x16a: {  	v40 =	vld [tilespmem:s9+$0x6180];
	_ =	sdelay $0x2  }
0x16b: {  	v3 =	vmul.f32 v36, v3;
	v41 =	vmul.f32 v38, v37;
	_ =	sdelay $0x1  }
0x16c: {  	v42 =	vmul.f32 v40, v39;
	v3 =	vadd.f32 v41, v3;
	_ =	sdelay $0x1  }
0x16d: {  	v3 =	vadd.f32 v42, v3;
	_ =	sdelay $0x1  }
0x16e: {  	[tilespmem:s3+$0x84C0] =	vst v3  }
0x16f: {  	v3 =	vld [tilespmem:s26+$0xCD0]  }
0x170: {  	v43 =	vld [tilespmem:s9+$0x6080]  }
0x171: {  	v44 =	vld [tilespmem:s1+$0xCD0]  }
0x172: {  	v45 =	vld [tilespmem:s9+$0x6100]  }
0x173: {  	v46 =	vld [tilespmem:s2+$0xCD0]  }
0x174: {  	v47 =	vld [tilespmem:s9+$0x6180];
	_ =	sdelay $0x2  }
0x175: {  	v3 =	vmul.f32 v43, v3;
	v48 =	vmul.f32 v45, v44;
	_ =	sdelay $0x1  }
0x176: {  	v49 =	vmul.f32 v47, v46;
	v3 =	vadd.f32 v48, v3;
	_ =	sdelay $0x1  }
0x177: {  	v3 =	vadd.f32 v49, v3;
	_ =	sdelay $0x1  }
0x178: {  	[tilespmem:s3+$0x84D0] =	vst v3  }
0x179: {  	v3 =	vld [tilespmem:s26+$0xCE0]  }
0x17a: {  	v50 =	vld [tilespmem:s9+$0x6080]  }
0x17b: {  	v51 =	vld [tilespmem:s1+$0xCE0]  }
0x17c: {  	v52 =	vld [tilespmem:s9+$0x6100]  }
0x17d: {  	v53 =	vld [tilespmem:s2+$0xCE0]  }
0x17e: {  	v54 =	vld [tilespmem:s9+$0x6180];
	_ =	sdelay $0x2  }
0x17f: {  	v3 =	vmul.f32 v50, v3;
	v55 =	vmul.f32 v52, v51;
	_ =	sdelay $0x1  }
0x180: {  	v56 =	vmul.f32 v54, v53;
	v3 =	vadd.f32 v55, v3;
	_ =	sdelay $0x1  }
0x181: {  	v3 =	vadd.f32 v56, v3;
	_ =	sdelay $0x1  }
0x182: {  	[tilespmem:s3+$0x84E0] =	vst v3  }
0x183: {  	v3 =	vld [tilespmem:s26+$0xCF0]  }
0x184: {  	v57 =	vld [tilespmem:s9+$0x6080]  }
0x185: {  	v58 =	vld [tilespmem:s1+$0xCF0]  }
0x186: {  	v59 =	vld [tilespmem:s9+$0x6100]  }
0x187: {  	v60 =	vld [tilespmem:s2+$0xCF0]  }
0x188: {  	v61 =	vld [tilespmem:s9+$0x6180];
	_ =	sdelay $0x2  }
0x189: {  	v3 =	vmul.f32 v57, v3;
	v62 =	vmul.f32 v59, v58  }
0x18a: {  	p0 =	sne.s32 s4, $0x5A00  }
.Ltmp0:
0x18b: {  	v63 =	vmul.f32 v61, v60;
	v3 =	vadd.f32 v62, v3;
	(pc) =	sbr.rel @p0 .LBB2_3-.Ltmp0, $4  }
0x18c: {  	_ = 	snop  }
0x18d: {  	v3 =	vadd.f32 v63, v3  }
0x18e: {  	s4 =	sadd.s32 $0x600, s4  }
0x18f: {  	s30 =	sadd.s32 $0x180, s30;
	s0 =	sadd.s32 $0x80, s0;
	s31 =	sadd.s32 $0x200, s31;
	[tilespmem:s3+$0x84F0] =	vst v3  }
0x190: {  	s28 =	sadd.s32 $0x1, s28  }
0x191: {  	s0 =	sshll.u32 s29, $0x6;
	s1 =	rddreg [dreg:$0x2];
	p0 =	sne.s32 s28, $0x80  }
.Ltmp1:
0x192: {  	s31 =	simm.s32 $0x0;
	s0 =	sadd.s32 s1, s0;
	(pc) =	sbr.rel @p0 .LBB2_2-.Ltmp1, $4  }
0x193: {  	[hbm4b:s0+s31] =	stream.linear.scatter [tilespmem:s25], [sflag:$0x2], $0x2000, $0x38;
	[tilespmem:$0x9880] =	vst v63  }
0x194: {  	_ =	swait.ge [sflag:s10], $0x2000  }
0x195: {  	[sflag:s10] =	ssyncset.done $0x0  }
0x196: {  	[sflag:s10] =	ssyncadd.s32 $0xFFFFE000  }
0x197: {  	s1 =	rddreg [dreg:$0x5]  }
0x198: {  	s0 =	rddreg [dreg:$0x4];
	s1 =	sadd.s32 $0x1, s1  }
0x199: {  	p0 =	sne.s32 s1, s0  }
.Ltmp2:
0x19a: {  	_ = 	snop;
	(pc) =	sbr.rel @p0 .LBB2_1-.Ltmp2, $1  }
0x19b: {  	_ =	sdelay $0x3  }
0x19c: {  	_ =	sfence.sel $0x180000  }
0x19d: {  	[bflag:$0x0] =	sbarrier.arrive $0xFFFF  }
0x19e: {  	_ =	strace $0x9000004A  }
0x19f: {  	s0 =	stileid.u32;
	[bflag:$0x2] =	sbarrier.arrive $0xFFFF  }
0x1a0: {  	p0 =	sne.s32 s0, $0x0;
	s0 =	rddreg [dreg:$0x3]  }
0x1a1: {  	s0 =	sadd.s32 @!p0 $0x100000, s0  }
0x1a2: {  	[sflag:s0] =	ssyncadd.tile.s32 @!p0 $0x1;
	_ =	shalt  }
.Lfunc_end2:
_tile_overlayer_lowered:
.L_overlay_start_2:
0x1a3: {  	(tag) =	ssettag $0x2  }
0x1a4: {  	s0 =	rddreg [dreg:$0x0];
	s2 =	stileid.u32  }
0x1a5: {  	s1 =	rddreg [dreg:$0x1];
	p0 =	sne.s32 s2, $0x0  }
0x1a6: {  	s3 =	rddreg [dreg:$0x2];
	[bflag:$0x3] =	sbarrier.arrive $0xFFFF;
	s2 =	simm.s32 @!p0 $0x1C02  }
0x1a7: {  	[timem:s3], [sflag:s2] =	dma.local @!p0 [hbm:s0], s1  }
0x1a8: {  	s0 =	simm.s32 @!p0 $0x2  }
0x1a9: {  	_ =	swait.ge @!p0 [sflag:s0], s1  }
0x1aa: {  	s1 =	ssub.s32 @!p0 $0x0, s1;
	[sflag:s0] =	ssyncset.done @!p0 $0x0  }
0x1ab: {  	[sflag:s0] =	ssyncadd.s32 @!p0 s1  }
0x1ac: {  	[bflag:$0x3] =	sbarrier.arrive $0xFFFF  }
0x1ad: {  	_ =	shalt  }

// kernel: sparse-core-data-format-call.cloned.1.call-start
scs
called_computation_lowered:
.L_overlay_start_0:
0x0: {  	s2 =	sld [smem:$0x3FD9]  }
0x1: {  	s3 =	sld [smem:$0x3FFE];
	_ =	sdelay $0x1  }
0x2: {  	s1 =	srdreg.scid  }
0x3: {  	s0 =	sand.u32 $0x1, s1  }
0x4: {  	s18 =	sshll.u32 s0, $0xA;
	s2 =	sadd.s32 s3, s2  }
0x5: {  	s2 =	sadd.s32 s2, s18  }
0x6: {  	[smem:$0x3FBC] =	sst s2  }
0x7: {  	_ = 	snop  }
0x8: {  	s2 =	sld [smem:$0x3FC7];
	(tm) =	ssettm $0x1  }
0x9: {  	s19 =	sld [smem:$0x3FFB];
	_ =	sdelay $0x3  }
0xa: {  	_ =	strace s19  }
0xb: {  	s3 =	sld [smem:$0x3FFC];
	_ =	sdelay $0x3  }
0xc: {  	_ =	strace s3  }
0xd: {  	s3 =	sld [smem:$0x3FFD];
	_ =	sdelay $0x3  }
0xe: {  	_ =	strace s3  }
0xf: {  	_ =	strace $0x8FFFFFFF  }
0x10: {  	s20 =	sld [smem:$0x3FDB];
	_ =	sdelay $0x1  }
0x11: {  	s4 =	simm.s32 $_scs_section_size  }
0x12: {  	s5 =	simm.s32 $_size__tile_overlayer_lowered;
	s6 =	simm.s32 $_tile_overlayer_lowered  }
0x13: {  	s23 =	simm.s32 $0x1BFF;
	s22 =	sshll.u32 s6, $0x1;
	s3 =	sadd.s32 s4, s20  }
0x14: {  	s7 =	simm.s32 $0x0;
	s21 =	sshll.u32 s5, $0x1;
	s5 =	sadd.s32 s22, s3  }
0x15: {  	[timem:s7], [sflag:s23] =	dma.local [hbm:s5], s21  }
0x16: {  	_ =	swait.ge [sflag:s23], s21  }
0x17: {  	s4 =	ssub.s32 $0x0, s21;
	[sflag:s23] =	ssyncset.done $0x0  }
0x18: {  	[sflag:s23] =	ssyncadd.s32 s4;
	_ =	sdelay $0x1  }
0x19: {  	s24 =	simm.s32 $0x1B8B  }
0x1a: {  	_ =	swait.ge [sflag:s24], $0x1  }
0x1b: {  	[sflag:s24] =	ssyncset.done $0x0  }
0x1c: {  	s26 =	simm.s32 $0x1B8E;
	s25 =	sld [smem:$0x3FFE];
	[sflag:s24] =	ssyncadd.s32 $0xFFFFFFFF  }
0x1d: {  	s27 =	simm.s32 $execute0_lowered;
	[smem:$0x3FD2] =	sst s26  }
0x1e: {  	s5 =	sshll.u32 s27, $0x1;
	_ =	strace $0x80000046;
	[dreg:$0x1] =	wrdreg $0xFFFFFFFF  }
0x1f: {  	s28 =	simm.s32 $_size_execute0_lowered;
	s3 =	sadd.s32 s3, s5;
	[dreg:$0x0] =	wrdreg $0x0  }
0x20: {  	s5 =	sshll.u32 s28, $0x1;
	[dreg:$0x2] =	wrdreg s3  }
0x21: {  	[dreg:$0x3] =	wrdreg s5  }
0x22: {  	[dreg:$0x4] =	wrdreg $0xC0  }
0x23: {  	_ =	task [dreg:s7], $0x5FFFF  }
0x24: {  	[dreg:$0x1] =	wrdreg $0xFFFFFFFF  }
0x25: {  	[dreg:$0x0] =	wrdreg $0x60  }
0x26: {  	[dreg:$0x2] =	wrdreg s2  }
0x27: {  	[dreg:$0x3] =	wrdreg s25  }
0x28: {  	[dreg:$0x4] =	wrdreg $0x9  }
0x29: {  	_ =	task.clear_ibuf [dreg:s7], $0x5FFFF;
	_ =	strace $0x90000046  }
0x2a: {  	s29 =	simm.s32 $0x9;
	_ =	strace $0x80000048  }
0x2b: {  	_ =	swait.ge [sflag:s29], $0x1  }
0x2c: {  	[sflag:s29] =	ssyncadd.s32 $0xFFFFFFFF  }
0x2d: {  	_ =	strace $0x90000048  }
0x2e: {  	_ =	sfence  }
0x2f: {  	s30 =	sld [smem:$0x0];
	_ =	sdelay $0x2  }
0x30: {  	s31 =	sshll.u32 s1, $0xD;
	s1 =	sshrl.u32 s1, $0x2  }
0x31: {  	s3 =	sand.u32 $0x4000, s31;
	s1 =	sadd.s32 s1, s30  }
0x32: {  	s0 =	sor.u32 s3, s0;
	s1 =	sshll.u32 s1, $0x11  }
0x33: {  	s0 =	sor.u32 s1, s0  }
0x34: {  	s0 =	sadd.s32 $0x8F2B, s0  }
0x35: {  	[sflag:s0] =	ssyncadd.remote.s32 $0x1  }
0x36: {  	_ =	sfence.sel $0xFFFF  }
0x37: {  	[dreg:$0x0] =	wrdreg $0xFFFFFFFF;
	(pc) =	sbr.abs _section_cstart, $3  }
0x38: {  	[dreg:$0x1] =	wrdreg $0xFFFFFFFF  }
0x39: {  	_ =	task.clear_ibuf [dreg:s7], $0x2FFFF;
	_ =	strace $0x9FFFFFFF  }
0x3a: {  	(tm) =	ssettm $0x7FFFFFFF  }
0x3b: {  	_ =	shalt  }
tec
execute0_lowered:
.L_overlay_start_1:
0x0: {  	(tag) =	ssettag $0x1  }
0x1: {  	s1 =	rddreg [dreg:$0x0]  }
0x2: {  	s0 =	srdreg.scid;
	s3 =	rddreg [dreg:$0x1]  }
0x3: {  	s5 =	simm.s32 $0x1;
	s7 =	simm.s32 $0x2;
	s15 =	simm.s32 $0x0  }
0x4: {  	p0 =	por $0x0, $0x0;
	s8 =	simm.s32 $0x1000;
	s0 =	sshll.u32 s0, $0x7  }
0x5: {  	s13 =	simm.s32 $0x0;
	s14 =	simm.s32 $0x0;
	s2 =	sand.u32 $0x80, s0  }
0x6: {  	s9 =	simm.s32 $0x0;
	s11 =	stileid.u32;
	s6 =	ssub.s32 $0x200, s2  }
.Ltmp0:
0x7: {  	s12 =	simm.s32 $0x0;
	s31 =	sshrl.u32 s6, $0x7;
	(pc) =	sbr.rel .LBB1_1-.Ltmp0, $4  }
0x8: {  	s4 =	sadd.s32 $0x2400, s3;
	s6 =	sshrl.u32 s6, $0x8;
	s3 =	sand.u32 $0x1, s31  }
0x9: {  	s0 =	rddreg [dreg:$0x2];
	_ =	strace $0x80000047;
	s6 =	sadd.s32 s6, s3  }
0xa: {  	[sflag:s5] =	ssyncpa.u1 $0x0;
	s10 =	smov.u32 s2;
	s6 =	sshll.u32 s6, $0x3  }
0xb: {  	[sflag:s7] =	ssyncpa.u1 $0x0;
	s3 =	stileid.u32;
	s7 =	sor.u32 $0x1, s6  }
.LBB1_4:
0xc: {  	v5 =	vld [tilespmem:s18+$0xFFFFFFD0];
	[tilespmem:s19+$0x2040 ss:$0x81] =	vst.msk $0xffff, v1  }
0xd: {  	v58 =	vld [tilespmem:s18+$0xFFFFFFE0];
	[tilespmem:s19+$0x2850 ss:$0x81] =	vst.msk $0xffff, v2  }
0xe: {  	s20 =	sshra.s32 s20, $0x2;
	v59 =	vld [tilespmem:s18+$0xFFFFFFF0];
	[tilespmem:s19+$0x3060 ss:$0x81] =	vst.msk $0xffff, v3  }
0xf: {  	v60 =	vld [tilespmem:s18+$0x0];
	[tilespmem:s19+$0x0 ss:$0x81] =	vst.msk $0xffff, v0;
	s17 =	sadd.s32 s20, s17  }
0x10: {  	v61 =	vld [tilespmem:s18+$0x10];
	s25 =	sshll.u32 s15, $0x9;
	[tilespmem:s17+$0x3870 ss:$0x81] =	vst.msk $0xffff, v4  }
0x11: {  	s26 =	sshll.u32 s13, $0x3;
	v62 =	vld [tilespmem:s18+$0x20];
	s27 =	sshll.u32 s15, $0x7;
	s30 =	sand.u32 $0x78, s13;
	[tilespmem:s17+$0x810 ss:$0x81] =	vst.msk $0xffff, v5  }
0x12: {  	v63 =	vld [tilespmem:s18+$0xFFFFFFC0];
	s14 =	sshll.u32 s14, $0x10;
	s19 =	sand.u32 $0x7F000, s25;
	s20 =	sand.u32 $0x7FC00, s26;
	[tilespmem:s17+$0x1020 ss:$0x81] =	vst.msk $0xffff, v58  }
0x13: {  	s29 =	sand.u32 $0x200, s27;
	s15 =	sand.u32 $0x180, s27;
	s28 =	sadd.s32 s20, s19;
	[tilespmem:s17+$0x1830 ss:$0x81] =	vst.msk $0xffff, v59  }
0x14: {  	s31 =	sand.u32 $0x7, s13;
	s15 =	sor.u32 s30, s15;
	s18 =	sor.u32 s29, s28;
	[tilespmem:s17+$0x2040 ss:$0x81] =	vst.msk $0xffff, v60  }
0x15: {  	s14 =	sadd.s32 s4, s14;
	s15 =	sshrl.u32 s15, $0x3;
	s18 =	sshrl.u32 s18, $0x3;
	[tilespmem:s17+$0x2850 ss:$0x81] =	vst.msk $0xffff, v61  }
0x16: {  	s13 =	sshll.u32 s31, $0x12;
	s14 =	sadd.s32 s15, s14;
	[tilespmem:s17+$0x3060 ss:$0x81] =	vst.msk $0xffff, v62;
	s18 =	sand.u32 $0xFFC0, s18  }
0x17: {  	s13 =	sor.u32 $0x400, s13;
	[tilespmem:s17+$0x0 ss:$0x81] =	vst.msk $0xffff, v63;
	s14 =	sadd.s32 s18, s14  }
0x18: {  	[hbm4b:s14+s13] =	stream.strided.scatter [tilespmem:s16], [sflag:$0x2], $0x4000, s8, s13, $0x20;
	[tilespmem:$0x10100] =	vst v63  }
.LBB1_5:
0x19: {  	s16 =	sadd.s32 $0x80, s9  }
0x1a: {  	s13 =	sadd.s32 $0x100, s10;
	s17 =	smov.u32 s10;
	p2 =	sgt.s32 s16, $0x3FF  }
0x1b: {  	s17 =	smov.u32 @p2 s13  }
0x1c: {  	s19 =	smov.u32 s11;
	s13 =	sadd.s32 $0x10, s11;
	p3 =	sgt.s32 s17, $0x1FF  }
0x1d: {  	s19 =	smov.u32 @p3 s13  }
0x1e: {  	s16 =	simm.s32 @p2 $0x0;
	p2 =	sgt.s32 s19, $0xF  }
0x1f: {  	p1 =	slt.u32 s12, $0x2;
	s19 =	smov.u32 @p2 s3;
	p2 =	sne.s32 s12, s7  }
.Ltmp1:
0x20: {  	s18 =	simm.s32 @!p1 $0x2;
	(pc) =	sbr.rel @!p2 .LBB1_6-.Ltmp1, $4  }
0x21: {  	s15 =	smov.u32 s9;
	s14 =	smov.u32 s11;
	_ =	swait.ge @!p1 [sflag:s18], $0x4000  }
0x22: {  	p0 =	por !p0, !p0;
	[sflag:s18] =	ssyncset.done @!p1 $0x0;
	s9 =	smov.u32 s16  }
0x23: {  	s17 =	smov.u32 @p3 s2;
	s13 =	smov.u32 s10;
	[sflag:s18] =	ssyncadd.s32 @!p1 $0xFFFFC000  }
0x24: {  	s10 =	smov.u32 s17;
	s12 =	sadd.s32 $0x1, s12;
	s11 =	smov.u32 s19  }
.LBB1_1:
0x25: {  	p1 =	sge.u32 s12, s6  }
0x26: {  	s31 =	sadd.s32 $0xFFFFFFFF, s12;
	s16 =	sshll.u32 @!p1 s10, $0x7  }
0x27: {  	s17 =	sxor.u32 @!p1 $0xFFFFFFFF, s12;
	s18 =	sand.u32 @!p1 $0x78, s9;
	s19 =	sand.u32 @!p1 $0x380, s16  }
0x28: {  	s17 =	sshll.u32 @!p1 s17, $0xE;
	s18 =	sor.u32 @!p1 s18, s19;
	s19 =	sshll.u32 @!p1 s11, $0x10  }
0x29: {  	s16 =	sand.u32 @!p1 $0xFC00, s16;
	s18 =	sshrl.u32 @!p1 s18, $0x3;
	s19 =	sadd.s32 @!p1 s1, s19  }
0x2a: {  	s16 =	sadd.s32 @!p1 s9, s16;
	s18 =	sadd.s32 @!p1 s18, s19;
	s19 =	sand.u32 @!p1 $0x7, s9  }
0x2b: {  	s17 =	sand.u32 @!p1 $0x4000, s17;
	s16 =	sand.u32 @!p1 $0xFF80, s16;
	s19 =	sshll.u32 @!p1 s19, $0x12  }
0x2c: {  	s16 =	sadd.s32 @!p1 s16, s18;
	s18 =	sor.u32 @!p1 $0x400, s19;
	s19 =	simm.s32 @!p1 $0x2000  }
0x2d: {  	[tilespmem:s17], [sflag:$0x1] =	stream.strided.gather @!p1 [hbm4b:s16+s18], $0x4000, s19, s18, $0x38;
	[tilespmem:$0x10100] =	vst v63  }
0x2e: {  	p1 =	sge.u32 s31, s6  }
.Ltmp2:
0x2f: {  	_ = 	snop;
	(pc) =	sbr.rel @p1 .LBB1_5-.Ltmp2, $1  }
0x30: {  	_ =	sdelay $0x3  }
0x31: {  	s16 =	simm.s32 $0x1  }
0x32: {  	_ =	swait.ge [sflag:s5], $0x4000;
	s16 =	simm.s32 @!p0 $0x0  }
0x33: {  	[sflag:s5] =	ssyncset.done $0x0;
	s17 =	sshll.u32 s16, $0xE  }
0x34: {  	[sflag:s5] =	ssyncadd.s32 $0xFFFFC000;
	s18 =	sor.u32 $0x40, s17  }
0x35: {  	s16 =	smul.u32 $0x10200, s16;
	v0 =	vld [tilespmem:s18+$0x30]  }
0x36: {  	v3 =	vld [tilespmem:s18+$0xFFFFFFD0]  }
0x37: {  	s16 =	sshrl.u32 s16, $0x2;
	v4 =	vld [tilespmem:s18+$0xFFFFFFE0]  }
0x38: {  	v5 =	vld [tilespmem:s18+$0xFFFFFFF0];
	s17 =	sor.u32 $0x8000, s16  }
0x39: {  	s31 =	sand.u32 $0x1, s12;
	v1 =	vld [tilespmem:s18+$0x0];
	s19 =	sadd.s32 $0x0, s17  }
0x3a: {  	v2 =	vld [tilespmem:s18+$0x10];
	s16 =	smul.u32 $0x10200, s31;
	[tilespmem:s19+$0x3870 ss:$0x81] =	vst.msk $0xffff, v0  }
0x3b: {  	[tilespmem:s19+$0x810 ss:$0x81] =	vst.msk $0xffff, v3;
	v3 =	vld [tilespmem:s18+$0x20]  }
0x3c: {  	s16 =	sshrl.u32 s16, $0x2;
	v0 =	vld [tilespmem:s18+$0xFFFFFFC0];
	[tilespmem:s19+$0x1020 ss:$0x81] =	vst.msk $0xffff, v4;
	s18 =	sadd.s32 $0x80, s18  }
0x3d: {  	s20 =	simm.s32 $0x4;
	s21 =	simm.s32 $0x8;
	s16 =	sor.u32 $0x8000, s16;
	[tilespmem:s19+$0x1830 ss:$0x81] =	vst.msk $0xffff, v5;
	v4 =	vld [tilespmem:s18+$0x30]  }
.LBB1_3:
0x3e: {  	p1 =	sne.s32 s21, $0x1FC;
	v5 =	vld [tilespmem:s18+$0xFFFFFFD0];
	[tilespmem:s19+$0x2040 ss:$0x81] =	vst.msk $0xffff, v1  }
0x3f: {  	v6 =	vld [tilespmem:s18+$0xFFFFFFE0];
	[tilespmem:s19+$0x2850 ss:$0x81] =	vst.msk $0xffff, v2  }
0x40: {  	s22 =	sshra.s32 s20, $0x2;
	s20 =	smov.u32 s21;
	v7 =	vld [tilespmem:s18+$0xFFFFFFF0];
	[tilespmem:s19+$0x3060 ss:$0x81] =	vst.msk $0xffff, v3  }
.Ltmp3:
0x41: {  	v1 =	vld [tilespmem:s18+$0x0];
	[tilespmem:s19+$0x0 ss:$0x81] =	vst.msk $0xffff, v0;
	s19 =	sadd.s32 s22, s17;
	(pc) =	sbr.rel @p1 .LBB1_3-.Ltmp3, $4  }
0x42: {  	v2 =	vld [tilespmem:s18+$0x10];
	[tilespmem:s19+$0x3870 ss:$0x81] =	vst.msk $0xffff, v4  }
0x43: {  	[tilespmem:s19+$0x810 ss:$0x81] =	vst.msk $0xffff, v5;
	v3 =	vld [tilespmem:s18+$0x20]  }
0x44: {  	v0 =	vld [tilespmem:s18+$0xFFFFFFC0];
	[tilespmem:s19+$0x1020 ss:$0x81] =	vst.msk $0xffff, v6;
	s18 =	sadd.s32 $0x80, s18  }
0x45: {  	s21 =	sadd.s32 $0x4, s21;
	v4 =	vld [tilespmem:s18+$0x30];
	[tilespmem:s19+$0x1830 ss:$0x81] =	vst.msk $0xffff, v7  }
.Ltmp4:
0x46: {  	_ = 	snop;
	(pc) =	sbr.rel .LBB1_4-.Ltmp4, $1  }
0x47: {  	_ =	sdelay $0x3  }
.LBB1_6:
0x48: {  	_ =	sfence.sel $0x180000  }
0x49: {  	s1 =	simm.s32 $0x1;
	[bflag:$0x0] =	sbarrier.arrive $0xFFFF  }
0x4a: {  	s31 =	simm.s32 $0x2;
	[sflag:s1] =	ssyncpa.u1 $0x1  }
0x4b: {  	[sflag:s31] =	ssyncpa.u1 $0x1  }
0x4c: {  	p0 =	sne.s32 s3, $0x0;
	_ =	strace $0x90000047  }
0x4d: {  	s0 =	sadd.s32 @!p0 $0x100000, s0;
	[bflag:$0x2] =	sbarrier.arrive $0xFFFF  }
0x4e: {  	[sflag:s0] =	ssyncadd.tile.s32 @!p0 $0x1;
	_ =	shalt  }
.Lfunc_end1:
_tile_overlayer_lowered:
.L_overlay_start_2:
0x4f: {  	(tag) =	ssettag $0x2  }
0x50: {  	s0 =	rddreg [dreg:$0x0];
	s2 =	stileid.u32  }
0x51: {  	s1 =	rddreg [dreg:$0x1];
	p0 =	sne.s32 s2, $0x0  }
0x52: {  	s3 =	rddreg [dreg:$0x2];
	[bflag:$0x3] =	sbarrier.arrive $0xFFFF;
	s2 =	simm.s32 @!p0 $0x1C01  }
0x53: {  	[timem:s3], [sflag:s2] =	dma.local @!p0 [hbm:s0], s1  }
0x54: {  	s0 =	simm.s32 @!p0 $0x1  }
0x55: {  	_ =	swait.ge @!p0 [sflag:s0], s1  }
0x56: {  	s1 =	ssub.s32 @!p0 $0x0, s1;
	[sflag:s0] =	ssyncset.done @!p0 $0x0  }
0x57: {  	[sflag:s0] =	ssyncadd.s32 @!p0 s1  }
0x58: {  	[bflag:$0x3] =	sbarrier.arrive $0xFFFF  }
0x59: {  	_ =	shalt  }

</sc_bundles>
